<compile_context>
chip_gen: v7x
topology: tpu7x:2x2x1
jax: 0.10.2.dev20260603
libtpu: 0.0.44.dev20260713+nightly
codegen_flags: <defaults>
</compile_context>

<pallas_src>
import jax
import jax.numpy as jnp
from jax import lax
from jax.experimental import pallas as pl
from jax.experimental.pallas import tpu as pltpu
from jax.experimental.pallas import tpu_sc as plsc

NU = 25000
NI = 25000
N = NU + NI
D = 64
E = 800000
N_LAYERS = 3

NC = 2
NS = 16
NW = NC * NS
PASSES = D // NW

BLK = 128
CH_ROWS = 50
E_PAD = 819200
NROWS = E_PAD // BLK
NCHUNKS = NROWS // CH_ROWS


def _prop_body(tableT, sd2d, w2d, out1, out2, out3,
               bufa, bufb, sd0, sd1, w0, w1, sem0, sem1):
    c = lax.axis_index("c")
    s = lax.axis_index("s")
    wid = s * NC + c
    sdbufs = (sd0, sd1)
    wbufs = (w0, w1)
    sems = (sem0, sem1)
    zero16 = jnp.zeros((16,), jnp.float32)
    sh16 = jnp.full((16,), 16, jnp.int32)
    m16 = jnp.full((16,), 0xFFFF, jnp.int32)
    outs = (out1, out2, out3)

    for p in range(PASSES):
        col = wid + NW * p
        pltpu.sync_copy(tableT.at[col], bufa)
        gbuf, abuf = bufa, bufb

        for layer in range(N_LAYERS):
            @pl.loop(0, N // 16)
            def _(i):
                abuf[pl.ds(i * 16, 16)] = zero16

            pltpu.async_copy(sd2d.at[pl.ds(0, CH_ROWS * 4)], sd0, sem0)
            pltpu.async_copy(w2d.at[pl.ds(0, CH_ROWS * 4)], w0, sem0)

            @pl.loop(0, NCHUNKS, step=2)
            def _(k2):
                for par in range(2):
                    k = k2 + par
                    sdb, wb, sm = sdbufs[par], wbufs[par], sems[par]
                    nsdb, nwb, nsm = (sdbufs[1 - par], wbufs[1 - par],
                                      sems[1 - par])

                    @pl.when(k + 1 < NCHUNKS)
                    def _():
                        row0 = (k + 1) * CH_ROWS * 4
                        pltpu.async_copy(
                            sd2d.at[pl.ds(row0, CH_ROWS * 4)], nsdb, nsm)
                        pltpu.async_copy(
                            w2d.at[pl.ds(row0, CH_ROWS * 4)], nwb, nsm)

                    pltpu.make_async_copy(
                        sd2d.at[pl.ds(0, CH_ROWS * 4)], sdb, sm).wait()
                    pltpu.make_async_copy(
                        w2d.at[pl.ds(0, CH_ROWS * 4)], wb, sm).wait()

                    @plsc.parallel_loop(0, CH_ROWS * (BLK // 32))
                    def _(r):
                        for v in range(2):
                            sdv = sdb[r, pl.ds(v * 16, 16)]
                            wv = wb[r, pl.ds(v * 16, 16)]
                            srcv = sdv & m16
                            dstv = lax.shift_right_logical(sdv, sh16)
                            g = plsc.load_gather(gbuf, [srcv])
                            plsc.addupdate_scatter(abuf, [dstv], g * wv)

            pltpu.sync_copy(abuf, outs[layer].at[col])
            gbuf, abuf = abuf, gbuf


_SDS = jax.ShapeDtypeStruct((D, N), jnp.float32)
_prop = pl.kernel(
    _prop_body,
    out_type=(_SDS, _SDS, _SDS),
    mesh=plsc.VectorSubcoreMesh(core_axis_name="c", subcore_axis_name="s"),
    compiler_params=pltpu.CompilerParams(use_tc_tiling_on_sc=False,
                                         needs_layout_passes=False),
    scratch_types=[
        pltpu.VMEM((N,), jnp.float32),
        pltpu.VMEM((N,), jnp.float32),
        pltpu.VMEM((CH_ROWS * (BLK // 32), 32), jnp.int32),
        pltpu.VMEM((CH_ROWS * (BLK // 32), 32), jnp.int32),
        pltpu.VMEM((CH_ROWS * (BLK // 32), 32), jnp.float32),
        pltpu.VMEM((CH_ROWS * (BLK // 32), 32), jnp.float32),
        pltpu.SemaphoreType.DMA,
        pltpu.SemaphoreType.DMA,
    ],
)


def _mean_body(a, b, c, d, o):
    o[...] = (a[...] + b[...] + c[...] + d[...]) * 0.25


def _mean4(e0, e1, e2, e3):
    spec = pl.BlockSpec((D // 4, N), lambda i: (i, 0))
    return pl.pallas_call(
        _mean_body,
        grid=(4,),
        in_specs=[spec] * 4,
        out_specs=spec,
        out_shape=jax.ShapeDtypeStruct((D, N), jnp.float32),
    )(e0, e1, e2, e3)


def kernel(user_emb, item_emb, edge_index, edge_weight):
    embT0 = jnp.concatenate([user_emb, item_emb], axis=0).T

    pad = E_PAD - E
    src = jnp.concatenate([edge_index[0], jnp.zeros((pad,), jnp.int32)])
    dst = jnp.concatenate([edge_index[1], jnp.zeros((pad,), jnp.int32)])
    sd = (src | (dst << 16)).reshape(NROWS * (BLK // 32), 32)
    w = jnp.concatenate(
        [edge_weight, jnp.zeros((pad,), jnp.float32)]).reshape(
            NROWS * (BLK // 32), 32)

    e1, e2, e3 = _prop(embT0, sd, w)
    light_out = _mean4(embT0, e1, e2, e3).T
    return light_out[:NU], light_out[NU:]

# --- scband reference (transcript-rebuilt; emitter-appended) ---
"""Pipeline reference for scband-sgl-ed-15779709846049 (READ-ONLY COPY).

The authoritative reference and input builder live on the scoring server;
editing this copy changes nothing except your own understanding.
"""

import jax, jax.numpy as jnp
import numpy as np

NUM_USERS = 25000
NUM_ITEMS = 25000
N = NUM_USERS + NUM_ITEMS
E = 800000
D = 64
N_LAYERS = 3


def setup_inputs(seed: int = 0) -> dict:
    key = jax.random.key(seed)
    k1, k2, k3, k4 = jax.random.split(key, 4)
    user_emb = jax.random.normal(k1, (NUM_USERS, D), dtype=jnp.float32) * 0.1
    item_emb = jax.random.normal(k2, (NUM_ITEMS, D), dtype=jnp.float32) * 0.1
    edge_index = jax.random.randint(k3, (2, E), 0, N, dtype=jnp.int32)
    edge_weight = jax.random.uniform(k4, (E,), dtype=jnp.float32)
    return {
        "user_emb": user_emb,
        "item_emb": item_emb,
        "edge_index": edge_index,
        "edge_weight": edge_weight,
    }


def reference(user_emb, item_emb, edge_index, edge_weight):
    # Faithful LightGCN 'computer()' of SGL-ED: sparse graph propagation
    # all_emb_{l+1} = A @ all_emb_l (A given as COO edge_index + edge_weight),
    # followed by mean over layer embeddings and user/item split.
    src = edge_index[0]
    dst = edge_index[1]
    all_emb = jnp.concatenate([user_emb, item_emb], axis=0)
    embs = [all_emb]
    for _ in range(N_LAYERS):
        msg = jnp.take(all_emb, src, axis=0) * edge_weight[:, None]
        all_emb = jax.ops.segment_sum(msg, dst, num_segments=N)
        embs.append(all_emb)
    embs = jnp.stack(embs, axis=1)
    light_out = jnp.mean(embs, axis=1)
    users = light_out[:NUM_USERS]
    items = light_out[NUM_USERS:]
    return users, items

if __name__ == "__main__":
    import jax
    _d = setup_inputs()
    print(jax.jit(kernel)(*tuple(_d.values())))

</pallas_src>

<mosaic_0001>
#map = affine_map<(d0, d1) -> (0, 0)>
module attributes {stable_mosaic.version = 14 : i64} {
  func.func @_prop_body(%arg0: i32, %arg1: i32, %arg2: memref<64x50000xf32, #tpu.memory_space<hbm>>, %arg3: memref<25600x32xi32, #tpu.memory_space<hbm>>, %arg4: memref<25600x32xf32, #tpu.memory_space<hbm>>, %arg5: memref<64x50000xf32, #tpu.memory_space<hbm>>, %arg6: memref<64x50000xf32, #tpu.memory_space<hbm>>, %arg7: memref<64x50000xf32, #tpu.memory_space<hbm>>, %arg8: memref<50000xf32, #tpu.memory_space<vmem>>, %arg9: memref<50000xf32, #tpu.memory_space<vmem>>, %arg10: memref<200x32xi32, #tpu.memory_space<vmem>>, %arg11: memref<200x32xi32, #tpu.memory_space<vmem>>, %arg12: memref<200x32xf32, #tpu.memory_space<vmem>>, %arg13: memref<200x32xf32, #tpu.memory_space<vmem>>, %arg14: memref<!tpu.dma_semaphore, #tpu.memory_space<semaphore_mem>>, %arg15: memref<!tpu.dma_semaphore, #tpu.memory_space<semaphore_mem>>) attributes {dimension_semantics = [#tpu.dimension_semantics<core_parallel>, #tpu.dimension_semantics<subcore_parallel>], iteration_bounds = array<i64: 2, 16>, scalar_prefetch = 0 : i64, scratch_operands = 8 : i64, tpu.core_type = #tpu.core_type<sc_vector_subcore>, window_params = [{transform_indices = #map}, {transform_indices = #map}, {transform_indices = #map}, {transform_indices = #map}, {transform_indices = #map}, {transform_indices = #map}]} {
    %mul3A = arith.constant 2 : i32
    %mul3A_0 = arith.muli %arg1, %mul3A : i32
    %add3A = arith.addi %mul3A_0, %arg0 : i32
    %broadcast_in_dim3A = arith.constant 0.000000e+00 : f32
    %broadcast_in_dim3A_1 = vector.broadcast %broadcast_in_dim3A : f32 to vector<16xf32>
    %broadcast_in_dim3A_2 = arith.constant 16 : i32
    %broadcast_in_dim3A_3 = vector.broadcast %broadcast_in_dim3A_2 : i32 to vector<16xi32>
    %broadcast_in_dim3A_4 = arith.constant 65535 : i32
    %broadcast_in_dim3A_5 = vector.broadcast %broadcast_in_dim3A_4 : i32 to vector<16xi32>
    %add3A_6 = arith.constant 0 : i32
    %add3A_7 = arith.addi %add3A, %add3A_6 : i32
    "tpu.region"() ({
      %run_scoped3A = tpu.sem_alloc : memref<!tpu.dma_semaphore, #tpu.memory_space<semaphore_mem>>
      %dma_start3A_140 = arith.constant 0 : i32
      %dma_start3A_141 = tpu.memref_slice %arg2[%add3A_7, %dma_start3A_140] : memref<64x50000xf32, #tpu.memory_space<hbm>> -> memref<1x50000xf32, #tpu.memory_space<hbm>>
      %dma_start3A_142 = tpu.memref_squeeze %dma_start3A_141 : memref<1x50000xf32, #tpu.memory_space<hbm>> -> memref<50000xf32, #tpu.memory_space<hbm>>
      %dma_start3A_143 = arith.constant 0 : i32
      %dma_start3A_144 = tpu.memref_slice %arg2[%add3A_7, %dma_start3A_143] : memref<64x50000xf32, #tpu.memory_space<hbm>> -> memref<1x50000xf32, #tpu.memory_space<hbm>>
      %dma_start3A_145 = tpu.memref_squeeze %dma_start3A_144 : memref<1x50000xf32, #tpu.memory_space<hbm>> -> memref<50000xf32, #tpu.memory_space<hbm>>
      tpu.enqueue_dma source(%dma_start3A_145 : memref<50000xf32, #tpu.memory_space<hbm>>) target(%arg8 : memref<50000xf32, #tpu.memory_space<vmem>>) target_semaphore(%run_scoped3A : memref<!tpu.dma_semaphore, #tpu.memory_space<semaphore_mem>>)
      %dma_wait3A = arith.constant 0 : i32
      %dma_wait3A_146 = tpu.memref_slice %arg2[%add3A_7, %dma_wait3A] : memref<64x50000xf32, #tpu.memory_space<hbm>> -> memref<1x50000xf32, #tpu.memory_space<hbm>>
      %dma_wait3A_147 = tpu.memref_squeeze %dma_wait3A_146 : memref<1x50000xf32, #tpu.memory_space<hbm>> -> memref<50000xf32, #tpu.memory_space<hbm>>
      %dma_wait3A_148 = arith.constant 0 : i32
      %dma_wait3A_149 = tpu.memref_slice %arg2[%add3A_7, %dma_wait3A_148] : memref<64x50000xf32, #tpu.memory_space<hbm>> -> memref<1x50000xf32, #tpu.memory_space<hbm>>
      %dma_wait3A_150 = tpu.memref_squeeze %dma_wait3A_149 : memref<1x50000xf32, #tpu.memory_space<hbm>> -> memref<50000xf32, #tpu.memory_space<hbm>>
      tpu.wait_dma2 semaphore(%run_scoped3A : memref<!tpu.dma_semaphore, #tpu.memory_space<semaphore_mem>>) src(%dma_wait3A_150 : memref<50000xf32, #tpu.memory_space<hbm>>) dst(%arg8 : memref<50000xf32, #tpu.memory_space<vmem>>)
      tpu.yield
    }) : () -> ()
    %scan3A = arith.constant 0 : i32
    %scan3A_8 = arith.constant 3125 : i32
    %scan3A_9 = arith.addi %scan3A, %scan3A_8 : i32
    %scan3A_10 = arith.constant 1 : i32
    scf.for %scan3A_140 = %scan3A to %scan3A_9 step %scan3A_10  : i32 {
      %mul3A_141 = arith.constant 1 : i32
      %mul3A_142 = arith.muli %scan3A_140, %mul3A_141 : i32
      %add3A_143 = arith.constant 0 : i32
      %add3A_144 = arith.addi %add3A_143, %mul3A_142 : i32
      %mul3A_145 = arith.constant 16 : i32
      %mul3A_146 = arith.muli %add3A_144, %mul3A_145 : i32
      %swap3A = arith.index_cast %mul3A_146 : i32 to index
      %swap3A_147 = tpu.vector_load %arg9[%swap3A] {strides = array<i32>} : memref<50000xf32, #tpu.memory_space<vmem>>, vector<16xf32>,
      tpu.vector_store %arg9[%swap3A], %broadcast_in_dim3A_1 {strides = array<i32>} : memref<50000xf32, #tpu.memory_space<vmem>>, vector<16xf32>,
    }
    %scan3A_11 = arith.constant 3125 : i32
    %dma_start3A = arith.constant 0 : i32
    %dma_start3A_12 = arith.constant 0 : i32
    %dma_start3A_13 = tpu.memref_slice %arg3[%dma_start3A, %dma_start3A_12] : memref<25600x32xi32, #tpu.memory_space<hbm>> -> memref<200x32xi32, #tpu.memory_space<hbm>>
    %dma_start3A_14 = arith.constant 0 : i32
    %dma_start3A_15 = arith.constant 0 : i32
    %dma_start3A_16 = tpu.memref_slice %arg3[%dma_start3A_14, %dma_start3A_15] : memref<25600x32xi32, #tpu.memory_space<hbm>> -> memref<200x32xi32, #tpu.memory_space<hbm>>
    tpu.enqueue_dma source(%dma_start3A_16 : memref<200x32xi32, #tpu.memory_space<hbm>>) target(%arg10 : memref<200x32xi32, #tpu.memory_space<vmem>>) target_semaphore(%arg14 : memref<!tpu.dma_semaphore, #tpu.memory_space<semaphore_mem>>)
    %dma_start3A_17 = arith.constant 0 : i32
    %dma_start3A_18 = arith.constant 0 : i32
    %dma_start3A_19 = tpu.memref_slice %arg4[%dma_start3A_17, %dma_start3A_18] : memref<25600x32xf32, #tpu.memory_space<hbm>> -> memref<200x32xf32, #tpu.memory_space<hbm>>
    %dma_start3A_20 = arith.constant 0 : i32
    %dma_start3A_21 = arith.constant 0 : i32
    %dma_start3A_22 = tpu.memref_slice %arg4[%dma_start3A_20, %dma_start3A_21] : memref<25600x32xf32, #tpu.memory_space<hbm>> -> memref<200x32xf32, #tpu.memory_space<hbm>>
    tpu.enqueue_dma source(%dma_start3A_22 : memref<200x32xf32, #tpu.memory_space<hbm>>) target(%arg12 : memref<200x32xf32, #tpu.memory_space<vmem>>) target_semaphore(%arg14 : memref<!tpu.dma_semaphore, #tpu.memory_space<semaphore_mem>>)
    %scan3A_23 = arith.constant 0 : i32
    %scan3A_24 = arith.constant 64 : i32
    %scan3A_25 = arith.addi %scan3A_23, %scan3A_24 : i32
    %scan3A_26 = arith.constant 1 : i32
    scf.for %scan3A_140 = %scan3A_23 to %scan3A_25 step %scan3A_26  : i32 {
      %mul3A_141 = arith.constant 2 : i32
      %mul3A_142 = arith.muli %scan3A_140, %mul3A_141 : i32
      %add3A_143 = arith.constant 0 : i32
      %add3A_144 = arith.addi %add3A_143, %mul3A_142 : i32
      %add3A_145 = arith.constant 0 : i32
      %add3A_146 = arith.addi %add3A_144, %add3A_145 : i32
      %add3A_147 = arith.constant 1 : i32
      %add3A_148 = arith.addi %add3A_146, %add3A_147 : i32
      %lt3A = arith.constant 128 : i32
      %lt3A_149 = arith.cmpi slt, %add3A_148, %lt3A : i32
      %convert_element_type3A = arith.extui %lt3A_149 : i1 to i32
      %cond3A = arith.constant 0 : i32
      %cond3A_150 = arith.cmpi ne, %convert_element_type3A, %cond3A : i32
      scf.if %cond3A_150 {
        %add3A_188 = arith.constant 1 : i32
        %add3A_189 = arith.addi %add3A_146, %add3A_188 : i32
        %mul3A_190 = arith.constant 50 : i32
        %mul3A_191 = arith.muli %add3A_189, %mul3A_190 : i32
        %mul3A_192 = arith.constant 4 : i32
        %mul3A_193 = arith.muli %mul3A_191, %mul3A_192 : i32
        %dma_start3A_194 = arith.constant 0 : i32
        %dma_start3A_195 = tpu.memref_slice %arg3[%mul3A_193, %dma_start3A_194] : memref<25600x32xi32, #tpu.memory_space<hbm>> -> memref<200x32xi32, #tpu.memory_space<hbm>>
        %dma_start3A_196 = arith.constant 0 : i32
        %dma_start3A_197 = tpu.memref_slice %arg3[%mul3A_193, %dma_start3A_196] : memref<25600x32xi32, #tpu.memory_space<hbm>> -> memref<200x32xi32, #tpu.memory_space<hbm>>
        tpu.enqueue_dma source(%dma_start3A_197 : memref<200x32xi32, #tpu.memory_space<hbm>>) target(%arg11 : memref<200x32xi32, #tpu.memory_space<vmem>>) target_semaphore(%arg15 : memref<!tpu.dma_semaphore, #tpu.memory_space<semaphore_mem>>)
        %dma_start3A_198 = arith.constant 0 : i32
        %dma_start3A_199 = tpu.memref_slice %arg4[%mul3A_193, %dma_start3A_198] : memref<25600x32xf32, #tpu.memory_space<hbm>> -> memref<200x32xf32, #tpu.memory_space<hbm>>
        %dma_start3A_200 = arith.constant 0 : i32
        %dma_start3A_201 = tpu.memref_slice %arg4[%mul3A_193, %dma_start3A_200] : memref<25600x32xf32, #tpu.memory_space<hbm>> -> memref<200x32xf32, #tpu.memory_space<hbm>>
        tpu.enqueue_dma source(%dma_start3A_201 : memref<200x32xf32, #tpu.memory_space<hbm>>) target(%arg13 : memref<200x32xf32, #tpu.memory_space<vmem>>) target_semaphore(%arg15 : memref<!tpu.dma_semaphore, #tpu.memory_space<semaphore_mem>>)
      } else {
      }
      %dma_wait3A = arith.constant 0 : i32
      %dma_wait3A_151 = arith.constant 0 : i32
      %dma_wait3A_152 = tpu.memref_slice %arg3[%dma_wait3A, %dma_wait3A_151] : memref<25600x32xi32, #tpu.memory_space<hbm>> -> memref<200x32xi32, #tpu.memory_space<hbm>>
      %dma_wait3A_153 = arith.constant 0 : i32
      %dma_wait3A_154 = arith.constant 0 : i32
      %dma_wait3A_155 = tpu.memref_slice %arg3[%dma_wait3A_153, %dma_wait3A_154] : memref<25600x32xi32, #tpu.memory_space<hbm>> -> memref<200x32xi32, #tpu.memory_space<hbm>>
      tpu.wait_dma2 semaphore(%arg14 : memref<!tpu.dma_semaphore, #tpu.memory_space<semaphore_mem>>) src(%dma_wait3A_155 : memref<200x32xi32, #tpu.memory_space<hbm>>) dst(%arg10 : memref<200x32xi32, #tpu.memory_space<vmem>>)
      %dma_wait3A_156 = arith.constant 0 : i32
      %dma_wait3A_157 = arith.constant 0 : i32
      %dma_wait3A_158 = tpu.memref_slice %arg4[%dma_wait3A_156, %dma_wait3A_157] : memref<25600x32xf32, #tpu.memory_space<hbm>> -> memref<200x32xf32, #tpu.memory_space<hbm>>
      %dma_wait3A_159 = arith.constant 0 : i32
      %dma_wait3A_160 = arith.constant 0 : i32
      %dma_wait3A_161 = tpu.memref_slice %arg4[%dma_wait3A_159, %dma_wait3A_160] : memref<25600x32xf32, #tpu.memory_space<hbm>> -> memref<200x32xf32, #tpu.memory_space<hbm>>
      tpu.wait_dma2 semaphore(%arg14 : memref<!tpu.dma_semaphore, #tpu.memory_space<semaphore_mem>>) src(%dma_wait3A_161 : memref<200x32xf32, #tpu.memory_space<hbm>>) dst(%arg12 : memref<200x32xf32, #tpu.memory_space<vmem>>)
      %parallel_loop3A = arith.constant 0 : i32
      %parallel_loop3A_162 = arith.constant 200 : i32
      %parallel_loop3A_163 = arith.constant 1 : i32
      scf.for %parallel_loop3A_188 = %parallel_loop3A to %parallel_loop3A_162 step %parallel_loop3A_163  : i32 {
        %parallel_loop3A_189 = arith.index_cast %parallel_loop3A_188 : i32 to index
        %parallel_loop3A_190 = arith.constant 0 : index
        %parallel_loop3A_191 = tpu.vector_load %arg10[%parallel_loop3A_189, %parallel_loop3A_190] {strides = array<i32>} : memref<200x32xi32, #tpu.memory_space<vmem>>, vector<16xi32>,
        %parallel_loop3A_192 = arith.index_cast %parallel_loop3A_188 : i32 to index
        %parallel_loop3A_193 = arith.constant 0 : index
        %parallel_loop3A_194 = tpu.vector_load %arg12[%parallel_loop3A_192, %parallel_loop3A_193] {strides = array<i32>} : memref<200x32xf32, #tpu.memory_space<vmem>>, vector<16xf32>,
        %parallel_loop3A_195 = arith.andi %parallel_loop3A_191, %broadcast_in_dim3A_5 : vector<16xi32>
        %parallel_loop3A_196 = arith.shrui %parallel_loop3A_191, %broadcast_in_dim3A_3 : vector<16xi32>
        %parallel_loop3A_197 = tpu.vector_load_idx %arg8[%parallel_loop3A_195] : memref<50000xf32, #tpu.memory_space<vmem>>[vector<16xi32>], vector<16xf32>,
        %parallel_loop3A_198 = arith.mulf %parallel_loop3A_197, %parallel_loop3A_194 : vector<16xf32>
        tpu.vector_store_idx %arg9[%parallel_loop3A_196], %parallel_loop3A_198 {add = true} : memref<50000xf32, #tpu.memory_space<vmem>>[vector<16xi32>], vector<16xf32>,
        %parallel_loop3A_199 = arith.index_cast %parallel_loop3A_188 : i32 to index
        %parallel_loop3A_200 = arith.constant 16 : index
        %parallel_loop3A_201 = tpu.vector_load %arg10[%parallel_loop3A_199, %parallel_loop3A_200] {strides = array<i32>} : memref<200x32xi32, #tpu.memory_space<vmem>>, vector<16xi32>,
        %parallel_loop3A_202 = arith.index_cast %parallel_loop3A_188 : i32 to index
        %parallel_loop3A_203 = arith.constant 16 : index
        %parallel_loop3A_204 = tpu.vector_load %arg12[%parallel_loop3A_202, %parallel_loop3A_203] {strides = array<i32>} : memref<200x32xf32, #tpu.memory_space<vmem>>, vector<16xf32>,
        %parallel_loop3A_205 = arith.andi %parallel_loop3A_201, %broadcast_in_dim3A_5 : vector<16xi32>
        %parallel_loop3A_206 = arith.shrui %parallel_loop3A_201, %broadcast_in_dim3A_3 : vector<16xi32>
        %parallel_loop3A_207 = tpu.vector_load_idx %arg8[%parallel_loop3A_205] : memref<50000xf32, #tpu.memory_space<vmem>>[vector<16xi32>], vector<16xf32>,
        %parallel_loop3A_208 = arith.mulf %parallel_loop3A_207, %parallel_loop3A_204 : vector<16xf32>
        tpu.vector_store_idx %arg9[%parallel_loop3A_206], %parallel_loop3A_208 {add = true} : memref<50000xf32, #tpu.memory_space<vmem>>[vector<16xi32>], vector<16xf32>,
      } {sc.loop_unroll_factor = 1 : i64, sc.parallel_access}
      %add3A_164 = arith.constant 1 : i32
      %add3A_165 = arith.addi %add3A_144, %add3A_164 : i32
      %add3A_166 = arith.constant 1 : i32
      %add3A_167 = arith.addi %add3A_165, %add3A_166 : i32
      %lt3A_168 = arith.constant 128 : i32
      %lt3A_169 = arith.cmpi slt, %add3A_167, %lt3A_168 : i32
      %convert_element_type3A_170 = arith.extui %lt3A_169 : i1 to i32
      %cond3A_171 = arith.constant 0 : i32
      %cond3A_172 = arith.cmpi ne, %convert_element_type3A_170, %cond3A_171 : i32
      scf.if %cond3A_172 {
        %add3A_188 = arith.constant 1 : i32
        %add3A_189 = arith.addi %add3A_165, %add3A_188 : i32
        %mul3A_190 = arith.constant 50 : i32
        %mul3A_191 = arith.muli %add3A_189, %mul3A_190 : i32
        %mul3A_192 = arith.constant 4 : i32
        %mul3A_193 = arith.muli %mul3A_191, %mul3A_192 : i32
        %dma_start3A_194 = arith.constant 0 : i32
        %dma_start3A_195 = tpu.memref_slice %arg3[%mul3A_193, %dma_start3A_194] : memref<25600x32xi32, #tpu.memory_space<hbm>> -> memref<200x32xi32, #tpu.memory_space<hbm>>
        %dma_start3A_196 = arith.constant 0 : i32
        %dma_start3A_197 = tpu.memref_slice %arg3[%mul3A_193, %dma_start3A_196] : memref<25600x32xi32, #tpu.memory_space<hbm>> -> memref<200x32xi32, #tpu.memory_space<hbm>>
        tpu.enqueue_dma source(%dma_start3A_197 : memref<200x32xi32, #tpu.memory_space<hbm>>) target(%arg10 : memref<200x32xi32, #tpu.memory_space<vmem>>) target_semaphore(%arg14 : memref<!tpu.dma_semaphore, #tpu.memory_space<semaphore_mem>>)
        %dma_start3A_198 = arith.constant 0 : i32
        %dma_start3A_199 = tpu.memref_slice %arg4[%mul3A_193, %dma_start3A_198] : memref<25600x32xf32, #tpu.memory_space<hbm>> -> memref<200x32xf32, #tpu.memory_space<hbm>>
        %dma_start3A_200 = arith.constant 0 : i32
        %dma_start3A_201 = tpu.memref_slice %arg4[%mul3A_193, %dma_start3A_200] : memref<25600x32xf32, #tpu.memory_space<hbm>> -> memref<200x32xf32, #tpu.memory_space<hbm>>
        tpu.enqueue_dma source(%dma_start3A_201 : memref<200x32xf32, #tpu.memory_space<hbm>>) target(%arg12 : memref<200x32xf32, #tpu.memory_space<vmem>>) target_semaphore(%arg14 : memref<!tpu.dma_semaphore, #tpu.memory_space<semaphore_mem>>)
      } else {
      }
      %dma_wait3A_173 = arith.constant 0 : i32
      %dma_wait3A_174 = arith.constant 0 : i32
      %dma_wait3A_175 = tpu.memref_slice %arg3[%dma_wait3A_173, %dma_wait3A_174] : memref<25600x32xi32, #tpu.memory_space<hbm>> -> memref<200x32xi32, #tpu.memory_space<hbm>>
      %dma_wait3A_176 = arith.constant 0 : i32
      %dma_wait3A_177 = arith.constant 0 : i32
      %dma_wait3A_178 = tpu.memref_slice %arg3[%dma_wait3A_176, %dma_wait3A_177] : memref<25600x32xi32, #tpu.memory_space<hbm>> -> memref<200x32xi32, #tpu.memory_space<hbm>>
      tpu.wait_dma2 semaphore(%arg15 : memref<!tpu.dma_semaphore, #tpu.memory_space<semaphore_mem>>) src(%dma_wait3A_178 : memref<200x32xi32, #tpu.memory_space<hbm>>) dst(%arg11 : memref<200x32xi32, #tpu.memory_space<vmem>>)
      %dma_wait3A_179 = arith.constant 0 : i32
      %dma_wait3A_180 = arith.constant 0 : i32
      %dma_wait3A_181 = tpu.memref_slice %arg4[%dma_wait3A_179, %dma_wait3A_180] : memref<25600x32xf32, #tpu.memory_space<hbm>> -> memref<200x32xf32, #tpu.memory_space<hbm>>
      %dma_wait3A_182 = arith.constant 0 : i32
      %dma_wait3A_183 = arith.constant 0 : i32
      %dma_wait3A_184 = tpu.memref_slice %arg4[%dma_wait3A_182, %dma_wait3A_183] : memref<25600x32xf32, #tpu.memory_space<hbm>> -> memref<200x32xf32, #tpu.memory_space<hbm>>
      tpu.wait_dma2 semaphore(%arg15 : memref<!tpu.dma_semaphore, #tpu.memory_space<semaphore_mem>>) src(%dma_wait3A_184 : memref<200x32xf32, #tpu.memory_space<hbm>>) dst(%arg13 : memref<200x32xf32, #tpu.memory_space<vmem>>)
      %parallel_loop3A_185 = arith.constant 0 : i32
      %parallel_loop3A_186 = arith.constant 200 : i32
      %parallel_loop3A_187 = arith.constant 1 : i32
      scf.for %parallel_loop3A_188 = %parallel_loop3A_185 to %parallel_loop3A_186 step %parallel_loop3A_187  : i32 {
        %parallel_loop3A_189 = arith.index_cast %parallel_loop3A_188 : i32 to index
        %parallel_loop3A_190 = arith.constant 0 : index
        %parallel_loop3A_191 = tpu.vector_load %arg11[%parallel_loop3A_189, %parallel_loop3A_190] {strides = array<i32>} : memref<200x32xi32, #tpu.memory_space<vmem>>, vector<16xi32>,
        %parallel_loop3A_192 = arith.index_cast %parallel_loop3A_188 : i32 to index
        %parallel_loop3A_193 = arith.constant 0 : index
        %parallel_loop3A_194 = tpu.vector_load %arg13[%parallel_loop3A_192, %parallel_loop3A_193] {strides = array<i32>} : memref<200x32xf32, #tpu.memory_space<vmem>>, vector<16xf32>,
        %parallel_loop3A_195 = arith.andi %parallel_loop3A_191, %broadcast_in_dim3A_5 : vector<16xi32>
        %parallel_loop3A_196 = arith.shrui %parallel_loop3A_191, %broadcast_in_dim3A_3 : vector<16xi32>
        %parallel_loop3A_197 = tpu.vector_load_idx %arg8[%parallel_loop3A_195] : memref<50000xf32, #tpu.memory_space<vmem>>[vector<16xi32>], vector<16xf32>,
        %parallel_loop3A_198 = arith.mulf %parallel_loop3A_197, %parallel_loop3A_194 : vector<16xf32>
        tpu.vector_store_idx %arg9[%parallel_loop3A_196], %parallel_loop3A_198 {add = true} : memref<50000xf32, #tpu.memory_space<vmem>>[vector<16xi32>], vector<16xf32>,
        %parallel_loop3A_199 = arith.index_cast %parallel_loop3A_188 : i32 to index
        %parallel_loop3A_200 = arith.constant 16 : index
        %parallel_loop3A_201 = tpu.vector_load %arg11[%parallel_loop3A_199, %parallel_loop3A_200] {strides = array<i32>} : memref<200x32xi32, #tpu.memory_space<vmem>>, vector<16xi32>,
        %parallel_loop3A_202 = arith.index_cast %parallel_loop3A_188 : i32 to index
        %parallel_loop3A_203 = arith.constant 16 : index
        %parallel_loop3A_204 = tpu.vector_load %arg13[%parallel_loop3A_202, %parallel_loop3A_203] {strides = array<i32>} : memref<200x32xf32, #tpu.memory_space<vmem>>, vector<16xf32>,
        %parallel_loop3A_205 = arith.andi %parallel_loop3A_201, %broadcast_in_dim3A_5 : vector<16xi32>
        %parallel_loop3A_206 = arith.shrui %parallel_loop3A_201, %broadcast_in_dim3A_3 : vector<16xi32>
        %parallel_loop3A_207 = tpu.vector_load_idx %arg8[%parallel_loop3A_205] : memref<50000xf32, #tpu.memory_space<vmem>>[vector<16xi32>], vector<16xf32>,
        %parallel_loop3A_208 = arith.mulf %parallel_loop3A_207, %parallel_loop3A_204 : vector<16xf32>
        tpu.vector_store_idx %arg9[%parallel_loop3A_206], %parallel_loop3A_208 {add = true} : memref<50000xf32, #tpu.memory_space<vmem>>[vector<16xi32>], vector<16xf32>,
      } {sc.loop_unroll_factor = 1 : i64, sc.parallel_access}
    }
    %scan3A_27 = arith.constant 64 : i32
    "tpu.region"() ({
      %run_scoped3A = tpu.sem_alloc : memref<!tpu.dma_semaphore, #tpu.memory_space<semaphore_mem>>
      %dma_start3A_140 = arith.constant 0 : i32
      %dma_start3A_141 = tpu.memref_slice %arg5[%add3A_7, %dma_start3A_140] : memref<64x50000xf32, #tpu.memory_space<hbm>> -> memref<1x50000xf32, #tpu.memory_space<hbm>>
      %dma_start3A_142 = tpu.memref_squeeze %dma_start3A_141 : memref<1x50000xf32, #tpu.memory_space<hbm>> -> memref<50000xf32, #tpu.memory_space<hbm>>
      %dma_start3A_143 = arith.constant 0 : i32
      %dma_start3A_144 = tpu.memref_slice %arg5[%add3A_7, %dma_start3A_143] : memref<64x50000xf32, #tpu.memory_space<hbm>> -> memref<1x50000xf32, #tpu.memory_space<hbm>>
      %dma_start3A_145 = tpu.memref_squeeze %dma_start3A_144 : memref<1x50000xf32, #tpu.memory_space<hbm>> -> memref<50000xf32, #tpu.memory_space<hbm>>
      tpu.enqueue_dma source(%arg9 : memref<50000xf32, #tpu.memory_space<vmem>>) target(%dma_start3A_145 : memref<50000xf32, #tpu.memory_space<hbm>>) target_semaphore(%run_scoped3A : memref<!tpu.dma_semaphore, #tpu.memory_space<semaphore_mem>>)
      %dma_wait3A = arith.constant 0 : i32
      %dma_wait3A_146 = tpu.memref_slice %arg5[%add3A_7, %dma_wait3A] : memref<64x50000xf32, #tpu.memory_space<hbm>> -> memref<1x50000xf32, #tpu.memory_space<hbm>>
      %dma_wait3A_147 = tpu.memref_squeeze %dma_wait3A_146 : memref<1x50000xf32, #tpu.memory_space<hbm>> -> memref<50000xf32, #tpu.memory_space<hbm>>
      %dma_wait3A_148 = arith.constant 0 : i32
      %dma_wait3A_149 = tpu.memref_slice %arg5[%add3A_7, %dma_wait3A_148] : memref<64x50000xf32, #tpu.memory_space<hbm>> -> memref<1x50000xf32, #tpu.memory_space<hbm>>
      %dma_wait3A_150 = tpu.memref_squeeze %dma_wait3A_149 : memref<1x50000xf32, #tpu.memory_space<hbm>> -> memref<50000xf32, #tpu.memory_space<hbm>>
      tpu.wait_dma2 semaphore(%run_scoped3A : memref<!tpu.dma_semaphore, #tpu.memory_space<semaphore_mem>>) src(%arg9 : memref<50000xf32, #tpu.memory_space<vmem>>) dst(%dma_wait3A_150 : memref<50000xf32, #tpu.memory_space<hbm>>)
      tpu.yield
    }) : () -> ()
    %scan3A_28 = arith.constant 0 : i32
    %scan3A_29 = arith.constant 3125 : i32
    %scan3A_30 = arith.addi %scan3A_28, %scan3A_29 : i32
    %scan3A_31 = arith.constant 1 : i32
    scf.for %scan3A_140 = %scan3A_28 to %scan3A_30 step %scan3A_31  : i32 {
      %mul3A_141 = arith.constant 1 : i32
      %mul3A_142 = arith.muli %scan3A_140, %mul3A_141 : i32
      %add3A_143 = arith.constant 0 : i32
      %add3A_144 = arith.addi %add3A_143, %mul3A_142 : i32
      %mul3A_145 = arith.constant 16 : i32
      %mul3A_146 = arith.muli %add3A_144, %mul3A_145 : i32
      %swap3A = arith.index_cast %mul3A_146 : i32 to index
      %swap3A_147 = tpu.vector_load %arg8[%swap3A] {strides = array<i32>} : memref<50000xf32, #tpu.memory_space<vmem>>, vector<16xf32>,
      tpu.vector_store %arg8[%swap3A], %broadcast_in_dim3A_1 {strides = array<i32>} : memref<50000xf32, #tpu.memory_space<vmem>>, vector<16xf32>,
    }
    %scan3A_32 = arith.constant 3125 : i32
    %dma_start3A_33 = arith.constant 0 : i32
    %dma_start3A_34 = arith.constant 0 : i32
    %dma_start3A_35 = tpu.memref_slice %arg3[%dma_start3A_33, %dma_start3A_34] : memref<25600x32xi32, #tpu.memory_space<hbm>> -> memref<200x32xi32, #tpu.memory_space<hbm>>
    %dma_start3A_36 = arith.constant 0 : i32
    %dma_start3A_37 = arith.constant 0 : i32
    %dma_start3A_38 = tpu.memref_slice %arg3[%dma_start3A_36, %dma_start3A_37] : memref<25600x32xi32, #tpu.memory_space<hbm>> -> memref<200x32xi32, #tpu.memory_space<hbm>>
    tpu.enqueue_dma source(%dma_start3A_38 : memref<200x32xi32, #tpu.memory_space<hbm>>) target(%arg10 : memref<200x32xi32, #tpu.memory_space<vmem>>) target_semaphore(%arg14 : memref<!tpu.dma_semaphore, #tpu.memory_space<semaphore_mem>>)
    %dma_start3A_39 = arith.constant 0 : i32
    %dma_start3A_40 = arith.constant 0 : i32
    %dma_start3A_41 = tpu.memref_slice %arg4[%dma_start3A_39, %dma_start3A_40] : memref<25600x32xf32, #tpu.memory_space<hbm>> -> memref<200x32xf32, #tpu.memory_space<hbm>>
    %dma_start3A_42 = arith.constant 0 : i32
    %dma_start3A_43 = arith.constant 0 : i32
    %dma_start3A_44 = tpu.memref_slice %arg4[%dma_start3A_42, %dma_start3A_43] : memref<25600x32xf32, #tpu.memory_space<hbm>> -> memref<200x32xf32, #tpu.memory_space<hbm>>
    tpu.enqueue_dma source(%dma_start3A_44 : memref<200x32xf32, #tpu.memory_space<hbm>>) target(%arg12 : memref<200x32xf32, #tpu.memory_space<vmem>>) target_semaphore(%arg14 : memref<!tpu.dma_semaphore, #tpu.memory_space<semaphore_mem>>)
    %scan3A_45 = arith.constant 0 : i32
    %scan3A_46 = arith.constant 64 : i32
    %scan3A_47 = arith.addi %scan3A_45, %scan3A_46 : i32
    %scan3A_48 = arith.constant 1 : i32
    scf.for %scan3A_140 = %scan3A_45 to %scan3A_47 step %scan3A_48  : i32 {
      %mul3A_141 = arith.constant 2 : i32
      %mul3A_142 = arith.muli %scan3A_140, %mul3A_141 : i32
      %add3A_143 = arith.constant 0 : i32
      %add3A_144 = arith.addi %add3A_143, %mul3A_142 : i32
      %add3A_145 = arith.constant 0 : i32
      %add3A_146 = arith.addi %add3A_144, %add3A_145 : i32
      %add3A_147 = arith.constant 1 : i32
      %add3A_148 = arith.addi %add3A_146, %add3A_147 : i32
      %lt3A = arith.constant 128 : i32
      %lt3A_149 = arith.cmpi slt, %add3A_148, %lt3A : i32
      %convert_element_type3A = arith.extui %lt3A_149 : i1 to i32
      %cond3A = arith.constant 0 : i32
      %cond3A_150 = arith.cmpi ne, %convert_element_type3A, %cond3A : i32
      scf.if %cond3A_150 {
        %add3A_188 = arith.constant 1 : i32
        %add3A_189 = arith.addi %add3A_146, %add3A_188 : i32
        %mul3A_190 = arith.constant 50 : i32
        %mul3A_191 = arith.muli %add3A_189, %mul3A_190 : i32
        %mul3A_192 = arith.constant 4 : i32
        %mul3A_193 = arith.muli %mul3A_191, %mul3A_192 : i32
        %dma_start3A_194 = arith.constant 0 : i32
        %dma_start3A_195 = tpu.memref_slice %arg3[%mul3A_193, %dma_start3A_194] : memref<25600x32xi32, #tpu.memory_space<hbm>> -> memref<200x32xi32, #tpu.memory_space<hbm>>
        %dma_start3A_196 = arith.constant 0 : i32
        %dma_start3A_197 = tpu.memref_slice %arg3[%mul3A_193, %dma_start3A_196] : memref<25600x32xi32, #tpu.memory_space<hbm>> -> memref<200x32xi32, #tpu.memory_space<hbm>>
        tpu.enqueue_dma source(%dma_start3A_197 : memref<200x32xi32, #tpu.memory_space<hbm>>) target(%arg11 : memref<200x32xi32, #tpu.memory_space<vmem>>) target_semaphore(%arg15 : memref<!tpu.dma_semaphore, #tpu.memory_space<semaphore_mem>>)
        %dma_start3A_198 = arith.constant 0 : i32
        %dma_start3A_199 = tpu.memref_slice %arg4[%mul3A_193, %dma_start3A_198] : memref<25600x32xf32, #tpu.memory_space<hbm>> -> memref<200x32xf32, #tpu.memory_space<hbm>>
        %dma_start3A_200 = arith.constant 0 : i32
        %dma_start3A_201 = tpu.memref_slice %arg4[%mul3A_193, %dma_start3A_200] : memref<25600x32xf32, #tpu.memory_space<hbm>> -> memref<200x32xf32, #tpu.memory_space<hbm>>
        tpu.enqueue_dma source(%dma_start3A_201 : memref<200x32xf32, #tpu.memory_space<hbm>>) target(%arg13 : memref<200x32xf32, #tpu.memory_space<vmem>>) target_semaphore(%arg15 : memref<!tpu.dma_semaphore, #tpu.memory_space<semaphore_mem>>)
      } else {
      }
      %dma_wait3A = arith.constant 0 : i32
      %dma_wait3A_151 = arith.constant 0 : i32
      %dma_wait3A_152 = tpu.memref_slice %arg3[%dma_wait3A, %dma_wait3A_151] : memref<25600x32xi32, #tpu.memory_space<hbm>> -> memref<200x32xi32, #tpu.memory_space<hbm>>
      %dma_wait3A_153 = arith.constant 0 : i32
      %dma_wait3A_154 = arith.constant 0 : i32
      %dma_wait3A_155 = tpu.memref_slice %arg3[%dma_wait3A_153, %dma_wait3A_154] : memref<25600x32xi32, #tpu.memory_space<hbm>> -> memref<200x32xi32, #tpu.memory_space<hbm>>
      tpu.wait_dma2 semaphore(%arg14 : memref<!tpu.dma_semaphore, #tpu.memory_space<semaphore_mem>>) src(%dma_wait3A_155 : memref<200x32xi32, #tpu.memory_space<hbm>>) dst(%arg10 : memref<200x32xi32, #tpu.memory_space<vmem>>)
      %dma_wait3A_156 = arith.constant 0 : i32
      %dma_wait3A_157 = arith.constant 0 : i32
      %dma_wait3A_158 = tpu.memref_slice %arg4[%dma_wait3A_156, %dma_wait3A_157] : memref<25600x32xf32, #tpu.memory_space<hbm>> -> memref<200x32xf32, #tpu.memory_space<hbm>>
      %dma_wait3A_159 = arith.constant 0 : i32
      %dma_wait3A_160 = arith.constant 0 : i32
      %dma_wait3A_161 = tpu.memref_slice %arg4[%dma_wait3A_159, %dma_wait3A_160] : memref<25600x32xf32, #tpu.memory_space<hbm>> -> memref<200x32xf32, #tpu.memory_space<hbm>>
      tpu.wait_dma2 semaphore(%arg14 : memref<!tpu.dma_semaphore, #tpu.memory_space<semaphore_mem>>) src(%dma_wait3A_161 : memref<200x32xf32, #tpu.memory_space<hbm>>) dst(%arg12 : memref<200x32xf32, #tpu.memory_space<vmem>>)
      %parallel_loop3A = arith.constant 0 : i32
      %parallel_loop3A_162 = arith.constant 200 : i32
      %parallel_loop3A_163 = arith.constant 1 : i32
      scf.for %parallel_loop3A_188 = %parallel_loop3A to %parallel_loop3A_162 step %parallel_loop3A_163  : i32 {
        %parallel_loop3A_189 = arith.index_cast %parallel_loop3A_188 : i32 to index
        %parallel_loop3A_190 = arith.constant 0 : index
        %parallel_loop3A_191 = tpu.vector_load %arg10[%parallel_loop3A_189, %parallel_loop3A_190] {strides = array<i32>} : memref<200x32xi32, #tpu.memory_space<vmem>>, vector<16xi32>,
        %parallel_loop3A_192 = arith.index_cast %parallel_loop3A_188 : i32 to index
        %parallel_loop3A_193 = arith.constant 0 : index
        %parallel_loop3A_194 = tpu.vector_load %arg12[%parallel_loop3A_192, %parallel_loop3A_193] {strides = array<i32>} : memref<200x32xf32, #tpu.memory_space<vmem>>, vector<16xf32>,
        %parallel_loop3A_195 = arith.andi %parallel_loop3A_191, %broadcast_in_dim3A_5 : vector<16xi32>
        %parallel_loop3A_196 = arith.shrui %parallel_loop3A_191, %broadcast_in_dim3A_3 : vector<16xi32>
        %parallel_loop3A_197 = tpu.vector_load_idx %arg9[%parallel_loop3A_195] : memref<50000xf32, #tpu.memory_space<vmem>>[vector<16xi32>], vector<16xf32>,
        %parallel_loop3A_198 = arith.mulf %parallel_loop3A_197, %parallel_loop3A_194 : vector<16xf32>
        tpu.vector_store_idx %arg8[%parallel_loop3A_196], %parallel_loop3A_198 {add = true} : memref<50000xf32, #tpu.memory_space<vmem>>[vector<16xi32>], vector<16xf32>,
        %parallel_loop3A_199 = arith.index_cast %parallel_loop3A_188 : i32 to index
        %parallel_loop3A_200 = arith.constant 16 : index
        %parallel_loop3A_201 = tpu.vector_load %arg10[%parallel_loop3A_199, %parallel_loop3A_200] {strides = array<i32>} : memref<200x32xi32, #tpu.memory_space<vmem>>, vector<16xi32>,
        %parallel_loop3A_202 = arith.index_cast %parallel_loop3A_188 : i32 to index
        %parallel_loop3A_203 = arith.constant 16 : index
        %parallel_loop3A_204 = tpu.vector_load %arg12[%parallel_loop3A_202, %parallel_loop3A_203] {strides = array<i32>} : memref<200x32xf32, #tpu.memory_space<vmem>>, vector<16xf32>,
        %parallel_loop3A_205 = arith.andi %parallel_loop3A_201, %broadcast_in_dim3A_5 : vector<16xi32>
        %parallel_loop3A_206 = arith.shrui %parallel_loop3A_201, %broadcast_in_dim3A_3 : vector<16xi32>
        %parallel_loop3A_207 = tpu.vector_load_idx %arg9[%parallel_loop3A_205] : memref<50000xf32, #tpu.memory_space<vmem>>[vector<16xi32>], vector<16xf32>,
        %parallel_loop3A_208 = arith.mulf %parallel_loop3A_207, %parallel_loop3A_204 : vector<16xf32>
        tpu.vector_store_idx %arg8[%parallel_loop3A_206], %parallel_loop3A_208 {add = true} : memref<50000xf32, #tpu.memory_space<vmem>>[vector<16xi32>], vector<16xf32>,
      } {sc.loop_unroll_factor = 1 : i64, sc.parallel_access}
      %add3A_164 = arith.constant 1 : i32
      %add3A_165 = arith.addi %add3A_144, %add3A_164 : i32
      %add3A_166 = arith.constant 1 : i32
      %add3A_167 = arith.addi %add3A_165, %add3A_166 : i32
      %lt3A_168 = arith.constant 128 : i32
      %lt3A_169 = arith.cmpi slt, %add3A_167, %lt3A_168 : i32
      %convert_element_type3A_170 = arith.extui %lt3A_169 : i1 to i32
      %cond3A_171 = arith.constant 0 : i32
      %cond3A_172 = arith.cmpi ne, %convert_element_type3A_170, %cond3A_171 : i32
      scf.if %cond3A_172 {
        %add3A_188 = arith.constant 1 : i32
        %add3A_189 = arith.addi %add3A_165, %add3A_188 : i32
        %mul3A_190 = arith.constant 50 : i32
        %mul3A_191 = arith.muli %add3A_189, %mul3A_190 : i32
        %mul3A_192 = arith.constant 4 : i32
        %mul3A_193 = arith.muli %mul3A_191, %mul3A_192 : i32
        %dma_start3A_194 = arith.constant 0 : i32
        %dma_start3A_195 = tpu.memref_slice %arg3[%mul3A_193, %dma_start3A_194] : memref<25600x32xi32, #tpu.memory_space<hbm>> -> memref<200x32xi32, #tpu.memory_space<hbm>>
        %dma_start3A_196 = arith.constant 0 : i32
        %dma_start3A_197 = tpu.memref_slice %arg3[%mul3A_193, %dma_start3A_196] : memref<25600x32xi32, #tpu.memory_space<hbm>> -> memref<200x32xi32, #tpu.memory_space<hbm>>
        tpu.enqueue_dma source(%dma_start3A_197 : memref<200x32xi32, #tpu.memory_space<hbm>>) target(%arg10 : memref<200x32xi32, #tpu.memory_space<vmem>>) target_semaphore(%arg14 : memref<!tpu.dma_semaphore, #tpu.memory_space<semaphore_mem>>)
        %dma_start3A_198 = arith.constant 0 : i32
        %dma_start3A_199 = tpu.memref_slice %arg4[%mul3A_193, %dma_start3A_198] : memref<25600x32xf32, #tpu.memory_space<hbm>> -> memref<200x32xf32, #tpu.memory_space<hbm>>
        %dma_start3A_200 = arith.constant 0 : i32
        %dma_start3A_201 = tpu.memref_slice %arg4[%mul3A_193, %dma_start3A_200] : memref<25600x32xf32, #tpu.memory_space<hbm>> -> memref<200x32xf32, #tpu.memory_space<hbm>>
        tpu.enqueue_dma source(%dma_start3A_201 : memref<200x32xf32, #tpu.memory_space<hbm>>) target(%arg12 : memref<200x32xf32, #tpu.memory_space<vmem>>) target_semaphore(%arg14 : memref<!tpu.dma_semaphore, #tpu.memory_space<semaphore_mem>>)
      } else {
      }
      %dma_wait3A_173 = arith.constant 0 : i32
      %dma_wait3A_174 = arith.constant 0 : i32
      %dma_wait3A_175 = tpu.memref_slice %arg3[%dma_wait3A_173, %dma_wait3A_174] : memref<25600x32xi32, #tpu.memory_space<hbm>> -> memref<200x32xi32, #tpu.memory_space<hbm>>
      %dma_wait3A_176 = arith.constant 0 : i32
      %dma_wait3A_177 = arith.constant 0 : i32
      %dma_wait3A_178 = tpu.memref_slice %arg3[%dma_wait3A_176, %dma_wait3A_177] : memref<25600x32xi32, #tpu.memory_space<hbm>> -> memref<200x32xi32, #tpu.memory_space<hbm>>
      tpu.wait_dma2 semaphore(%arg15 : memref<!tpu.dma_semaphore, #tpu.memory_space<semaphore_mem>>) src(%dma_wait3A_178 : memref<200x32xi32, #tpu.memory_space<hbm>>) dst(%arg11 : memref<200x32xi32, #tpu.memory_space<vmem>>)
      %dma_wait3A_179 = arith.constant 0 : i32
      %dma_wait3A_180 = arith.constant 0 : i32
      %dma_wait3A_181 = tpu.memref_slice %arg4[%dma_wait3A_179, %dma_wait3A_180] : memref<25600x32xf32, #tpu.memory_space<hbm>> -> memref<200x32xf32, #tpu.memory_space<hbm>>
      %dma_wait3A_182 = arith.constant 0 : i32
      %dma_wait3A_183 = arith.constant 0 : i32
      %dma_wait3A_184 = tpu.memref_slice %arg4[%dma_wait3A_182, %dma_wait3A_183] : memref<25600x32xf32, #tpu.memory_space<hbm>> -> memref<200x32xf32, #tpu.memory_space<hbm>>
      tpu.wait_dma2 semaphore(%arg15 : memref<!tpu.dma_semaphore, #tpu.memory_space<semaphore_mem>>) src(%dma_wait3A_184 : memref<200x32xf32, #tpu.memory_space<hbm>>) dst(%arg13 : memref<200x32xf32, #tpu.memory_space<vmem>>)
      %parallel_loop3A_185 = arith.constant 0 : i32
      %parallel_loop3A_186 = arith.constant 200 : i32
      %parallel_loop3A_187 = arith.constant 1 : i32
      scf.for %parallel_loop3A_188 = %parallel_loop3A_185 to %parallel_loop3A_186 step %parallel_loop3A_187  : i32 {
        %parallel_loop3A_189 = arith.index_cast %parallel_loop3A_188 : i32 to index
        %parallel_loop3A_190 = arith.constant 0 : index
        %parallel_loop3A_191 = tpu.vector_load %arg11[%parallel_loop3A_189, %parallel_loop3A_190] {strides = array<i32>} : memref<200x32xi32, #tpu.memory_space<vmem>>, vector<16xi32>,
        %parallel_loop3A_192 = arith.index_cast %parallel_loop3A_188 : i32 to index
        %parallel_loop3A_193 = arith.constant 0 : index
        %parallel_loop3A_194 = tpu.vector_load %arg13[%parallel_loop3A_192, %parallel_loop3A_193] {strides = array<i32>} : memref<200x32xf32, #tpu.memory_space<vmem>>, vector<16xf32>,
        %parallel_loop3A_195 = arith.andi %parallel_loop3A_191, %broadcast_in_dim3A_5 : vector<16xi32>
        %parallel_loop3A_196 = arith.shrui %parallel_loop3A_191, %broadcast_in_dim3A_3 : vector<16xi32>
        %parallel_loop3A_197 = tpu.vector_load_idx %arg9[%parallel_loop3A_195] : memref<50000xf32, #tpu.memory_space<vmem>>[vector<16xi32>], vector<16xf32>,
        %parallel_loop3A_198 = arith.mulf %parallel_loop3A_197, %parallel_loop3A_194 : vector<16xf32>
        tpu.vector_store_idx %arg8[%parallel_loop3A_196], %parallel_loop3A_198 {add = true} : memref<50000xf32, #tpu.memory_space<vmem>>[vector<16xi32>], vector<16xf32>,
        %parallel_loop3A_199 = arith.index_cast %parallel_loop3A_188 : i32 to index
        %parallel_loop3A_200 = arith.constant 16 : index
        %parallel_loop3A_201 = tpu.vector_load %arg11[%parallel_loop3A_199, %parallel_loop3A_200] {strides = array<i32>} : memref<200x32xi32, #tpu.memory_space<vmem>>, vector<16xi32>,
        %parallel_loop3A_202 = arith.index_cast %parallel_loop3A_188 : i32 to index
        %parallel_loop3A_203 = arith.constant 16 : index
        %parallel_loop3A_204 = tpu.vector_load %arg13[%parallel_loop3A_202, %parallel_loop3A_203] {strides = array<i32>} : memref<200x32xf32, #tpu.memory_space<vmem>>, vector<16xf32>,
        %parallel_loop3A_205 = arith.andi %parallel_loop3A_201, %broadcast_in_dim3A_5 : vector<16xi32>
        %parallel_loop3A_206 = arith.shrui %parallel_loop3A_201, %broadcast_in_dim3A_3 : vector<16xi32>
        %parallel_loop3A_207 = tpu.vector_load_idx %arg9[%parallel_loop3A_205] : memref<50000xf32, #tpu.memory_space<vmem>>[vector<16xi32>], vector<16xf32>,
        %parallel_loop3A_208 = arith.mulf %parallel_loop3A_207, %parallel_loop3A_204 : vector<16xf32>
        tpu.vector_store_idx %arg8[%parallel_loop3A_206], %parallel_loop3A_208 {add = true} : memref<50000xf32, #tpu.memory_space<vmem>>[vector<16xi32>], vector<16xf32>,
      } {sc.loop_unroll_factor = 1 : i64, sc.parallel_access}
    }
    %scan3A_49 = arith.constant 64 : i32
    "tpu.region"() ({
      %run_scoped3A = tpu.sem_alloc : memref<!tpu.dma_semaphore, #tpu.memory_space<semaphore_mem>>
      %dma_start3A_140 = arith.constant 0 : i32
      %dma_start3A_141 = tpu.memref_slice %arg6[%add3A_7, %dma_start3A_140] : memref<64x50000xf32, #tpu.memory_space<hbm>> -> memref<1x50000xf32, #tpu.memory_space<hbm>>
      %dma_start3A_142 = tpu.memref_squeeze %dma_start3A_141 : memref<1x50000xf32, #tpu.memory_space<hbm>> -> memref<50000xf32, #tpu.memory_space<hbm>>
      %dma_start3A_143 = arith.constant 0 : i32
      %dma_start3A_144 = tpu.memref_slice %arg6[%add3A_7, %dma_start3A_143] : memref<64x50000xf32, #tpu.memory_space<hbm>> -> memref<1x50000xf32, #tpu.memory_space<hbm>>
      %dma_start3A_145 = tpu.memref_squeeze %dma_start3A_144 : memref<1x50000xf32, #tpu.memory_space<hbm>> -> memref<50000xf32, #tpu.memory_space<hbm>>
      tpu.enqueue_dma source(%arg8 : memref<50000xf32, #tpu.memory_space<vmem>>) target(%dma_start3A_145 : memref<50000xf32, #tpu.memory_space<hbm>>) target_semaphore(%run_scoped3A : memref<!tpu.dma_semaphore, #tpu.memory_space<semaphore_mem>>)
      %dma_wait3A = arith.constant 0 : i32
      %dma_wait3A_146 = tpu.memref_slice %arg6[%add3A_7, %dma_wait3A] : memref<64x50000xf32, #tpu.memory_space<hbm>> -> memref<1x50000xf32, #tpu.memory_space<hbm>>
      %dma_wait3A_147 = tpu.memref_squeeze %dma_wait3A_146 : memref<1x50000xf32, #tpu.memory_space<hbm>> -> memref<50000xf32, #tpu.memory_space<hbm>>
      %dma_wait3A_148 = arith.constant 0 : i32
      %dma_wait3A_149 = tpu.memref_slice %arg6[%add3A_7, %dma_wait3A_148] : memref<64x50000xf32, #tpu.memory_space<hbm>> -> memref<1x50000xf32, #tpu.memory_space<hbm>>
      %dma_wait3A_150 = tpu.memref_squeeze %dma_wait3A_149 : memref<1x50000xf32, #tpu.memory_space<hbm>> -> memref<50000xf32, #tpu.memory_space<hbm>>
      tpu.wait_dma2 semaphore(%run_scoped3A : memref<!tpu.dma_semaphore, #tpu.memory_space<semaphore_mem>>) src(%arg8 : memref<50000xf32, #tpu.memory_space<vmem>>) dst(%dma_wait3A_150 : memref<50000xf32, #tpu.memory_space<hbm>>)
      tpu.yield
    }) : () -> ()
    %scan3A_50 = arith.constant 0 : i32
    %scan3A_51 = arith.constant 3125 : i32
    %scan3A_52 = arith.addi %scan3A_50, %scan3A_51 : i32
    %scan3A_53 = arith.constant 1 : i32
    scf.for %scan3A_140 = %scan3A_50 to %scan3A_52 step %scan3A_53  : i32 {
      %mul3A_141 = arith.constant 1 : i32
      %mul3A_142 = arith.muli %scan3A_140, %mul3A_141 : i32
      %add3A_143 = arith.constant 0 : i32
      %add3A_144 = arith.addi %add3A_143, %mul3A_142 : i32
      %mul3A_145 = arith.constant 16 : i32
      %mul3A_146 = arith.muli %add3A_144, %mul3A_145 : i32
      %swap3A = arith.index_cast %mul3A_146 : i32 to index
      %swap3A_147 = tpu.vector_load %arg9[%swap3A] {strides = array<i32>} : memref<50000xf32, #tpu.memory_space<vmem>>, vector<16xf32>,
      tpu.vector_store %arg9[%swap3A], %broadcast_in_dim3A_1 {strides = array<i32>} : memref<50000xf32, #tpu.memory_space<vmem>>, vector<16xf32>,
    }
    %scan3A_54 = arith.constant 3125 : i32
    %dma_start3A_55 = arith.constant 0 : i32
    %dma_start3A_56 = arith.constant 0 : i32
    %dma_start3A_57 = tpu.memref_slice %arg3[%dma_start3A_55, %dma_start3A_56] : memref<25600x32xi32, #tpu.memory_space<hbm>> -> memref<200x32xi32, #tpu.memory_space<hbm>>
    %dma_start3A_58 = arith.constant 0 : i32
    %dma_start3A_59 = arith.constant 0 : i32
    %dma_start3A_60 = tpu.memref_slice %arg3[%dma_start3A_58, %dma_start3A_59] : memref<25600x32xi32, #tpu.memory_space<hbm>> -> memref<200x32xi32, #tpu.memory_space<hbm>>
    tpu.enqueue_dma source(%dma_start3A_60 : memref<200x32xi32, #tpu.memory_space<hbm>>) target(%arg10 : memref<200x32xi32, #tpu.memory_space<vmem>>) target_semaphore(%arg14 : memref<!tpu.dma_semaphore, #tpu.memory_space<semaphore_mem>>)
    %dma_start3A_61 = arith.constant 0 : i32
    %dma_start3A_62 = arith.constant 0 : i32
    %dma_start3A_63 = tpu.memref_slice %arg4[%dma_start3A_61, %dma_start3A_62] : memref<25600x32xf32, #tpu.memory_space<hbm>> -> memref<200x32xf32, #tpu.memory_space<hbm>>
    %dma_start3A_64 = arith.constant 0 : i32
    %dma_start3A_65 = arith.constant 0 : i32
    %dma_start3A_66 = tpu.memref_slice %arg4[%dma_start3A_64, %dma_start3A_65] : memref<25600x32xf32, #tpu.memory_space<hbm>> -> memref<200x32xf32, #tpu.memory_space<hbm>>
    tpu.enqueue_dma source(%dma_start3A_66 : memref<200x32xf32, #tpu.memory_space<hbm>>) target(%arg12 : memref<200x32xf32, #tpu.memory_space<vmem>>) target_semaphore(%arg14 : memref<!tpu.dma_semaphore, #tpu.memory_space<semaphore_mem>>)
    %scan3A_67 = arith.constant 0 : i32
    %scan3A_68 = arith.constant 64 : i32
    %scan3A_69 = arith.addi %scan3A_67, %scan3A_68 : i32
    %scan3A_70 = arith.constant 1 : i32
    scf.for %scan3A_140 = %scan3A_67 to %scan3A_69 step %scan3A_70  : i32 {
      %mul3A_141 = arith.constant 2 : i32
      %mul3A_142 = arith.muli %scan3A_140, %mul3A_141 : i32
      %add3A_143 = arith.constant 0 : i32
      %add3A_144 = arith.addi %add3A_143, %mul3A_142 : i32
      %add3A_145 = arith.constant 0 : i32
      %add3A_146 = arith.addi %add3A_144, %add3A_145 : i32
      %add3A_147 = arith.constant 1 : i32
      %add3A_148 = arith.addi %add3A_146, %add3A_147 : i32
      %lt3A = arith.constant 128 : i32
      %lt3A_149 = arith.cmpi slt, %add3A_148, %lt3A : i32
      %convert_element_type3A = arith.extui %lt3A_149 : i1 to i32
      %cond3A = arith.constant 0 : i32
      %cond3A_150 = arith.cmpi ne, %convert_element_type3A, %cond3A : i32
      scf.if %cond3A_150 {
        %add3A_188 = arith.constant 1 : i32
        %add3A_189 = arith.addi %add3A_146, %add3A_188 : i32
        %mul3A_190 = arith.constant 50 : i32
        %mul3A_191 = arith.muli %add3A_189, %mul3A_190 : i32
        %mul3A_192 = arith.constant 4 : i32
        %mul3A_193 = arith.muli %mul3A_191, %mul3A_192 : i32
        %dma_start3A_194 = arith.constant 0 : i32
        %dma_start3A_195 = tpu.memref_slice %arg3[%mul3A_193, %dma_start3A_194] : memref<25600x32xi32, #tpu.memory_space<hbm>> -> memref<200x32xi32, #tpu.memory_space<hbm>>
        %dma_start3A_196 = arith.constant 0 : i32
        %dma_start3A_197 = tpu.memref_slice %arg3[%mul3A_193, %dma_start3A_196] : memref<25600x32xi32, #tpu.memory_space<hbm>> -> memref<200x32xi32, #tpu.memory_space<hbm>>
        tpu.enqueue_dma source(%dma_start3A_197 : memref<200x32xi32, #tpu.memory_space<hbm>>) target(%arg11 : memref<200x32xi32, #tpu.memory_space<vmem>>) target_semaphore(%arg15 : memref<!tpu.dma_semaphore, #tpu.memory_space<semaphore_mem>>)
        %dma_start3A_198 = arith.constant 0 : i32
        %dma_start3A_199 = tpu.memref_slice %arg4[%mul3A_193, %dma_start3A_198] : memref<25600x32xf32, #tpu.memory_space<hbm>> -> memref<200x32xf32, #tpu.memory_space<hbm>>
        %dma_start3A_200 = arith.constant 0 : i32
        %dma_start3A_201 = tpu.memref_slice %arg4[%mul3A_193, %dma_start3A_200] : memref<25600x32xf32, #tpu.memory_space<hbm>> -> memref<200x32xf32, #tpu.memory_space<hbm>>
        tpu.enqueue_dma source(%dma_start3A_201 : memref<200x32xf32, #tpu.memory_space<hbm>>) target(%arg13 : memref<200x32xf32, #tpu.memory_space<vmem>>) target_semaphore(%arg15 : memref<!tpu.dma_semaphore, #tpu.memory_space<semaphore_mem>>)
      } else {
      }
      %dma_wait3A = arith.constant 0 : i32
      %dma_wait3A_151 = arith.constant 0 : i32
      %dma_wait3A_152 = tpu.memref_slice %arg3[%dma_wait3A, %dma_wait3A_151] : memref<25600x32xi32, #tpu.memory_space<hbm>> -> memref<200x32xi32, #tpu.memory_space<hbm>>
      %dma_wait3A_153 = arith.constant 0 : i32
      %dma_wait3A_154 = arith.constant 0 : i32
      %dma_wait3A_155 = tpu.memref_slice %arg3[%dma_wait3A_153, %dma_wait3A_154] : memref<25600x32xi32, #tpu.memory_space<hbm>> -> memref<200x32xi32, #tpu.memory_space<hbm>>
      tpu.wait_dma2 semaphore(%arg14 : memref<!tpu.dma_semaphore, #tpu.memory_space<semaphore_mem>>) src(%dma_wait3A_155 : memref<200x32xi32, #tpu.memory_space<hbm>>) dst(%arg10 : memref<200x32xi32, #tpu.memory_space<vmem>>)
      %dma_wait3A_156 = arith.constant 0 : i32
      %dma_wait3A_157 = arith.constant 0 : i32
      %dma_wait3A_158 = tpu.memref_slice %arg4[%dma_wait3A_156, %dma_wait3A_157] : memref<25600x32xf32, #tpu.memory_space<hbm>> -> memref<200x32xf32, #tpu.memory_space<hbm>>
      %dma_wait3A_159 = arith.constant 0 : i32
      %dma_wait3A_160 = arith.constant 0 : i32
      %dma_wait3A_161 = tpu.memref_slice %arg4[%dma_wait3A_159, %dma_wait3A_160] : memref<25600x32xf32, #tpu.memory_space<hbm>> -> memref<200x32xf32, #tpu.memory_space<hbm>>
      tpu.wait_dma2 semaphore(%arg14 : memref<!tpu.dma_semaphore, #tpu.memory_space<semaphore_mem>>) src(%dma_wait3A_161 : memref<200x32xf32, #tpu.memory_space<hbm>>) dst(%arg12 : memref<200x32xf32, #tpu.memory_space<vmem>>)
      %parallel_loop3A = arith.constant 0 : i32
      %parallel_loop3A_162 = arith.constant 200 : i32
      %parallel_loop3A_163 = arith.constant 1 : i32
      scf.for %parallel_loop3A_188 = %parallel_loop3A to %parallel_loop3A_162 step %parallel_loop3A_163  : i32 {
        %parallel_loop3A_189 = arith.index_cast %parallel_loop3A_188 : i32 to index
        %parallel_loop3A_190 = arith.constant 0 : index
        %parallel_loop3A_191 = tpu.vector_load %arg10[%parallel_loop3A_189, %parallel_loop3A_190] {strides = array<i32>} : memref<200x32xi32, #tpu.memory_space<vmem>>, vector<16xi32>,
        %parallel_loop3A_192 = arith.index_cast %parallel_loop3A_188 : i32 to index
        %parallel_loop3A_193 = arith.constant 0 : index
        %parallel_loop3A_194 = tpu.vector_load %arg12[%parallel_loop3A_192, %parallel_loop3A_193] {strides = array<i32>} : memref<200x32xf32, #tpu.memory_space<vmem>>, vector<16xf32>,
        %parallel_loop3A_195 = arith.andi %parallel_loop3A_191, %broadcast_in_dim3A_5 : vector<16xi32>
        %parallel_loop3A_196 = arith.shrui %parallel_loop3A_191, %broadcast_in_dim3A_3 : vector<16xi32>
        %parallel_loop3A_197 = tpu.vector_load_idx %arg8[%parallel_loop3A_195] : memref<50000xf32, #tpu.memory_space<vmem>>[vector<16xi32>], vector<16xf32>,
        %parallel_loop3A_198 = arith.mulf %parallel_loop3A_197, %parallel_loop3A_194 : vector<16xf32>
        tpu.vector_store_idx %arg9[%parallel_loop3A_196], %parallel_loop3A_198 {add = true} : memref<50000xf32, #tpu.memory_space<vmem>>[vector<16xi32>], vector<16xf32>,
        %parallel_loop3A_199 = arith.index_cast %parallel_loop3A_188 : i32 to index
        %parallel_loop3A_200 = arith.constant 16 : index
        %parallel_loop3A_201 = tpu.vector_load %arg10[%parallel_loop3A_199, %parallel_loop3A_200] {strides = array<i32>} : memref<200x32xi32, #tpu.memory_space<vmem>>, vector<16xi32>,
        %parallel_loop3A_202 = arith.index_cast %parallel_loop3A_188 : i32 to index
        %parallel_loop3A_203 = arith.constant 16 : index
        %parallel_loop3A_204 = tpu.vector_load %arg12[%parallel_loop3A_202, %parallel_loop3A_203] {strides = array<i32>} : memref<200x32xf32, #tpu.memory_space<vmem>>, vector<16xf32>,
        %parallel_loop3A_205 = arith.andi %parallel_loop3A_201, %broadcast_in_dim3A_5 : vector<16xi32>
        %parallel_loop3A_206 = arith.shrui %parallel_loop3A_201, %broadcast_in_dim3A_3 : vector<16xi32>
        %parallel_loop3A_207 = tpu.vector_load_idx %arg8[%parallel_loop3A_205] : memref<50000xf32, #tpu.memory_space<vmem>>[vector<16xi32>], vector<16xf32>,
        %parallel_loop3A_208 = arith.mulf %parallel_loop3A_207, %parallel_loop3A_204 : vector<16xf32>
        tpu.vector_store_idx %arg9[%parallel_loop3A_206], %parallel_loop3A_208 {add = true} : memref<50000xf32, #tpu.memory_space<vmem>>[vector<16xi32>], vector<16xf32>,
      } {sc.loop_unroll_factor = 1 : i64, sc.parallel_access}
      %add3A_164 = arith.constant 1 : i32
      %add3A_165 = arith.addi %add3A_144, %add3A_164 : i32
      %add3A_166 = arith.constant 1 : i32
      %add3A_167 = arith.addi %add3A_165, %add3A_166 : i32
      %lt3A_168 = arith.constant 128 : i32
      %lt3A_169 = arith.cmpi slt, %add3A_167, %lt3A_168 : i32
      %convert_element_type3A_170 = arith.extui %lt3A_169 : i1 to i32
      %cond3A_171 = arith.constant 0 : i32
      %cond3A_172 = arith.cmpi ne, %convert_element_type3A_170, %cond3A_171 : i32
      scf.if %cond3A_172 {
        %add3A_188 = arith.constant 1 : i32
        %add3A_189 = arith.addi %add3A_165, %add3A_188 : i32
        %mul3A_190 = arith.constant 50 : i32
        %mul3A_191 = arith.muli %add3A_189, %mul3A_190 : i32
        %mul3A_192 = arith.constant 4 : i32
        %mul3A_193 = arith.muli %mul3A_191, %mul3A_192 : i32
        %dma_start3A_194 = arith.constant 0 : i32
        %dma_start3A_195 = tpu.memref_slice %arg3[%mul3A_193, %dma_start3A_194] : memref<25600x32xi32, #tpu.memory_space<hbm>> -> memref<200x32xi32, #tpu.memory_space<hbm>>
        %dma_start3A_196 = arith.constant 0 : i32
        %dma_start3A_197 = tpu.memref_slice %arg3[%mul3A_193, %dma_start3A_196] : memref<25600x32xi32, #tpu.memory_space<hbm>> -> memref<200x32xi32, #tpu.memory_space<hbm>>
        tpu.enqueue_dma source(%dma_start3A_197 : memref<200x32xi32, #tpu.memory_space<hbm>>) target(%arg10 : memref<200x32xi32, #tpu.memory_space<vmem>>) target_semaphore(%arg14 : memref<!tpu.dma_semaphore, #tpu.memory_space<semaphore_mem>>)
        %dma_start3A_198 = arith.constant 0 : i32
        %dma_start3A_199 = tpu.memref_slice %arg4[%mul3A_193, %dma_start3A_198] : memref<25600x32xf32, #tpu.memory_space<hbm>> -> memref<200x32xf32, #tpu.memory_space<hbm>>
        %dma_start3A_200 = arith.constant 0 : i32
        %dma_start3A_201 = tpu.memref_slice %arg4[%mul3A_193, %dma_start3A_200] : memref<25600x32xf32, #tpu.memory_space<hbm>> -> memref<200x32xf32, #tpu.memory_space<hbm>>
        tpu.enqueue_dma source(%dma_start3A_201 : memref<200x32xf32, #tpu.memory_space<hbm>>) target(%arg12 : memref<200x32xf32, #tpu.memory_space<vmem>>) target_semaphore(%arg14 : memref<!tpu.dma_semaphore, #tpu.memory_space<semaphore_mem>>)
      } else {
      }
      %dma_wait3A_173 = arith.constant 0 : i32
      %dma_wait3A_174 = arith.constant 0 : i32
      %dma_wait3A_175 = tpu.memref_slice %arg3[%dma_wait3A_173, %dma_wait3A_174] : memref<25600x32xi32, #tpu.memory_space<hbm>> -> memref<200x32xi32, #tpu.memory_space<hbm>>
      %dma_wait3A_176 = arith.constant 0 : i32
      %dma_wait3A_177 = arith.constant 0 : i32
      %dma_wait3A_178 = tpu.memref_slice %arg3[%dma_wait3A_176, %dma_wait3A_177] : memref<25600x32xi32, #tpu.memory_space<hbm>> -> memref<200x32xi32, #tpu.memory_space<hbm>>
      tpu.wait_dma2 semaphore(%arg15 : memref<!tpu.dma_semaphore, #tpu.memory_space<semaphore_mem>>) src(%dma_wait3A_178 : memref<200x32xi32, #tpu.memory_space<hbm>>) dst(%arg11 : memref<200x32xi32, #tpu.memory_space<vmem>>)
      %dma_wait3A_179 = arith.constant 0 : i32
      %dma_wait3A_180 = arith.constant 0 : i32
      %dma_wait3A_181 = tpu.memref_slice %arg4[%dma_wait3A_179, %dma_wait3A_180] : memref<25600x32xf32, #tpu.memory_space<hbm>> -> memref<200x32xf32, #tpu.memory_space<hbm>>
      %dma_wait3A_182 = arith.constant 0 : i32
      %dma_wait3A_183 = arith.constant 0 : i32
      %dma_wait3A_184 = tpu.memref_slice %arg4[%dma_wait3A_182, %dma_wait3A_183] : memref<25600x32xf32, #tpu.memory_space<hbm>> -> memref<200x32xf32, #tpu.memory_space<hbm>>
      tpu.wait_dma2 semaphore(%arg15 : memref<!tpu.dma_semaphore, #tpu.memory_space<semaphore_mem>>) src(%dma_wait3A_184 : memref<200x32xf32, #tpu.memory_space<hbm>>) dst(%arg13 : memref<200x32xf32, #tpu.memory_space<vmem>>)
      %parallel_loop3A_185 = arith.constant 0 : i32
      %parallel_loop3A_186 = arith.constant 200 : i32
      %parallel_loop3A_187 = arith.constant 1 : i32
      scf.for %parallel_loop3A_188 = %parallel_loop3A_185 to %parallel_loop3A_186 step %parallel_loop3A_187  : i32 {
        %parallel_loop3A_189 = arith.index_cast %parallel_loop3A_188 : i32 to index
        %parallel_loop3A_190 = arith.constant 0 : index
        %parallel_loop3A_191 = tpu.vector_load %arg11[%parallel_loop3A_189, %parallel_loop3A_190] {strides = array<i32>} : memref<200x32xi32, #tpu.memory_space<vmem>>, vector<16xi32>,
        %parallel_loop3A_192 = arith.index_cast %parallel_loop3A_188 : i32 to index
        %parallel_loop3A_193 = arith.constant 0 : index
        %parallel_loop3A_194 = tpu.vector_load %arg13[%parallel_loop3A_192, %parallel_loop3A_193] {strides = array<i32>} : memref<200x32xf32, #tpu.memory_space<vmem>>, vector<16xf32>,
        %parallel_loop3A_195 = arith.andi %parallel_loop3A_191, %broadcast_in_dim3A_5 : vector<16xi32>
        %parallel_loop3A_196 = arith.shrui %parallel_loop3A_191, %broadcast_in_dim3A_3 : vector<16xi32>
        %parallel_loop3A_197 = tpu.vector_load_idx %arg8[%parallel_loop3A_195] : memref<50000xf32, #tpu.memory_space<vmem>>[vector<16xi32>], vector<16xf32>,
        %parallel_loop3A_198 = arith.mulf %parallel_loop3A_197, %parallel_loop3A_194 : vector<16xf32>
        tpu.vector_store_idx %arg9[%parallel_loop3A_196], %parallel_loop3A_198 {add = true} : memref<50000xf32, #tpu.memory_space<vmem>>[vector<16xi32>], vector<16xf32>,
        %parallel_loop3A_199 = arith.index_cast %parallel_loop3A_188 : i32 to index
        %parallel_loop3A_200 = arith.constant 16 : index
        %parallel_loop3A_201 = tpu.vector_load %arg11[%parallel_loop3A_199, %parallel_loop3A_200] {strides = array<i32>} : memref<200x32xi32, #tpu.memory_space<vmem>>, vector<16xi32>,
        %parallel_loop3A_202 = arith.index_cast %parallel_loop3A_188 : i32 to index
        %parallel_loop3A_203 = arith.constant 16 : index
        %parallel_loop3A_204 = tpu.vector_load %arg13[%parallel_loop3A_202, %parallel_loop3A_203] {strides = array<i32>} : memref<200x32xf32, #tpu.memory_space<vmem>>, vector<16xf32>,
        %parallel_loop3A_205 = arith.andi %parallel_loop3A_201, %broadcast_in_dim3A_5 : vector<16xi32>
        %parallel_loop3A_206 = arith.shrui %parallel_loop3A_201, %broadcast_in_dim3A_3 : vector<16xi32>
        %parallel_loop3A_207 = tpu.vector_load_idx %arg8[%parallel_loop3A_205] : memref<50000xf32, #tpu.memory_space<vmem>>[vector<16xi32>], vector<16xf32>,
        %parallel_loop3A_208 = arith.mulf %parallel_loop3A_207, %parallel_loop3A_204 : vector<16xf32>
        tpu.vector_store_idx %arg9[%parallel_loop3A_206], %parallel_loop3A_208 {add = true} : memref<50000xf32, #tpu.memory_space<vmem>>[vector<16xi32>], vector<16xf32>,
      } {sc.loop_unroll_factor = 1 : i64, sc.parallel_access}
    }
    %scan3A_71 = arith.constant 64 : i32
    "tpu.region"() ({
      %run_scoped3A = tpu.sem_alloc : memref<!tpu.dma_semaphore, #tpu.memory_space<semaphore_mem>>
      %dma_start3A_140 = arith.constant 0 : i32
      %dma_start3A_141 = tpu.memref_slice %arg7[%add3A_7, %dma_start3A_140] : memref<64x50000xf32, #tpu.memory_space<hbm>> -> memref<1x50000xf32, #tpu.memory_space<hbm>>
      %dma_start3A_142 = tpu.memref_squeeze %dma_start3A_141 : memref<1x50000xf32, #tpu.memory_space<hbm>> -> memref<50000xf32, #tpu.memory_space<hbm>>
      %dma_start3A_143 = arith.constant 0 : i32
      %dma_start3A_144 = tpu.memref_slice %arg7[%add3A_7, %dma_start3A_143] : memref<64x50000xf32, #tpu.memory_space<hbm>> -> memref<1x50000xf32, #tpu.memory_space<hbm>>
      %dma_start3A_145 = tpu.memref_squeeze %dma_start3A_144 : memref<1x50000xf32, #tpu.memory_space<hbm>> -> memref<50000xf32, #tpu.memory_space<hbm>>
      tpu.enqueue_dma source(%arg9 : memref<50000xf32, #tpu.memory_space<vmem>>) target(%dma_start3A_145 : memref<50000xf32, #tpu.memory_space<hbm>>) target_semaphore(%run_scoped3A : memref<!tpu.dma_semaphore, #tpu.memory_space<semaphore_mem>>)
      %dma_wait3A = arith.constant 0 : i32
      %dma_wait3A_146 = tpu.memref_slice %arg7[%add3A_7, %dma_wait3A] : memref<64x50000xf32, #tpu.memory_space<hbm>> -> memref<1x50000xf32, #tpu.memory_space<hbm>>
      %dma_wait3A_147 = tpu.memref_squeeze %dma_wait3A_146 : memref<1x50000xf32, #tpu.memory_space<hbm>> -> memref<50000xf32, #tpu.memory_space<hbm>>
      %dma_wait3A_148 = arith.constant 0 : i32
      %dma_wait3A_149 = tpu.memref_slice %arg7[%add3A_7, %dma_wait3A_148] : memref<64x50000xf32, #tpu.memory_space<hbm>> -> memref<1x50000xf32, #tpu.memory_space<hbm>>
      %dma_wait3A_150 = tpu.memref_squeeze %dma_wait3A_149 : memref<1x50000xf32, #tpu.memory_space<hbm>> -> memref<50000xf32, #tpu.memory_space<hbm>>
      tpu.wait_dma2 semaphore(%run_scoped3A : memref<!tpu.dma_semaphore, #tpu.memory_space<semaphore_mem>>) src(%arg9 : memref<50000xf32, #tpu.memory_space<vmem>>) dst(%dma_wait3A_150 : memref<50000xf32, #tpu.memory_space<hbm>>)
      tpu.yield
    }) : () -> ()
    %add3A_72 = arith.constant 32 : i32
    %add3A_73 = arith.addi %add3A, %add3A_72 : i32
    "tpu.region"() ({
      %run_scoped3A = tpu.sem_alloc : memref<!tpu.dma_semaphore, #tpu.memory_space<semaphore_mem>>
      %dma_start3A_140 = arith.constant 0 : i32
      %dma_start3A_141 = tpu.memref_slice %arg2[%add3A_73, %dma_start3A_140] : memref<64x50000xf32, #tpu.memory_space<hbm>> -> memref<1x50000xf32, #tpu.memory_space<hbm>>
      %dma_start3A_142 = tpu.memref_squeeze %dma_start3A_141 : memref<1x50000xf32, #tpu.memory_space<hbm>> -> memref<50000xf32, #tpu.memory_space<hbm>>
      %dma_start3A_143 = arith.constant 0 : i32
      %dma_start3A_144 = tpu.memref_slice %arg2[%add3A_73, %dma_start3A_143] : memref<64x50000xf32, #tpu.memory_space<hbm>> -> memref<1x50000xf32, #tpu.memory_space<hbm>>
      %dma_start3A_145 = tpu.memref_squeeze %dma_start3A_144 : memref<1x50000xf32, #tpu.memory_space<hbm>> -> memref<50000xf32, #tpu.memory_space<hbm>>
      tpu.enqueue_dma source(%dma_start3A_145 : memref<50000xf32, #tpu.memory_space<hbm>>) target(%arg8 : memref<50000xf32, #tpu.memory_space<vmem>>) target_semaphore(%run_scoped3A : memref<!tpu.dma_semaphore, #tpu.memory_space<semaphore_mem>>)
      %dma_wait3A = arith.constant 0 : i32
      %dma_wait3A_146 = tpu.memref_slice %arg2[%add3A_73, %dma_wait3A] : memref<64x50000xf32, #tpu.memory_space<hbm>> -> memref<1x50000xf32, #tpu.memory_space<hbm>>
      %dma_wait3A_147 = tpu.memref_squeeze %dma_wait3A_146 : memref<1x50000xf32, #tpu.memory_space<hbm>> -> memref<50000xf32, #tpu.memory_space<hbm>>
      %dma_wait3A_148 = arith.constant 0 : i32
      %dma_wait3A_149 = tpu.memref_slice %arg2[%add3A_73, %dma_wait3A_148] : memref<64x50000xf32, #tpu.memory_space<hbm>> -> memref<1x50000xf32, #tpu.memory_space<hbm>>
      %dma_wait3A_150 = tpu.memref_squeeze %dma_wait3A_149 : memref<1x50000xf32, #tpu.memory_space<hbm>> -> memref<50000xf32, #tpu.memory_space<hbm>>
      tpu.wait_dma2 semaphore(%run_scoped3A : memref<!tpu.dma_semaphore, #tpu.memory_space<semaphore_mem>>) src(%dma_wait3A_150 : memref<50000xf32, #tpu.memory_space<hbm>>) dst(%arg8 : memref<50000xf32, #tpu.memory_space<vmem>>)
      tpu.yield
    }) : () -> ()
    %scan3A_74 = arith.constant 0 : i32
    %scan3A_75 = arith.constant 3125 : i32
    %scan3A_76 = arith.addi %scan3A_74, %scan3A_75 : i32
    %scan3A_77 = arith.constant 1 : i32
    scf.for %scan3A_140 = %scan3A_74 to %scan3A_76 step %scan3A_77  : i32 {
      %mul3A_141 = arith.constant 1 : i32
      %mul3A_142 = arith.muli %scan3A_140, %mul3A_141 : i32
      %add3A_143 = arith.constant 0 : i32
      %add3A_144 = arith.addi %add3A_143, %mul3A_142 : i32
      %mul3A_145 = arith.constant 16 : i32
      %mul3A_146 = arith.muli %add3A_144, %mul3A_145 : i32
      %swap3A = arith.index_cast %mul3A_146 : i32 to index
      %swap3A_147 = tpu.vector_load %arg9[%swap3A] {strides = array<i32>} : memref<50000xf32, #tpu.memory_space<vmem>>, vector<16xf32>,
      tpu.vector_store %arg9[%swap3A], %broadcast_in_dim3A_1 {strides = array<i32>} : memref<50000xf32, #tpu.memory_space<vmem>>, vector<16xf32>,
    }
    %scan3A_78 = arith.constant 3125 : i32
    %dma_start3A_79 = arith.constant 0 : i32
    %dma_start3A_80 = arith.constant 0 : i32
    %dma_start3A_81 = tpu.memref_slice %arg3[%dma_start3A_79, %dma_start3A_80] : memref<25600x32xi32, #tpu.memory_space<hbm>> -> memref<200x32xi32, #tpu.memory_space<hbm>>
    %dma_start3A_82 = arith.constant 0 : i32
    %dma_start3A_83 = arith.constant 0 : i32
    %dma_start3A_84 = tpu.memref_slice %arg3[%dma_start3A_82, %dma_start3A_83] : memref<25600x32xi32, #tpu.memory_space<hbm>> -> memref<200x32xi32, #tpu.memory_space<hbm>>
    tpu.enqueue_dma source(%dma_start3A_84 : memref<200x32xi32, #tpu.memory_space<hbm>>) target(%arg10 : memref<200x32xi32, #tpu.memory_space<vmem>>) target_semaphore(%arg14 : memref<!tpu.dma_semaphore, #tpu.memory_space<semaphore_mem>>)
    %dma_start3A_85 = arith.constant 0 : i32
    %dma_start3A_86 = arith.constant 0 : i32
    %dma_start3A_87 = tpu.memref_slice %arg4[%dma_start3A_85, %dma_start3A_86] : memref<25600x32xf32, #tpu.memory_space<hbm>> -> memref<200x32xf32, #tpu.memory_space<hbm>>
    %dma_start3A_88 = arith.constant 0 : i32
    %dma_start3A_89 = arith.constant 0 : i32
    %dma_start3A_90 = tpu.memref_slice %arg4[%dma_start3A_88, %dma_start3A_89] : memref<25600x32xf32, #tpu.memory_space<hbm>> -> memref<200x32xf32, #tpu.memory_space<hbm>>
    tpu.enqueue_dma source(%dma_start3A_90 : memref<200x32xf32, #tpu.memory_space<hbm>>) target(%arg12 : memref<200x32xf32, #tpu.memory_space<vmem>>) target_semaphore(%arg14 : memref<!tpu.dma_semaphore, #tpu.memory_space<semaphore_mem>>)
    %scan3A_91 = arith.constant 0 : i32
    %scan3A_92 = arith.constant 64 : i32
    %scan3A_93 = arith.addi %scan3A_91, %scan3A_92 : i32
    %scan3A_94 = arith.constant 1 : i32
    scf.for %scan3A_140 = %scan3A_91 to %scan3A_93 step %scan3A_94  : i32 {
      %mul3A_141 = arith.constant 2 : i32
      %mul3A_142 = arith.muli %scan3A_140, %mul3A_141 : i32
      %add3A_143 = arith.constant 0 : i32
      %add3A_144 = arith.addi %add3A_143, %mul3A_142 : i32
      %add3A_145 = arith.constant 0 : i32
      %add3A_146 = arith.addi %add3A_144, %add3A_145 : i32
      %add3A_147 = arith.constant 1 : i32
      %add3A_148 = arith.addi %add3A_146, %add3A_147 : i32
      %lt3A = arith.constant 128 : i32
      %lt3A_149 = arith.cmpi slt, %add3A_148, %lt3A : i32
      %convert_element_type3A = arith.extui %lt3A_149 : i1 to i32
      %cond3A = arith.constant 0 : i32
      %cond3A_150 = arith.cmpi ne, %convert_element_type3A, %cond3A : i32
      scf.if %cond3A_150 {
        %add3A_188 = arith.constant 1 : i32
        %add3A_189 = arith.addi %add3A_146, %add3A_188 : i32
        %mul3A_190 = arith.constant 50 : i32
        %mul3A_191 = arith.muli %add3A_189, %mul3A_190 : i32
        %mul3A_192 = arith.constant 4 : i32
        %mul3A_193 = arith.muli %mul3A_191, %mul3A_192 : i32
        %dma_start3A_194 = arith.constant 0 : i32
        %dma_start3A_195 = tpu.memref_slice %arg3[%mul3A_193, %dma_start3A_194] : memref<25600x32xi32, #tpu.memory_space<hbm>> -> memref<200x32xi32, #tpu.memory_space<hbm>>
        %dma_start3A_196 = arith.constant 0 : i32
        %dma_start3A_197 = tpu.memref_slice %arg3[%mul3A_193, %dma_start3A_196] : memref<25600x32xi32, #tpu.memory_space<hbm>> -> memref<200x32xi32, #tpu.memory_space<hbm>>
        tpu.enqueue_dma source(%dma_start3A_197 : memref<200x32xi32, #tpu.memory_space<hbm>>) target(%arg11 : memref<200x32xi32, #tpu.memory_space<vmem>>) target_semaphore(%arg15 : memref<!tpu.dma_semaphore, #tpu.memory_space<semaphore_mem>>)
        %dma_start3A_198 = arith.constant 0 : i32
        %dma_start3A_199 = tpu.memref_slice %arg4[%mul3A_193, %dma_start3A_198] : memref<25600x32xf32, #tpu.memory_space<hbm>> -> memref<200x32xf32, #tpu.memory_space<hbm>>
        %dma_start3A_200 = arith.constant 0 : i32
        %dma_start3A_201 = tpu.memref_slice %arg4[%mul3A_193, %dma_start3A_200] : memref<25600x32xf32, #tpu.memory_space<hbm>> -> memref<200x32xf32, #tpu.memory_space<hbm>>
        tpu.enqueue_dma source(%dma_start3A_201 : memref<200x32xf32, #tpu.memory_space<hbm>>) target(%arg13 : memref<200x32xf32, #tpu.memory_space<vmem>>) target_semaphore(%arg15 : memref<!tpu.dma_semaphore, #tpu.memory_space<semaphore_mem>>)
      } else {
      }
      %dma_wait3A = arith.constant 0 : i32
      %dma_wait3A_151 = arith.constant 0 : i32
      %dma_wait3A_152 = tpu.memref_slice %arg3[%dma_wait3A, %dma_wait3A_151] : memref<25600x32xi32, #tpu.memory_space<hbm>> -> memref<200x32xi32, #tpu.memory_space<hbm>>
      %dma_wait3A_153 = arith.constant 0 : i32
      %dma_wait3A_154 = arith.constant 0 : i32
      %dma_wait3A_155 = tpu.memref_slice %arg3[%dma_wait3A_153, %dma_wait3A_154] : memref<25600x32xi32, #tpu.memory_space<hbm>> -> memref<200x32xi32, #tpu.memory_space<hbm>>
      tpu.wait_dma2 semaphore(%arg14 : memref<!tpu.dma_semaphore, #tpu.memory_space<semaphore_mem>>) src(%dma_wait3A_155 : memref<200x32xi32, #tpu.memory_space<hbm>>) dst(%arg10 : memref<200x32xi32, #tpu.memory_space<vmem>>)
      %dma_wait3A_156 = arith.constant 0 : i32
      %dma_wait3A_157 = arith.constant 0 : i32
      %dma_wait3A_158 = tpu.memref_slice %arg4[%dma_wait3A_156, %dma_wait3A_157] : memref<25600x32xf32, #tpu.memory_space<hbm>> -> memref<200x32xf32, #tpu.memory_space<hbm>>
      %dma_wait3A_159 = arith.constant 0 : i32
      %dma_wait3A_160 = arith.constant 0 : i32
      %dma_wait3A_161 = tpu.memref_slice %arg4[%dma_wait3A_159, %dma_wait3A_160] : memref<25600x32xf32, #tpu.memory_space<hbm>> -> memref<200x32xf32, #tpu.memory_space<hbm>>
      tpu.wait_dma2 semaphore(%arg14 : memref<!tpu.dma_semaphore, #tpu.memory_space<semaphore_mem>>) src(%dma_wait3A_161 : memref<200x32xf32, #tpu.memory_space<hbm>>) dst(%arg12 : memref<200x32xf32, #tpu.memory_space<vmem>>)
      %parallel_loop3A = arith.constant 0 : i32
      %parallel_loop3A_162 = arith.constant 200 : i32
      %parallel_loop3A_163 = arith.constant 1 : i32
      scf.for %parallel_loop3A_188 = %parallel_loop3A to %parallel_loop3A_162 step %parallel_loop3A_163  : i32 {
        %parallel_loop3A_189 = arith.index_cast %parallel_loop3A_188 : i32 to index
        %parallel_loop3A_190 = arith.constant 0 : index
        %parallel_loop3A_191 = tpu.vector_load %arg10[%parallel_loop3A_189, %parallel_loop3A_190] {strides = array<i32>} : memref<200x32xi32, #tpu.memory_space<vmem>>, vector<16xi32>,
        %parallel_loop3A_192 = arith.index_cast %parallel_loop3A_188 : i32 to index
        %parallel_loop3A_193 = arith.constant 0 : index
        %parallel_loop3A_194 = tpu.vector_load %arg12[%parallel_loop3A_192, %parallel_loop3A_193] {strides = array<i32>} : memref<200x32xf32, #tpu.memory_space<vmem>>, vector<16xf32>,
        %parallel_loop3A_195 = arith.andi %parallel_loop3A_191, %broadcast_in_dim3A_5 : vector<16xi32>
        %parallel_loop3A_196 = arith.shrui %parallel_loop3A_191, %broadcast_in_dim3A_3 : vector<16xi32>
        %parallel_loop3A_197 = tpu.vector_load_idx %arg8[%parallel_loop3A_195] : memref<50000xf32, #tpu.memory_space<vmem>>[vector<16xi32>], vector<16xf32>,
        %parallel_loop3A_198 = arith.mulf %parallel_loop3A_197, %parallel_loop3A_194 : vector<16xf32>
        tpu.vector_store_idx %arg9[%parallel_loop3A_196], %parallel_loop3A_198 {add = true} : memref<50000xf32, #tpu.memory_space<vmem>>[vector<16xi32>], vector<16xf32>,
        %parallel_loop3A_199 = arith.index_cast %parallel_loop3A_188 : i32 to index
        %parallel_loop3A_200 = arith.constant 16 : index
        %parallel_loop3A_201 = tpu.vector_load %arg10[%parallel_loop3A_199, %parallel_loop3A_200] {strides = array<i32>} : memref<200x32xi32, #tpu.memory_space<vmem>>, vector<16xi32>,
        %parallel_loop3A_202 = arith.index_cast %parallel_loop3A_188 : i32 to index
        %parallel_loop3A_203 = arith.constant 16 : index
        %parallel_loop3A_204 = tpu.vector_load %arg12[%parallel_loop3A_202, %parallel_loop3A_203] {strides = array<i32>} : memref<200x32xf32, #tpu.memory_space<vmem>>, vector<16xf32>,
        %parallel_loop3A_205 = arith.andi %parallel_loop3A_201, %broadcast_in_dim3A_5 : vector<16xi32>
        %parallel_loop3A_206 = arith.shrui %parallel_loop3A_201, %broadcast_in_dim3A_3 : vector<16xi32>
        %parallel_loop3A_207 = tpu.vector_load_idx %arg8[%parallel_loop3A_205] : memref<50000xf32, #tpu.memory_space<vmem>>[vector<16xi32>], vector<16xf32>,
        %parallel_loop3A_208 = arith.mulf %parallel_loop3A_207, %parallel_loop3A_204 : vector<16xf32>
        tpu.vector_store_idx %arg9[%parallel_loop3A_206], %parallel_loop3A_208 {add = true} : memref<50000xf32, #tpu.memory_space<vmem>>[vector<16xi32>], vector<16xf32>,
      } {sc.loop_unroll_factor = 1 : i64, sc.parallel_access}
      %add3A_164 = arith.constant 1 : i32
      %add3A_165 = arith.addi %add3A_144, %add3A_164 : i32
      %add3A_166 = arith.constant 1 : i32
      %add3A_167 = arith.addi %add3A_165, %add3A_166 : i32
      %lt3A_168 = arith.constant 128 : i32
      %lt3A_169 = arith.cmpi slt, %add3A_167, %lt3A_168 : i32
      %convert_element_type3A_170 = arith.extui %lt3A_169 : i1 to i32
      %cond3A_171 = arith.constant 0 : i32
      %cond3A_172 = arith.cmpi ne, %convert_element_type3A_170, %cond3A_171 : i32
      scf.if %cond3A_172 {
        %add3A_188 = arith.constant 1 : i32
        %add3A_189 = arith.addi %add3A_165, %add3A_188 : i32
        %mul3A_190 = arith.constant 50 : i32
        %mul3A_191 = arith.muli %add3A_189, %mul3A_190 : i32
        %mul3A_192 = arith.constant 4 : i32
        %mul3A_193 = arith.muli %mul3A_191, %mul3A_192 : i32
        %dma_start3A_194 = arith.constant 0 : i32
        %dma_start3A_195 = tpu.memref_slice %arg3[%mul3A_193, %dma_start3A_194] : memref<25600x32xi32, #tpu.memory_space<hbm>> -> memref<200x32xi32, #tpu.memory_space<hbm>>
        %dma_start3A_196 = arith.constant 0 : i32
        %dma_start3A_197 = tpu.memref_slice %arg3[%mul3A_193, %dma_start3A_196] : memref<25600x32xi32, #tpu.memory_space<hbm>> -> memref<200x32xi32, #tpu.memory_space<hbm>>
        tpu.enqueue_dma source(%dma_start3A_197 : memref<200x32xi32, #tpu.memory_space<hbm>>) target(%arg10 : memref<200x32xi32, #tpu.memory_space<vmem>>) target_semaphore(%arg14 : memref<!tpu.dma_semaphore, #tpu.memory_space<semaphore_mem>>)
        %dma_start3A_198 = arith.constant 0 : i32
        %dma_start3A_199 = tpu.memref_slice %arg4[%mul3A_193, %dma_start3A_198] : memref<25600x32xf32, #tpu.memory_space<hbm>> -> memref<200x32xf32, #tpu.memory_space<hbm>>
        %dma_start3A_200 = arith.constant 0 : i32
        %dma_start3A_201 = tpu.memref_slice %arg4[%mul3A_193, %dma_start3A_200] : memref<25600x32xf32, #tpu.memory_space<hbm>> -> memref<200x32xf32, #tpu.memory_space<hbm>>
        tpu.enqueue_dma source(%dma_start3A_201 : memref<200x32xf32, #tpu.memory_space<hbm>>) target(%arg12 : memref<200x32xf32, #tpu.memory_space<vmem>>) target_semaphore(%arg14 : memref<!tpu.dma_semaphore, #tpu.memory_space<semaphore_mem>>)
      } else {
      }
      %dma_wait3A_173 = arith.constant 0 : i32
      %dma_wait3A_174 = arith.constant 0 : i32
      %dma_wait3A_175 = tpu.memref_slice %arg3[%dma_wait3A_173, %dma_wait3A_174] : memref<25600x32xi32, #tpu.memory_space<hbm>> -> memref<200x32xi32, #tpu.memory_space<hbm>>
      %dma_wait3A_176 = arith.constant 0 : i32
      %dma_wait3A_177 = arith.constant 0 : i32
      %dma_wait3A_178 = tpu.memref_slice %arg3[%dma_wait3A_176, %dma_wait3A_177] : memref<25600x32xi32, #tpu.memory_space<hbm>> -> memref<200x32xi32, #tpu.memory_space<hbm>>
      tpu.wait_dma2 semaphore(%arg15 : memref<!tpu.dma_semaphore, #tpu.memory_space<semaphore_mem>>) src(%dma_wait3A_178 : memref<200x32xi32, #tpu.memory_space<hbm>>) dst(%arg11 : memref<200x32xi32, #tpu.memory_space<vmem>>)
      %dma_wait3A_179 = arith.constant 0 : i32
      %dma_wait3A_180 = arith.constant 0 : i32
      %dma_wait3A_181 = tpu.memref_slice %arg4[%dma_wait3A_179, %dma_wait3A_180] : memref<25600x32xf32, #tpu.memory_space<hbm>> -> memref<200x32xf32, #tpu.memory_space<hbm>>
      %dma_wait3A_182 = arith.constant 0 : i32
      %dma_wait3A_183 = arith.constant 0 : i32
      %dma_wait3A_184 = tpu.memref_slice %arg4[%dma_wait3A_182, %dma_wait3A_183] : memref<25600x32xf32, #tpu.memory_space<hbm>> -> memref<200x32xf32, #tpu.memory_space<hbm>>
      tpu.wait_dma2 semaphore(%arg15 : memref<!tpu.dma_semaphore, #tpu.memory_space<semaphore_mem>>) src(%dma_wait3A_184 : memref<200x32xf32, #tpu.memory_space<hbm>>) dst(%arg13 : memref<200x32xf32, #tpu.memory_space<vmem>>)
      %parallel_loop3A_185 = arith.constant 0 : i32
      %parallel_loop3A_186 = arith.constant 200 : i32
      %parallel_loop3A_187 = arith.constant 1 : i32
      scf.for %parallel_loop3A_188 = %parallel_loop3A_185 to %parallel_loop3A_186 step %parallel_loop3A_187  : i32 {
        %parallel_loop3A_189 = arith.index_cast %parallel_loop3A_188 : i32 to index
        %parallel_loop3A_190 = arith.constant 0 : index
        %parallel_loop3A_191 = tpu.vector_load %arg11[%parallel_loop3A_189, %parallel_loop3A_190] {strides = array<i32>} : memref<200x32xi32, #tpu.memory_space<vmem>>, vector<16xi32>,
        %parallel_loop3A_192 = arith.index_cast %parallel_loop3A_188 : i32 to index
        %parallel_loop3A_193 = arith.constant 0 : index
        %parallel_loop3A_194 = tpu.vector_load %arg13[%parallel_loop3A_192, %parallel_loop3A_193] {strides = array<i32>} : memref<200x32xf32, #tpu.memory_space<vmem>>, vector<16xf32>,
        %parallel_loop3A_195 = arith.andi %parallel_loop3A_191, %broadcast_in_dim3A_5 : vector<16xi32>
        %parallel_loop3A_196 = arith.shrui %parallel_loop3A_191, %broadcast_in_dim3A_3 : vector<16xi32>
        %parallel_loop3A_197 = tpu.vector_load_idx %arg8[%parallel_loop3A_195] : memref<50000xf32, #tpu.memory_space<vmem>>[vector<16xi32>], vector<16xf32>,
        %parallel_loop3A_198 = arith.mulf %parallel_loop3A_197, %parallel_loop3A_194 : vector<16xf32>
        tpu.vector_store_idx %arg9[%parallel_loop3A_196], %parallel_loop3A_198 {add = true} : memref<50000xf32, #tpu.memory_space<vmem>>[vector<16xi32>], vector<16xf32>,
        %parallel_loop3A_199 = arith.index_cast %parallel_loop3A_188 : i32 to index
        %parallel_loop3A_200 = arith.constant 16 : index
        %parallel_loop3A_201 = tpu.vector_load %arg11[%parallel_loop3A_199, %parallel_loop3A_200] {strides = array<i32>} : memref<200x32xi32, #tpu.memory_space<vmem>>, vector<16xi32>,
        %parallel_loop3A_202 = arith.index_cast %parallel_loop3A_188 : i32 to index
        %parallel_loop3A_203 = arith.constant 16 : index
        %parallel_loop3A_204 = tpu.vector_load %arg13[%parallel_loop3A_202, %parallel_loop3A_203] {strides = array<i32>} : memref<200x32xf32, #tpu.memory_space<vmem>>, vector<16xf32>,
        %parallel_loop3A_205 = arith.andi %parallel_loop3A_201, %broadcast_in_dim3A_5 : vector<16xi32>
        %parallel_loop3A_206 = arith.shrui %parallel_loop3A_201, %broadcast_in_dim3A_3 : vector<16xi32>
        %parallel_loop3A_207 = tpu.vector_load_idx %arg8[%parallel_loop3A_205] : memref<50000xf32, #tpu.memory_space<vmem>>[vector<16xi32>], vector<16xf32>,
        %parallel_loop3A_208 = arith.mulf %parallel_loop3A_207, %parallel_loop3A_204 : vector<16xf32>
        tpu.vector_store_idx %arg9[%parallel_loop3A_206], %parallel_loop3A_208 {add = true} : memref<50000xf32, #tpu.memory_space<vmem>>[vector<16xi32>], vector<16xf32>,
      } {sc.loop_unroll_factor = 1 : i64, sc.parallel_access}
    }
    %scan3A_95 = arith.constant 64 : i32
    "tpu.region"() ({
      %run_scoped3A = tpu.sem_alloc : memref<!tpu.dma_semaphore, #tpu.memory_space<semaphore_mem>>
      %dma_start3A_140 = arith.constant 0 : i32
      %dma_start3A_141 = tpu.memref_slice %arg5[%add3A_73, %dma_start3A_140] : memref<64x50000xf32, #tpu.memory_space<hbm>> -> memref<1x50000xf32, #tpu.memory_space<hbm>>
      %dma_start3A_142 = tpu.memref_squeeze %dma_start3A_141 : memref<1x50000xf32, #tpu.memory_space<hbm>> -> memref<50000xf32, #tpu.memory_space<hbm>>
      %dma_start3A_143 = arith.constant 0 : i32
      %dma_start3A_144 = tpu.memref_slice %arg5[%add3A_73, %dma_start3A_143] : memref<64x50000xf32, #tpu.memory_space<hbm>> -> memref<1x50000xf32, #tpu.memory_space<hbm>>
      %dma_start3A_145 = tpu.memref_squeeze %dma_start3A_144 : memref<1x50000xf32, #tpu.memory_space<hbm>> -> memref<50000xf32, #tpu.memory_space<hbm>>
      tpu.enqueue_dma source(%arg9 : memref<50000xf32, #tpu.memory_space<vmem>>) target(%dma_start3A_145 : memref<50000xf32, #tpu.memory_space<hbm>>) target_semaphore(%run_scoped3A : memref<!tpu.dma_semaphore, #tpu.memory_space<semaphore_mem>>)
      %dma_wait3A = arith.constant 0 : i32
      %dma_wait3A_146 = tpu.memref_slice %arg5[%add3A_73, %dma_wait3A] : memref<64x50000xf32, #tpu.memory_space<hbm>> -> memref<1x50000xf32, #tpu.memory_space<hbm>>
      %dma_wait3A_147 = tpu.memref_squeeze %dma_wait3A_146 : memref<1x50000xf32, #tpu.memory_space<hbm>> -> memref<50000xf32, #tpu.memory_space<hbm>>
      %dma_wait3A_148 = arith.constant 0 : i32
      %dma_wait3A_149 = tpu.memref_slice %arg5[%add3A_73, %dma_wait3A_148] : memref<64x50000xf32, #tpu.memory_space<hbm>> -> memref<1x50000xf32, #tpu.memory_space<hbm>>
      %dma_wait3A_150 = tpu.memref_squeeze %dma_wait3A_149 : memref<1x50000xf32, #tpu.memory_space<hbm>> -> memref<50000xf32, #tpu.memory_space<hbm>>
      tpu.wait_dma2 semaphore(%run_scoped3A : memref<!tpu.dma_semaphore, #tpu.memory_space<semaphore_mem>>) src(%arg9 : memref<50000xf32, #tpu.memory_space<vmem>>) dst(%dma_wait3A_150 : memref<50000xf32, #tpu.memory_space<hbm>>)
      tpu.yield
    }) : () -> ()
    %scan3A_96 = arith.constant 0 : i32
    %scan3A_97 = arith.constant 3125 : i32
    %scan3A_98 = arith.addi %scan3A_96, %scan3A_97 : i32
    %scan3A_99 = arith.constant 1 : i32
    scf.for %scan3A_140 = %scan3A_96 to %scan3A_98 step %scan3A_99  : i32 {
      %mul3A_141 = arith.constant 1 : i32
      %mul3A_142 = arith.muli %scan3A_140, %mul3A_141 : i32
      %add3A_143 = arith.constant 0 : i32
      %add3A_144 = arith.addi %add3A_143, %mul3A_142 : i32
      %mul3A_145 = arith.constant 16 : i32
      %mul3A_146 = arith.muli %add3A_144, %mul3A_145 : i32
      %swap3A = arith.index_cast %mul3A_146 : i32 to index
      %swap3A_147 = tpu.vector_load %arg8[%swap3A] {strides = array<i32>} : memref<50000xf32, #tpu.memory_space<vmem>>, vector<16xf32>,
      tpu.vector_store %arg8[%swap3A], %broadcast_in_dim3A_1 {strides = array<i32>} : memref<50000xf32, #tpu.memory_space<vmem>>, vector<16xf32>,
    }
    %scan3A_100 = arith.constant 3125 : i32
    %dma_start3A_101 = arith.constant 0 : i32
    %dma_start3A_102 = arith.constant 0 : i32
    %dma_start3A_103 = tpu.memref_slice %arg3[%dma_start3A_101, %dma_start3A_102] : memref<25600x32xi32, #tpu.memory_space<hbm>> -> memref<200x32xi32, #tpu.memory_space<hbm>>
    %dma_start3A_104 = arith.constant 0 : i32
    %dma_start3A_105 = arith.constant 0 : i32
    %dma_start3A_106 = tpu.memref_slice %arg3[%dma_start3A_104, %dma_start3A_105] : memref<25600x32xi32, #tpu.memory_space<hbm>> -> memref<200x32xi32, #tpu.memory_space<hbm>>
    tpu.enqueue_dma source(%dma_start3A_106 : memref<200x32xi32, #tpu.memory_space<hbm>>) target(%arg10 : memref<200x32xi32, #tpu.memory_space<vmem>>) target_semaphore(%arg14 : memref<!tpu.dma_semaphore, #tpu.memory_space<semaphore_mem>>)
    %dma_start3A_107 = arith.constant 0 : i32
    %dma_start3A_108 = arith.constant 0 : i32
    %dma_start3A_109 = tpu.memref_slice %arg4[%dma_start3A_107, %dma_start3A_108] : memref<25600x32xf32, #tpu.memory_space<hbm>> -> memref<200x32xf32, #tpu.memory_space<hbm>>
    %dma_start3A_110 = arith.constant 0 : i32
    %dma_start3A_111 = arith.constant 0 : i32
    %dma_start3A_112 = tpu.memref_slice %arg4[%dma_start3A_110, %dma_start3A_111] : memref<25600x32xf32, #tpu.memory_space<hbm>> -> memref<200x32xf32, #tpu.memory_space<hbm>>
    tpu.enqueue_dma source(%dma_start3A_112 : memref<200x32xf32, #tpu.memory_space<hbm>>) target(%arg12 : memref<200x32xf32, #tpu.memory_space<vmem>>) target_semaphore(%arg14 : memref<!tpu.dma_semaphore, #tpu.memory_space<semaphore_mem>>)
    %scan3A_113 = arith.constant 0 : i32
    %scan3A_114 = arith.constant 64 : i32
    %scan3A_115 = arith.addi %scan3A_113, %scan3A_114 : i32
    %scan3A_116 = arith.constant 1 : i32
    scf.for %scan3A_140 = %scan3A_113 to %scan3A_115 step %scan3A_116  : i32 {
      %mul3A_141 = arith.constant 2 : i32
      %mul3A_142 = arith.muli %scan3A_140, %mul3A_141 : i32
      %add3A_143 = arith.constant 0 : i32
      %add3A_144 = arith.addi %add3A_143, %mul3A_142 : i32
      %add3A_145 = arith.constant 0 : i32
      %add3A_146 = arith.addi %add3A_144, %add3A_145 : i32
      %add3A_147 = arith.constant 1 : i32
      %add3A_148 = arith.addi %add3A_146, %add3A_147 : i32
      %lt3A = arith.constant 128 : i32
      %lt3A_149 = arith.cmpi slt, %add3A_148, %lt3A : i32
      %convert_element_type3A = arith.extui %lt3A_149 : i1 to i32
      %cond3A = arith.constant 0 : i32
      %cond3A_150 = arith.cmpi ne, %convert_element_type3A, %cond3A : i32
      scf.if %cond3A_150 {
        %add3A_188 = arith.constant 1 : i32
        %add3A_189 = arith.addi %add3A_146, %add3A_188 : i32
        %mul3A_190 = arith.constant 50 : i32
        %mul3A_191 = arith.muli %add3A_189, %mul3A_190 : i32
        %mul3A_192 = arith.constant 4 : i32
        %mul3A_193 = arith.muli %mul3A_191, %mul3A_192 : i32
        %dma_start3A_194 = arith.constant 0 : i32
        %dma_start3A_195 = tpu.memref_slice %arg3[%mul3A_193, %dma_start3A_194] : memref<25600x32xi32, #tpu.memory_space<hbm>> -> memref<200x32xi32, #tpu.memory_space<hbm>>
        %dma_start3A_196 = arith.constant 0 : i32
        %dma_start3A_197 = tpu.memref_slice %arg3[%mul3A_193, %dma_start3A_196] : memref<25600x32xi32, #tpu.memory_space<hbm>> -> memref<200x32xi32, #tpu.memory_space<hbm>>
        tpu.enqueue_dma source(%dma_start3A_197 : memref<200x32xi32, #tpu.memory_space<hbm>>) target(%arg11 : memref<200x32xi32, #tpu.memory_space<vmem>>) target_semaphore(%arg15 : memref<!tpu.dma_semaphore, #tpu.memory_space<semaphore_mem>>)
        %dma_start3A_198 = arith.constant 0 : i32
        %dma_start3A_199 = tpu.memref_slice %arg4[%mul3A_193, %dma_start3A_198] : memref<25600x32xf32, #tpu.memory_space<hbm>> -> memref<200x32xf32, #tpu.memory_space<hbm>>
        %dma_start3A_200 = arith.constant 0 : i32
        %dma_start3A_201 = tpu.memref_slice %arg4[%mul3A_193, %dma_start3A_200] : memref<25600x32xf32, #tpu.memory_space<hbm>> -> memref<200x32xf32, #tpu.memory_space<hbm>>
        tpu.enqueue_dma source(%dma_start3A_201 : memref<200x32xf32, #tpu.memory_space<hbm>>) target(%arg13 : memref<200x32xf32, #tpu.memory_space<vmem>>) target_semaphore(%arg15 : memref<!tpu.dma_semaphore, #tpu.memory_space<semaphore_mem>>)
      } else {
      }
      %dma_wait3A = arith.constant 0 : i32
      %dma_wait3A_151 = arith.constant 0 : i32
      %dma_wait3A_152 = tpu.memref_slice %arg3[%dma_wait3A, %dma_wait3A_151] : memref<25600x32xi32, #tpu.memory_space<hbm>> -> memref<200x32xi32, #tpu.memory_space<hbm>>
      %dma_wait3A_153 = arith.constant 0 : i32
      %dma_wait3A_154 = arith.constant 0 : i32
      %dma_wait3A_155 = tpu.memref_slice %arg3[%dma_wait3A_153, %dma_wait3A_154] : memref<25600x32xi32, #tpu.memory_space<hbm>> -> memref<200x32xi32, #tpu.memory_space<hbm>>
      tpu.wait_dma2 semaphore(%arg14 : memref<!tpu.dma_semaphore, #tpu.memory_space<semaphore_mem>>) src(%dma_wait3A_155 : memref<200x32xi32, #tpu.memory_space<hbm>>) dst(%arg10 : memref<200x32xi32, #tpu.memory_space<vmem>>)
      %dma_wait3A_156 = arith.constant 0 : i32
      %dma_wait3A_157 = arith.constant 0 : i32
      %dma_wait3A_158 = tpu.memref_slice %arg4[%dma_wait3A_156, %dma_wait3A_157] : memref<25600x32xf32, #tpu.memory_space<hbm>> -> memref<200x32xf32, #tpu.memory_space<hbm>>
      %dma_wait3A_159 = arith.constant 0 : i32
      %dma_wait3A_160 = arith.constant 0 : i32
      %dma_wait3A_161 = tpu.memref_slice %arg4[%dma_wait3A_159, %dma_wait3A_160] : memref<25600x32xf32, #tpu.memory_space<hbm>> -> memref<200x32xf32, #tpu.memory_space<hbm>>
      tpu.wait_dma2 semaphore(%arg14 : memref<!tpu.dma_semaphore, #tpu.memory_space<semaphore_mem>>) src(%dma_wait3A_161 : memref<200x32xf32, #tpu.memory_space<hbm>>) dst(%arg12 : memref<200x32xf32, #tpu.memory_space<vmem>>)
      %parallel_loop3A = arith.constant 0 : i32
      %parallel_loop3A_162 = arith.constant 200 : i32
      %parallel_loop3A_163 = arith.constant 1 : i32
      scf.for %parallel_loop3A_188 = %parallel_loop3A to %parallel_loop3A_162 step %parallel_loop3A_163  : i32 {
        %parallel_loop3A_189 = arith.index_cast %parallel_loop3A_188 : i32 to index
        %parallel_loop3A_190 = arith.constant 0 : index
        %parallel_loop3A_191 = tpu.vector_load %arg10[%parallel_loop3A_189, %parallel_loop3A_190] {strides = array<i32>} : memref<200x32xi32, #tpu.memory_space<vmem>>, vector<16xi32>,
        %parallel_loop3A_192 = arith.index_cast %parallel_loop3A_188 : i32 to index
        %parallel_loop3A_193 = arith.constant 0 : index
        %parallel_loop3A_194 = tpu.vector_load %arg12[%parallel_loop3A_192, %parallel_loop3A_193] {strides = array<i32>} : memref<200x32xf32, #tpu.memory_space<vmem>>, vector<16xf32>,
        %parallel_loop3A_195 = arith.andi %parallel_loop3A_191, %broadcast_in_dim3A_5 : vector<16xi32>
        %parallel_loop3A_196 = arith.shrui %parallel_loop3A_191, %broadcast_in_dim3A_3 : vector<16xi32>
        %parallel_loop3A_197 = tpu.vector_load_idx %arg9[%parallel_loop3A_195] : memref<50000xf32, #tpu.memory_space<vmem>>[vector<16xi32>], vector<16xf32>,
        %parallel_loop3A_198 = arith.mulf %parallel_loop3A_197, %parallel_loop3A_194 : vector<16xf32>
        tpu.vector_store_idx %arg8[%parallel_loop3A_196], %parallel_loop3A_198 {add = true} : memref<50000xf32, #tpu.memory_space<vmem>>[vector<16xi32>], vector<16xf32>,
        %parallel_loop3A_199 = arith.index_cast %parallel_loop3A_188 : i32 to index
        %parallel_loop3A_200 = arith.constant 16 : index
        %parallel_loop3A_201 = tpu.vector_load %arg10[%parallel_loop3A_199, %parallel_loop3A_200] {strides = array<i32>} : memref<200x32xi32, #tpu.memory_space<vmem>>, vector<16xi32>,
        %parallel_loop3A_202 = arith.index_cast %parallel_loop3A_188 : i32 to index
        %parallel_loop3A_203 = arith.constant 16 : index
        %parallel_loop3A_204 = tpu.vector_load %arg12[%parallel_loop3A_202, %parallel_loop3A_203] {strides = array<i32>} : memref<200x32xf32, #tpu.memory_space<vmem>>, vector<16xf32>,
        %parallel_loop3A_205 = arith.andi %parallel_loop3A_201, %broadcast_in_dim3A_5 : vector<16xi32>
        %parallel_loop3A_206 = arith.shrui %parallel_loop3A_201, %broadcast_in_dim3A_3 : vector<16xi32>
        %parallel_loop3A_207 = tpu.vector_load_idx %arg9[%parallel_loop3A_205] : memref<50000xf32, #tpu.memory_space<vmem>>[vector<16xi32>], vector<16xf32>,
        %parallel_loop3A_208 = arith.mulf %parallel_loop3A_207, %parallel_loop3A_204 : vector<16xf32>
        tpu.vector_store_idx %arg8[%parallel_loop3A_206], %parallel_loop3A_208 {add = true} : memref<50000xf32, #tpu.memory_space<vmem>>[vector<16xi32>], vector<16xf32>,
      } {sc.loop_unroll_factor = 1 : i64, sc.parallel_access}
      %add3A_164 = arith.constant 1 : i32
      %add3A_165 = arith.addi %add3A_144, %add3A_164 : i32
      %add3A_166 = arith.constant 1 : i32
      %add3A_167 = arith.addi %add3A_165, %add3A_166 : i32
      %lt3A_168 = arith.constant 128 : i32
      %lt3A_169 = arith.cmpi slt, %add3A_167, %lt3A_168 : i32
      %convert_element_type3A_170 = arith.extui %lt3A_169 : i1 to i32
      %cond3A_171 = arith.constant 0 : i32
      %cond3A_172 = arith.cmpi ne, %convert_element_type3A_170, %cond3A_171 : i32
      scf.if %cond3A_172 {
        %add3A_188 = arith.constant 1 : i32
        %add3A_189 = arith.addi %add3A_165, %add3A_188 : i32
        %mul3A_190 = arith.constant 50 : i32
        %mul3A_191 = arith.muli %add3A_189, %mul3A_190 : i32
        %mul3A_192 = arith.constant 4 : i32
        %mul3A_193 = arith.muli %mul3A_191, %mul3A_192 : i32
        %dma_start3A_194 = arith.constant 0 : i32
        %dma_start3A_195 = tpu.memref_slice %arg3[%mul3A_193, %dma_start3A_194] : memref<25600x32xi32, #tpu.memory_space<hbm>> -> memref<200x32xi32, #tpu.memory_space<hbm>>
        %dma_start3A_196 = arith.constant 0 : i32
        %dma_start3A_197 = tpu.memref_slice %arg3[%mul3A_193, %dma_start3A_196] : memref<25600x32xi32, #tpu.memory_space<hbm>> -> memref<200x32xi32, #tpu.memory_space<hbm>>
        tpu.enqueue_dma source(%dma_start3A_197 : memref<200x32xi32, #tpu.memory_space<hbm>>) target(%arg10 : memref<200x32xi32, #tpu.memory_space<vmem>>) target_semaphore(%arg14 : memref<!tpu.dma_semaphore, #tpu.memory_space<semaphore_mem>>)
        %dma_start3A_198 = arith.constant 0 : i32
        %dma_start3A_199 = tpu.memref_slice %arg4[%mul3A_193, %dma_start3A_198] : memref<25600x32xf32, #tpu.memory_space<hbm>> -> memref<200x32xf32, #tpu.memory_space<hbm>>
        %dma_start3A_200 = arith.constant 0 : i32
        %dma_start3A_201 = tpu.memref_slice %arg4[%mul3A_193, %dma_start3A_200] : memref<25600x32xf32, #tpu.memory_space<hbm>> -> memref<200x32xf32, #tpu.memory_space<hbm>>
        tpu.enqueue_dma source(%dma_start3A_201 : memref<200x32xf32, #tpu.memory_space<hbm>>) target(%arg12 : memref<200x32xf32, #tpu.memory_space<vmem>>) target_semaphore(%arg14 : memref<!tpu.dma_semaphore, #tpu.memory_space<semaphore_mem>>)
      } else {
      }
      %dma_wait3A_173 = arith.constant 0 : i32
      %dma_wait3A_174 = arith.constant 0 : i32
      %dma_wait3A_175 = tpu.memref_slice %arg3[%dma_wait3A_173, %dma_wait3A_174] : memref<25600x32xi32, #tpu.memory_space<hbm>> -> memref<200x32xi32, #tpu.memory_space<hbm>>
      %dma_wait3A_176 = arith.constant 0 : i32
      %dma_wait3A_177 = arith.constant 0 : i32
      %dma_wait3A_178 = tpu.memref_slice %arg3[%dma_wait3A_176, %dma_wait3A_177] : memref<25600x32xi32, #tpu.memory_space<hbm>> -> memref<200x32xi32, #tpu.memory_space<hbm>>
      tpu.wait_dma2 semaphore(%arg15 : memref<!tpu.dma_semaphore, #tpu.memory_space<semaphore_mem>>) src(%dma_wait3A_178 : memref<200x32xi32, #tpu.memory_space<hbm>>) dst(%arg11 : memref<200x32xi32, #tpu.memory_space<vmem>>)
      %dma_wait3A_179 = arith.constant 0 : i32
      %dma_wait3A_180 = arith.constant 0 : i32
      %dma_wait3A_181 = tpu.memref_slice %arg4[%dma_wait3A_179, %dma_wait3A_180] : memref<25600x32xf32, #tpu.memory_space<hbm>> -> memref<200x32xf32, #tpu.memory_space<hbm>>
      %dma_wait3A_182 = arith.constant 0 : i32
      %dma_wait3A_183 = arith.constant 0 : i32
      %dma_wait3A_184 = tpu.memref_slice %arg4[%dma_wait3A_182, %dma_wait3A_183] : memref<25600x32xf32, #tpu.memory_space<hbm>> -> memref<200x32xf32, #tpu.memory_space<hbm>>
      tpu.wait_dma2 semaphore(%arg15 : memref<!tpu.dma_semaphore, #tpu.memory_space<semaphore_mem>>) src(%dma_wait3A_184 : memref<200x32xf32, #tpu.memory_space<hbm>>) dst(%arg13 : memref<200x32xf32, #tpu.memory_space<vmem>>)
      %parallel_loop3A_185 = arith.constant 0 : i32
      %parallel_loop3A_186 = arith.constant 200 : i32
      %parallel_loop3A_187 = arith.constant 1 : i32
      scf.for %parallel_loop3A_188 = %parallel_loop3A_185 to %parallel_loop3A_186 step %parallel_loop3A_187  : i32 {
        %parallel_loop3A_189 = arith.index_cast %parallel_loop3A_188 : i32 to index
        %parallel_loop3A_190 = arith.constant 0 : index
        %parallel_loop3A_191 = tpu.vector_load %arg11[%parallel_loop3A_189, %parallel_loop3A_190] {strides = array<i32>} : memref<200x32xi32, #tpu.memory_space<vmem>>, vector<16xi32>,
        %parallel_loop3A_192 = arith.index_cast %parallel_loop3A_188 : i32 to index
        %parallel_loop3A_193 = arith.constant 0 : index
        %parallel_loop3A_194 = tpu.vector_load %arg13[%parallel_loop3A_192, %parallel_loop3A_193] {strides = array<i32>} : memref<200x32xf32, #tpu.memory_space<vmem>>, vector<16xf32>,
        %parallel_loop3A_195 = arith.andi %parallel_loop3A_191, %broadcast_in_dim3A_5 : vector<16xi32>
        %parallel_loop3A_196 = arith.shrui %parallel_loop3A_191, %broadcast_in_dim3A_3 : vector<16xi32>
        %parallel_loop3A_197 = tpu.vector_load_idx %arg9[%parallel_loop3A_195] : memref<50000xf32, #tpu.memory_space<vmem>>[vector<16xi32>], vector<16xf32>,
        %parallel_loop3A_198 = arith.mulf %parallel_loop3A_197, %parallel_loop3A_194 : vector<16xf32>
        tpu.vector_store_idx %arg8[%parallel_loop3A_196], %parallel_loop3A_198 {add = true} : memref<50000xf32, #tpu.memory_space<vmem>>[vector<16xi32>], vector<16xf32>,
        %parallel_loop3A_199 = arith.index_cast %parallel_loop3A_188 : i32 to index
        %parallel_loop3A_200 = arith.constant 16 : index
        %parallel_loop3A_201 = tpu.vector_load %arg11[%parallel_loop3A_199, %parallel_loop3A_200] {strides = array<i32>} : memref<200x32xi32, #tpu.memory_space<vmem>>, vector<16xi32>,
        %parallel_loop3A_202 = arith.index_cast %parallel_loop3A_188 : i32 to index
        %parallel_loop3A_203 = arith.constant 16 : index
        %parallel_loop3A_204 = tpu.vector_load %arg13[%parallel_loop3A_202, %parallel_loop3A_203] {strides = array<i32>} : memref<200x32xf32, #tpu.memory_space<vmem>>, vector<16xf32>,
        %parallel_loop3A_205 = arith.andi %parallel_loop3A_201, %broadcast_in_dim3A_5 : vector<16xi32>
        %parallel_loop3A_206 = arith.shrui %parallel_loop3A_201, %broadcast_in_dim3A_3 : vector<16xi32>
        %parallel_loop3A_207 = tpu.vector_load_idx %arg9[%parallel_loop3A_205] : memref<50000xf32, #tpu.memory_space<vmem>>[vector<16xi32>], vector<16xf32>,
        %parallel_loop3A_208 = arith.mulf %parallel_loop3A_207, %parallel_loop3A_204 : vector<16xf32>
        tpu.vector_store_idx %arg8[%parallel_loop3A_206], %parallel_loop3A_208 {add = true} : memref<50000xf32, #tpu.memory_space<vmem>>[vector<16xi32>], vector<16xf32>,
      } {sc.loop_unroll_factor = 1 : i64, sc.parallel_access}
    }
    %scan3A_117 = arith.constant 64 : i32
    "tpu.region"() ({
      %run_scoped3A = tpu.sem_alloc : memref<!tpu.dma_semaphore, #tpu.memory_space<semaphore_mem>>
      %dma_start3A_140 = arith.constant 0 : i32
      %dma_start3A_141 = tpu.memref_slice %arg6[%add3A_73, %dma_start3A_140] : memref<64x50000xf32, #tpu.memory_space<hbm>> -> memref<1x50000xf32, #tpu.memory_space<hbm>>
      %dma_start3A_142 = tpu.memref_squeeze %dma_start3A_141 : memref<1x50000xf32, #tpu.memory_space<hbm>> -> memref<50000xf32, #tpu.memory_space<hbm>>
      %dma_start3A_143 = arith.constant 0 : i32
      %dma_start3A_144 = tpu.memref_slice %arg6[%add3A_73, %dma_start3A_143] : memref<64x50000xf32, #tpu.memory_space<hbm>> -> memref<1x50000xf32, #tpu.memory_space<hbm>>
      %dma_start3A_145 = tpu.memref_squeeze %dma_start3A_144 : memref<1x50000xf32, #tpu.memory_space<hbm>> -> memref<50000xf32, #tpu.memory_space<hbm>>
      tpu.enqueue_dma source(%arg8 : memref<50000xf32, #tpu.memory_space<vmem>>) target(%dma_start3A_145 : memref<50000xf32, #tpu.memory_space<hbm>>) target_semaphore(%run_scoped3A : memref<!tpu.dma_semaphore, #tpu.memory_space<semaphore_mem>>)
      %dma_wait3A = arith.constant 0 : i32
      %dma_wait3A_146 = tpu.memref_slice %arg6[%add3A_73, %dma_wait3A] : memref<64x50000xf32, #tpu.memory_space<hbm>> -> memref<1x50000xf32, #tpu.memory_space<hbm>>
      %dma_wait3A_147 = tpu.memref_squeeze %dma_wait3A_146 : memref<1x50000xf32, #tpu.memory_space<hbm>> -> memref<50000xf32, #tpu.memory_space<hbm>>
      %dma_wait3A_148 = arith.constant 0 : i32
      %dma_wait3A_149 = tpu.memref_slice %arg6[%add3A_73, %dma_wait3A_148] : memref<64x50000xf32, #tpu.memory_space<hbm>> -> memref<1x50000xf32, #tpu.memory_space<hbm>>
      %dma_wait3A_150 = tpu.memref_squeeze %dma_wait3A_149 : memref<1x50000xf32, #tpu.memory_space<hbm>> -> memref<50000xf32, #tpu.memory_space<hbm>>
      tpu.wait_dma2 semaphore(%run_scoped3A : memref<!tpu.dma_semaphore, #tpu.memory_space<semaphore_mem>>) src(%arg8 : memref<50000xf32, #tpu.memory_space<vmem>>) dst(%dma_wait3A_150 : memref<50000xf32, #tpu.memory_space<hbm>>)
      tpu.yield
    }) : () -> ()
    %scan3A_118 = arith.constant 0 : i32
    %scan3A_119 = arith.constant 3125 : i32
    %scan3A_120 = arith.addi %scan3A_118, %scan3A_119 : i32
    %scan3A_121 = arith.constant 1 : i32
    scf.for %scan3A_140 = %scan3A_118 to %scan3A_120 step %scan3A_121  : i32 {
      %mul3A_141 = arith.constant 1 : i32
      %mul3A_142 = arith.muli %scan3A_140, %mul3A_141 : i32
      %add3A_143 = arith.constant 0 : i32
      %add3A_144 = arith.addi %add3A_143, %mul3A_142 : i32
      %mul3A_145 = arith.constant 16 : i32
      %mul3A_146 = arith.muli %add3A_144, %mul3A_145 : i32
      %swap3A = arith.index_cast %mul3A_146 : i32 to index
      %swap3A_147 = tpu.vector_load %arg9[%swap3A] {strides = array<i32>} : memref<50000xf32, #tpu.memory_space<vmem>>, vector<16xf32>,
      tpu.vector_store %arg9[%swap3A], %broadcast_in_dim3A_1 {strides = array<i32>} : memref<50000xf32, #tpu.memory_space<vmem>>, vector<16xf32>,
    }
    %scan3A_122 = arith.constant 3125 : i32
    %dma_start3A_123 = arith.constant 0 : i32
    %dma_start3A_124 = arith.constant 0 : i32
    %dma_start3A_125 = tpu.memref_slice %arg3[%dma_start3A_123, %dma_start3A_124] : memref<25600x32xi32, #tpu.memory_space<hbm>> -> memref<200x32xi32, #tpu.memory_space<hbm>>
    %dma_start3A_126 = arith.constant 0 : i32
    %dma_start3A_127 = arith.constant 0 : i32
    %dma_start3A_128 = tpu.memref_slice %arg3[%dma_start3A_126, %dma_start3A_127] : memref<25600x32xi32, #tpu.memory_space<hbm>> -> memref<200x32xi32, #tpu.memory_space<hbm>>
    tpu.enqueue_dma source(%dma_start3A_128 : memref<200x32xi32, #tpu.memory_space<hbm>>) target(%arg10 : memref<200x32xi32, #tpu.memory_space<vmem>>) target_semaphore(%arg14 : memref<!tpu.dma_semaphore, #tpu.memory_space<semaphore_mem>>)
    %dma_start3A_129 = arith.constant 0 : i32
    %dma_start3A_130 = arith.constant 0 : i32
    %dma_start3A_131 = tpu.memref_slice %arg4[%dma_start3A_129, %dma_start3A_130] : memref<25600x32xf32, #tpu.memory_space<hbm>> -> memref<200x32xf32, #tpu.memory_space<hbm>>
    %dma_start3A_132 = arith.constant 0 : i32
    %dma_start3A_133 = arith.constant 0 : i32
    %dma_start3A_134 = tpu.memref_slice %arg4[%dma_start3A_132, %dma_start3A_133] : memref<25600x32xf32, #tpu.memory_space<hbm>> -> memref<200x32xf32, #tpu.memory_space<hbm>>
    tpu.enqueue_dma source(%dma_start3A_134 : memref<200x32xf32, #tpu.memory_space<hbm>>) target(%arg12 : memref<200x32xf32, #tpu.memory_space<vmem>>) target_semaphore(%arg14 : memref<!tpu.dma_semaphore, #tpu.memory_space<semaphore_mem>>)
    %scan3A_135 = arith.constant 0 : i32
    %scan3A_136 = arith.constant 64 : i32
    %scan3A_137 = arith.addi %scan3A_135, %scan3A_136 : i32
    %scan3A_138 = arith.constant 1 : i32
    scf.for %scan3A_140 = %scan3A_135 to %scan3A_137 step %scan3A_138  : i32 {
      %mul3A_141 = arith.constant 2 : i32
      %mul3A_142 = arith.muli %scan3A_140, %mul3A_141 : i32
      %add3A_143 = arith.constant 0 : i32
      %add3A_144 = arith.addi %add3A_143, %mul3A_142 : i32
      %add3A_145 = arith.constant 0 : i32
      %add3A_146 = arith.addi %add3A_144, %add3A_145 : i32
      %add3A_147 = arith.constant 1 : i32
      %add3A_148 = arith.addi %add3A_146, %add3A_147 : i32
      %lt3A = arith.constant 128 : i32
      %lt3A_149 = arith.cmpi slt, %add3A_148, %lt3A : i32
      %convert_element_type3A = arith.extui %lt3A_149 : i1 to i32
      %cond3A = arith.constant 0 : i32
      %cond3A_150 = arith.cmpi ne, %convert_element_type3A, %cond3A : i32
      scf.if %cond3A_150 {
        %add3A_188 = arith.constant 1 : i32
        %add3A_189 = arith.addi %add3A_146, %add3A_188 : i32
        %mul3A_190 = arith.constant 50 : i32
        %mul3A_191 = arith.muli %add3A_189, %mul3A_190 : i32
        %mul3A_192 = arith.constant 4 : i32
        %mul3A_193 = arith.muli %mul3A_191, %mul3A_192 : i32
        %dma_start3A_194 = arith.constant 0 : i32
        %dma_start3A_195 = tpu.memref_slice %arg3[%mul3A_193, %dma_start3A_194] : memref<25600x32xi32, #tpu.memory_space<hbm>> -> memref<200x32xi32, #tpu.memory_space<hbm>>
        %dma_start3A_196 = arith.constant 0 : i32
        %dma_start3A_197 = tpu.memref_slice %arg3[%mul3A_193, %dma_start3A_196] : memref<25600x32xi32, #tpu.memory_space<hbm>> -> memref<200x32xi32, #tpu.memory_space<hbm>>
        tpu.enqueue_dma source(%dma_start3A_197 : memref<200x32xi32, #tpu.memory_space<hbm>>) target(%arg11 : memref<200x32xi32, #tpu.memory_space<vmem>>) target_semaphore(%arg15 : memref<!tpu.dma_semaphore, #tpu.memory_space<semaphore_mem>>)
        %dma_start3A_198 = arith.constant 0 : i32
        %dma_start3A_199 = tpu.memref_slice %arg4[%mul3A_193, %dma_start3A_198] : memref<25600x32xf32, #tpu.memory_space<hbm>> -> memref<200x32xf32, #tpu.memory_space<hbm>>
        %dma_start3A_200 = arith.constant 0 : i32
        %dma_start3A_201 = tpu.memref_slice %arg4[%mul3A_193, %dma_start3A_200] : memref<25600x32xf32, #tpu.memory_space<hbm>> -> memref<200x32xf32, #tpu.memory_space<hbm>>
        tpu.enqueue_dma source(%dma_start3A_201 : memref<200x32xf32, #tpu.memory_space<hbm>>) target(%arg13 : memref<200x32xf32, #tpu.memory_space<vmem>>) target_semaphore(%arg15 : memref<!tpu.dma_semaphore, #tpu.memory_space<semaphore_mem>>)
      } else {
      }
      %dma_wait3A = arith.constant 0 : i32
      %dma_wait3A_151 = arith.constant 0 : i32
      %dma_wait3A_152 = tpu.memref_slice %arg3[%dma_wait3A, %dma_wait3A_151] : memref<25600x32xi32, #tpu.memory_space<hbm>> -> memref<200x32xi32, #tpu.memory_space<hbm>>
      %dma_wait3A_153 = arith.constant 0 : i32
      %dma_wait3A_154 = arith.constant 0 : i32
      %dma_wait3A_155 = tpu.memref_slice %arg3[%dma_wait3A_153, %dma_wait3A_154] : memref<25600x32xi32, #tpu.memory_space<hbm>> -> memref<200x32xi32, #tpu.memory_space<hbm>>
      tpu.wait_dma2 semaphore(%arg14 : memref<!tpu.dma_semaphore, #tpu.memory_space<semaphore_mem>>) src(%dma_wait3A_155 : memref<200x32xi32, #tpu.memory_space<hbm>>) dst(%arg10 : memref<200x32xi32, #tpu.memory_space<vmem>>)
      %dma_wait3A_156 = arith.constant 0 : i32
      %dma_wait3A_157 = arith.constant 0 : i32
      %dma_wait3A_158 = tpu.memref_slice %arg4[%dma_wait3A_156, %dma_wait3A_157] : memref<25600x32xf32, #tpu.memory_space<hbm>> -> memref<200x32xf32, #tpu.memory_space<hbm>>
      %dma_wait3A_159 = arith.constant 0 : i32
      %dma_wait3A_160 = arith.constant 0 : i32
      %dma_wait3A_161 = tpu.memref_slice %arg4[%dma_wait3A_159, %dma_wait3A_160] : memref<25600x32xf32, #tpu.memory_space<hbm>> -> memref<200x32xf32, #tpu.memory_space<hbm>>
      tpu.wait_dma2 semaphore(%arg14 : memref<!tpu.dma_semaphore, #tpu.memory_space<semaphore_mem>>) src(%dma_wait3A_161 : memref<200x32xf32, #tpu.memory_space<hbm>>) dst(%arg12 : memref<200x32xf32, #tpu.memory_space<vmem>>)
      %parallel_loop3A = arith.constant 0 : i32
      %parallel_loop3A_162 = arith.constant 200 : i32
      %parallel_loop3A_163 = arith.constant 1 : i32
      scf.for %parallel_loop3A_188 = %parallel_loop3A to %parallel_loop3A_162 step %parallel_loop3A_163  : i32 {
        %parallel_loop3A_189 = arith.index_cast %parallel_loop3A_188 : i32 to index
        %parallel_loop3A_190 = arith.constant 0 : index
        %parallel_loop3A_191 = tpu.vector_load %arg10[%parallel_loop3A_189, %parallel_loop3A_190] {strides = array<i32>} : memref<200x32xi32, #tpu.memory_space<vmem>>, vector<16xi32>,
        %parallel_loop3A_192 = arith.index_cast %parallel_loop3A_188 : i32 to index
        %parallel_loop3A_193 = arith.constant 0 : index
        %parallel_loop3A_194 = tpu.vector_load %arg12[%parallel_loop3A_192, %parallel_loop3A_193] {strides = array<i32>} : memref<200x32xf32, #tpu.memory_space<vmem>>, vector<16xf32>,
        %parallel_loop3A_195 = arith.andi %parallel_loop3A_191, %broadcast_in_dim3A_5 : vector<16xi32>
        %parallel_loop3A_196 = arith.shrui %parallel_loop3A_191, %broadcast_in_dim3A_3 : vector<16xi32>
        %parallel_loop3A_197 = tpu.vector_load_idx %arg8[%parallel_loop3A_195] : memref<50000xf32, #tpu.memory_space<vmem>>[vector<16xi32>], vector<16xf32>,
        %parallel_loop3A_198 = arith.mulf %parallel_loop3A_197, %parallel_loop3A_194 : vector<16xf32>
        tpu.vector_store_idx %arg9[%parallel_loop3A_196], %parallel_loop3A_198 {add = true} : memref<50000xf32, #tpu.memory_space<vmem>>[vector<16xi32>], vector<16xf32>,
        %parallel_loop3A_199 = arith.index_cast %parallel_loop3A_188 : i32 to index
        %parallel_loop3A_200 = arith.constant 16 : index
        %parallel_loop3A_201 = tpu.vector_load %arg10[%parallel_loop3A_199, %parallel_loop3A_200] {strides = array<i32>} : memref<200x32xi32, #tpu.memory_space<vmem>>, vector<16xi32>,
        %parallel_loop3A_202 = arith.index_cast %parallel_loop3A_188 : i32 to index
        %parallel_loop3A_203 = arith.constant 16 : index
        %parallel_loop3A_204 = tpu.vector_load %arg12[%parallel_loop3A_202, %parallel_loop3A_203] {strides = array<i32>} : memref<200x32xf32, #tpu.memory_space<vmem>>, vector<16xf32>,
        %parallel_loop3A_205 = arith.andi %parallel_loop3A_201, %broadcast_in_dim3A_5 : vector<16xi32>
        %parallel_loop3A_206 = arith.shrui %parallel_loop3A_201, %broadcast_in_dim3A_3 : vector<16xi32>
        %parallel_loop3A_207 = tpu.vector_load_idx %arg8[%parallel_loop3A_205] : memref<50000xf32, #tpu.memory_space<vmem>>[vector<16xi32>], vector<16xf32>,
        %parallel_loop3A_208 = arith.mulf %parallel_loop3A_207, %parallel_loop3A_204 : vector<16xf32>
        tpu.vector_store_idx %arg9[%parallel_loop3A_206], %parallel_loop3A_208 {add = true} : memref<50000xf32, #tpu.memory_space<vmem>>[vector<16xi32>], vector<16xf32>,
      } {sc.loop_unroll_factor = 1 : i64, sc.parallel_access}
      %add3A_164 = arith.constant 1 : i32
      %add3A_165 = arith.addi %add3A_144, %add3A_164 : i32
      %add3A_166 = arith.constant 1 : i32
      %add3A_167 = arith.addi %add3A_165, %add3A_166 : i32
      %lt3A_168 = arith.constant 128 : i32
      %lt3A_169 = arith.cmpi slt, %add3A_167, %lt3A_168 : i32
      %convert_element_type3A_170 = arith.extui %lt3A_169 : i1 to i32
      %cond3A_171 = arith.constant 0 : i32
      %cond3A_172 = arith.cmpi ne, %convert_element_type3A_170, %cond3A_171 : i32
      scf.if %cond3A_172 {
        %add3A_188 = arith.constant 1 : i32
        %add3A_189 = arith.addi %add3A_165, %add3A_188 : i32
        %mul3A_190 = arith.constant 50 : i32
        %mul3A_191 = arith.muli %add3A_189, %mul3A_190 : i32
        %mul3A_192 = arith.constant 4 : i32
        %mul3A_193 = arith.muli %mul3A_191, %mul3A_192 : i32
        %dma_start3A_194 = arith.constant 0 : i32
        %dma_start3A_195 = tpu.memref_slice %arg3[%mul3A_193, %dma_start3A_194] : memref<25600x32xi32, #tpu.memory_space<hbm>> -> memref<200x32xi32, #tpu.memory_space<hbm>>
        %dma_start3A_196 = arith.constant 0 : i32
        %dma_start3A_197 = tpu.memref_slice %arg3[%mul3A_193, %dma_start3A_196] : memref<25600x32xi32, #tpu.memory_space<hbm>> -> memref<200x32xi32, #tpu.memory_space<hbm>>
        tpu.enqueue_dma source(%dma_start3A_197 : memref<200x32xi32, #tpu.memory_space<hbm>>) target(%arg10 : memref<200x32xi32, #tpu.memory_space<vmem>>) target_semaphore(%arg14 : memref<!tpu.dma_semaphore, #tpu.memory_space<semaphore_mem>>)
        %dma_start3A_198 = arith.constant 0 : i32
        %dma_start3A_199 = tpu.memref_slice %arg4[%mul3A_193, %dma_start3A_198] : memref<25600x32xf32, #tpu.memory_space<hbm>> -> memref<200x32xf32, #tpu.memory_space<hbm>>
        %dma_start3A_200 = arith.constant 0 : i32
        %dma_start3A_201 = tpu.memref_slice %arg4[%mul3A_193, %dma_start3A_200] : memref<25600x32xf32, #tpu.memory_space<hbm>> -> memref<200x32xf32, #tpu.memory_space<hbm>>
        tpu.enqueue_dma source(%dma_start3A_201 : memref<200x32xf32, #tpu.memory_space<hbm>>) target(%arg12 : memref<200x32xf32, #tpu.memory_space<vmem>>) target_semaphore(%arg14 : memref<!tpu.dma_semaphore, #tpu.memory_space<semaphore_mem>>)
      } else {
      }
      %dma_wait3A_173 = arith.constant 0 : i32
      %dma_wait3A_174 = arith.constant 0 : i32
      %dma_wait3A_175 = tpu.memref_slice %arg3[%dma_wait3A_173, %dma_wait3A_174] : memref<25600x32xi32, #tpu.memory_space<hbm>> -> memref<200x32xi32, #tpu.memory_space<hbm>>
      %dma_wait3A_176 = arith.constant 0 : i32
      %dma_wait3A_177 = arith.constant 0 : i32
      %dma_wait3A_178 = tpu.memref_slice %arg3[%dma_wait3A_176, %dma_wait3A_177] : memref<25600x32xi32, #tpu.memory_space<hbm>> -> memref<200x32xi32, #tpu.memory_space<hbm>>
      tpu.wait_dma2 semaphore(%arg15 : memref<!tpu.dma_semaphore, #tpu.memory_space<semaphore_mem>>) src(%dma_wait3A_178 : memref<200x32xi32, #tpu.memory_space<hbm>>) dst(%arg11 : memref<200x32xi32, #tpu.memory_space<vmem>>)
      %dma_wait3A_179 = arith.constant 0 : i32
      %dma_wait3A_180 = arith.constant 0 : i32
      %dma_wait3A_181 = tpu.memref_slice %arg4[%dma_wait3A_179, %dma_wait3A_180] : memref<25600x32xf32, #tpu.memory_space<hbm>> -> memref<200x32xf32, #tpu.memory_space<hbm>>
      %dma_wait3A_182 = arith.constant 0 : i32
      %dma_wait3A_183 = arith.constant 0 : i32
      %dma_wait3A_184 = tpu.memref_slice %arg4[%dma_wait3A_182, %dma_wait3A_183] : memref<25600x32xf32, #tpu.memory_space<hbm>> -> memref<200x32xf32, #tpu.memory_space<hbm>>
      tpu.wait_dma2 semaphore(%arg15 : memref<!tpu.dma_semaphore, #tpu.memory_space<semaphore_mem>>) src(%dma_wait3A_184 : memref<200x32xf32, #tpu.memory_space<hbm>>) dst(%arg13 : memref<200x32xf32, #tpu.memory_space<vmem>>)
      %parallel_loop3A_185 = arith.constant 0 : i32
      %parallel_loop3A_186 = arith.constant 200 : i32
      %parallel_loop3A_187 = arith.constant 1 : i32
      scf.for %parallel_loop3A_188 = %parallel_loop3A_185 to %parallel_loop3A_186 step %parallel_loop3A_187  : i32 {
        %parallel_loop3A_189 = arith.index_cast %parallel_loop3A_188 : i32 to index
        %parallel_loop3A_190 = arith.constant 0 : index
        %parallel_loop3A_191 = tpu.vector_load %arg11[%parallel_loop3A_189, %parallel_loop3A_190] {strides = array<i32>} : memref<200x32xi32, #tpu.memory_space<vmem>>, vector<16xi32>,
        %parallel_loop3A_192 = arith.index_cast %parallel_loop3A_188 : i32 to index
        %parallel_loop3A_193 = arith.constant 0 : index
        %parallel_loop3A_194 = tpu.vector_load %arg13[%parallel_loop3A_192, %parallel_loop3A_193] {strides = array<i32>} : memref<200x32xf32, #tpu.memory_space<vmem>>, vector<16xf32>,
        %parallel_loop3A_195 = arith.andi %parallel_loop3A_191, %broadcast_in_dim3A_5 : vector<16xi32>
        %parallel_loop3A_196 = arith.shrui %parallel_loop3A_191, %broadcast_in_dim3A_3 : vector<16xi32>
        %parallel_loop3A_197 = tpu.vector_load_idx %arg8[%parallel_loop3A_195] : memref<50000xf32, #tpu.memory_space<vmem>>[vector<16xi32>], vector<16xf32>,
        %parallel_loop3A_198 = arith.mulf %parallel_loop3A_197, %parallel_loop3A_194 : vector<16xf32>
        tpu.vector_store_idx %arg9[%parallel_loop3A_196], %parallel_loop3A_198 {add = true} : memref<50000xf32, #tpu.memory_space<vmem>>[vector<16xi32>], vector<16xf32>,
        %parallel_loop3A_199 = arith.index_cast %parallel_loop3A_188 : i32 to index
        %parallel_loop3A_200 = arith.constant 16 : index
        %parallel_loop3A_201 = tpu.vector_load %arg11[%parallel_loop3A_199, %parallel_loop3A_200] {strides = array<i32>} : memref<200x32xi32, #tpu.memory_space<vmem>>, vector<16xi32>,
        %parallel_loop3A_202 = arith.index_cast %parallel_loop3A_188 : i32 to index
        %parallel_loop3A_203 = arith.constant 16 : index
        %parallel_loop3A_204 = tpu.vector_load %arg13[%parallel_loop3A_202, %parallel_loop3A_203] {strides = array<i32>} : memref<200x32xf32, #tpu.memory_space<vmem>>, vector<16xf32>,
        %parallel_loop3A_205 = arith.andi %parallel_loop3A_201, %broadcast_in_dim3A_5 : vector<16xi32>
        %parallel_loop3A_206 = arith.shrui %parallel_loop3A_201, %broadcast_in_dim3A_3 : vector<16xi32>
        %parallel_loop3A_207 = tpu.vector_load_idx %arg8[%parallel_loop3A_205] : memref<50000xf32, #tpu.memory_space<vmem>>[vector<16xi32>], vector<16xf32>,
        %parallel_loop3A_208 = arith.mulf %parallel_loop3A_207, %parallel_loop3A_204 : vector<16xf32>
        tpu.vector_store_idx %arg9[%parallel_loop3A_206], %parallel_loop3A_208 {add = true} : memref<50000xf32, #tpu.memory_space<vmem>>[vector<16xi32>], vector<16xf32>,
      } {sc.loop_unroll_factor = 1 : i64, sc.parallel_access}
    }
    %scan3A_139 = arith.constant 64 : i32
    "tpu.region"() ({
      %run_scoped3A = tpu.sem_alloc : memref<!tpu.dma_semaphore, #tpu.memory_space<semaphore_mem>>
      %dma_start3A_140 = arith.constant 0 : i32
      %dma_start3A_141 = tpu.memref_slice %arg7[%add3A_73, %dma_start3A_140] : memref<64x50000xf32, #tpu.memory_space<hbm>> -> memref<1x50000xf32, #tpu.memory_space<hbm>>
      %dma_start3A_142 = tpu.memref_squeeze %dma_start3A_141 : memref<1x50000xf32, #tpu.memory_space<hbm>> -> memref<50000xf32, #tpu.memory_space<hbm>>
      %dma_start3A_143 = arith.constant 0 : i32
      %dma_start3A_144 = tpu.memref_slice %arg7[%add3A_73, %dma_start3A_143] : memref<64x50000xf32, #tpu.memory_space<hbm>> -> memref<1x50000xf32, #tpu.memory_space<hbm>>
      %dma_start3A_145 = tpu.memref_squeeze %dma_start3A_144 : memref<1x50000xf32, #tpu.memory_space<hbm>> -> memref<50000xf32, #tpu.memory_space<hbm>>
      tpu.enqueue_dma source(%arg9 : memref<50000xf32, #tpu.memory_space<vmem>>) target(%dma_start3A_145 : memref<50000xf32, #tpu.memory_space<hbm>>) target_semaphore(%run_scoped3A : memref<!tpu.dma_semaphore, #tpu.memory_space<semaphore_mem>>)
      %dma_wait3A = arith.constant 0 : i32
      %dma_wait3A_146 = tpu.memref_slice %arg7[%add3A_73, %dma_wait3A] : memref<64x50000xf32, #tpu.memory_space<hbm>> -> memref<1x50000xf32, #tpu.memory_space<hbm>>
      %dma_wait3A_147 = tpu.memref_squeeze %dma_wait3A_146 : memref<1x50000xf32, #tpu.memory_space<hbm>> -> memref<50000xf32, #tpu.memory_space<hbm>>
      %dma_wait3A_148 = arith.constant 0 : i32
      %dma_wait3A_149 = tpu.memref_slice %arg7[%add3A_73, %dma_wait3A_148] : memref<64x50000xf32, #tpu.memory_space<hbm>> -> memref<1x50000xf32, #tpu.memory_space<hbm>>
      %dma_wait3A_150 = tpu.memref_squeeze %dma_wait3A_149 : memref<1x50000xf32, #tpu.memory_space<hbm>> -> memref<50000xf32, #tpu.memory_space<hbm>>
      tpu.wait_dma2 semaphore(%run_scoped3A : memref<!tpu.dma_semaphore, #tpu.memory_space<semaphore_mem>>) src(%arg9 : memref<50000xf32, #tpu.memory_space<vmem>>) dst(%dma_wait3A_150 : memref<50000xf32, #tpu.memory_space<hbm>>)
      tpu.yield
    }) : () -> ()
    return
  }
}

module attributes {stable_mosaic.version = 14 : i64} {
  func.func @_mean_body(%arg0: i32, %arg1: memref<16x50000xf32, #tpu.memory_space<vmem>>, %arg2: memref<16x50000xf32, #tpu.memory_space<vmem>>, %arg3: memref<16x50000xf32, #tpu.memory_space<vmem>>, %arg4: memref<16x50000xf32, #tpu.memory_space<vmem>>, %arg5: memref<16x50000xf32, #tpu.memory_space<vmem>>) attributes {dimension_semantics = [#tpu.dimension_semantics<arbitrary>], iteration_bounds = array<i64: 4>, scalar_prefetch = 0 : i64, scratch_operands = 0 : i64, tpu.core_type = #tpu.core_type<tc>, window_params = [{transform_indices = @transform_0, window_bounds = array<i64: 16, 50000>}, {transform_indices = @transform_1, window_bounds = array<i64: 16, 50000>}, {transform_indices = @transform_2, window_bounds = array<i64: 16, 50000>}, {transform_indices = @transform_3, window_bounds = array<i64: 16, 50000>}, {transform_indices = @transform_4, window_bounds = array<i64: 16, 50000>}]} {
    %get3A = arith.constant 0 : index
    %get3A_0 = arith.constant 0 : index
    %get3A_1 = vector.load %arg1[%get3A, %get3A_0] : memref<16x50000xf32, #tpu.memory_space<vmem>>, vector<16x50000xf32>
    %get3A_2 = arith.constant 0 : index
    %get3A_3 = arith.constant 0 : index
    %get3A_4 = vector.load %arg2[%get3A_2, %get3A_3] : memref<16x50000xf32, #tpu.memory_space<vmem>>, vector<16x50000xf32>
    %add3A = arith.addf %get3A_1, %get3A_4 : vector<16x50000xf32>
    %get3A_5 = arith.constant 0 : index
    %get3A_6 = arith.constant 0 : index
    %get3A_7 = vector.load %arg3[%get3A_5, %get3A_6] : memref<16x50000xf32, #tpu.memory_space<vmem>>, vector<16x50000xf32>
    %add3A_8 = arith.addf %add3A, %get3A_7 : vector<16x50000xf32>
    %get3A_9 = arith.constant 0 : index
    %get3A_10 = arith.constant 0 : index
    %get3A_11 = vector.load %arg4[%get3A_9, %get3A_10] : memref<16x50000xf32, #tpu.memory_space<vmem>>, vector<16x50000xf32>
    %add3A_12 = arith.addf %add3A_8, %get3A_11 : vector<16x50000xf32>
    %mul3A = arith.constant 2.500000e-01 : f32
    %mul3A_13 = vector.broadcast %mul3A : f32 to vector<16x50000xf32>
    %mul3A_14 = arith.mulf %add3A_12, %mul3A_13 : vector<16x50000xf32>
    %swap3A = arith.constant 0 : index
    %swap3A_15 = arith.constant 0 : index
    %swap3A_16 = vector.load %arg5[%swap3A, %swap3A_15] : memref<16x50000xf32, #tpu.memory_space<vmem>>, vector<16x50000xf32>
    tpu.vector_store %arg5[%swap3A, %swap3A_15], %mul3A_14 {strides = array<i32>} : memref<16x50000xf32, #tpu.memory_space<vmem>>, vector<16x50000xf32>,
    return
  }
  func.func @transform_0(%arg0: i32) -> (i32, i32) {
    %c0_i32 = arith.constant 0 : i32
    %c0_i32_0 = arith.constant 0 : i32
    return %arg0, %c0_i32 : i32, i32
  }
  func.func @transform_1(%arg0: i32) -> (i32, i32) {
    %c0_i32 = arith.constant 0 : i32
    %c0_i32_0 = arith.constant 0 : i32
    return %arg0, %c0_i32 : i32, i32
  }
  func.func @transform_2(%arg0: i32) -> (i32, i32) {
    %c0_i32 = arith.constant 0 : i32
    %c0_i32_0 = arith.constant 0 : i32
    return %arg0, %c0_i32 : i32, i32
  }
  func.func @transform_3(%arg0: i32) -> (i32, i32) {
    %c0_i32 = arith.constant 0 : i32
    %c0_i32_0 = arith.constant 0 : i32
    return %arg0, %c0_i32 : i32, i32
  }
  func.func @transform_4(%arg0: i32) -> (i32, i32) {
    %c0_i32 = arith.constant 0 : i32
    %c0_i32_0 = arith.constant 0 : i32
    return %arg0, %c0_i32 : i32, i32
  }
}

</mosaic_0001>

<sc_bundles>
// kernel: kernel.4.cloned.1.call-start
scs
__scs_entry_jumppad:
0x0: {  	(pc) =	sbr.rel $0x88, $3  }
0x1: {  	(tag) =	ssettag $0x0;
	lr =	simm.s32 $0x1  }
0x2: {  	[smem:$0x3F9D] =	sst lr;
	_ =	strace $0xD0000000  }
0x3: {  	_ = 	snop  }
0x4: {  	_ = 	snop  }
0x5: {  	_ = 	snop  }
0x6: {  	_ = 	snop  }
0x7: {  	_ = 	snop  }
__scs_overlays_trampoline_lowered:
0x8: {  	[smem:$0x3FAC] =	sst s0  }
0x9: {  	[smem:$0x3FAD] =	sst s1  }
0xa: {  	[smem:$0x3FAE] =	sst s2  }
0xb: {  	[smem:$0x3FAF] =	sst s3  }
0xc: {  	[smem:$0x3FB0] =	sst s4  }
0xd: {  	[smem:$0x3FB1] =	sst s5  }
0xe: {  	[smem:$0x3FB2] =	sst s6  }
0xf: {  	[smem:$0x3FB3] =	sst s7  }
0x10: {  	[smem:$0x3FB4] =	sst s8  }
0x11: {  	[smem:$0x3FB5] =	sst s9;
	s0 =	simm.s32 @!p0 $0x0  }
0x12: {  	s1 =	sld [smem:$0x3F9B];
	s0 =	simm.s32 @p0 $0x1  }
0x13: {  	[smem:$0x3FB6] =	sst s0;
	s0 =	simm.s32 @!p1 $0x0  }
0x14: {  	s2 =	sld [smem:$0x3F9A];
	s0 =	simm.s32 @p1 $0x1  }
0x15: {  	[smem:$0x3FB7] =	sst s0;
	s0 =	simm.s32 @!p2 $0x0  }
0x16: {  	s3 =	sld [smem:$0x3FDB];
	s0 =	simm.s32 @p2 $0x1  }
0x17: {  	s4 =	simm.s32 $0x1BF5;
	[smem:$0x3FB9] =	sst s0  }
0x18: {  	s0 =	sld [smem:$0x3F9C];
	_ =	swait.ge [sflag:s4], $0x0  }
0x19: {  	s7 =	sld [smem:$0x3F9D]  }
0x1a: {  	s8 =	sadd.s32 $0xFFFFE003, lr  }
0x1b: {  	s9 =	sadd.s32 $0xFFFFFEF7, lr;
	s5 =	simm.s32 $0xFFFFFFFF;
	p2 =	slt.u32 s8, $0xFFFFF086  }
0x1c: {  	p1 =	slt.u32 s9, $0xF7A;
	s5 =	simm.s32 @!p2 $0x0  }
0x1d: {  	s5 =	simm.s32 @p1 $0x1;
	p0 =	seq.s32 s7, s2  }
0x1e: {  	s7 =	smul.u32 @!p0 $0xF7A, s2;
	p2 =	seq.s32 @!p0 s5, $0x0  }
0x1f: {  	s9 =	smul.u32 $0xF7A, s1;
	s8 =	simm.s32 @!p0 $0x1BF5;
	p2 =	por !p2, p0  }
0x20: {  	[sflag:s8] =	ssyncset.s32 @!p0 $0xFFFFF086;
	s6 =	sadd.s32 @!p0 s3, s7;
	s7 =	simm.s32 @!p0 $0x108  }
0x21: {  	s3 =	sadd.s32 s3, s9;
	s6 =	sadd.s32 @!p0 $0x88, s6;
	s7 =	simm.s32 @p2 $0x1082  }
0x22: {  	[simem:s7], [sflag:s8] =	dma.local @!p0 [hbm:s6], $0xF7A  }
0x23: {  	s9 =	sor.u32 $0xD0000000, s2;
	s6 =	simm.s32 $0x108;
	_ =	swait.ge @!p0 [sflag:s8], $0x0  }
0x24: {  	s3 =	sadd.s32 $0x88, s3;
	s6 =	simm.s32 @!p1 $0x1082;
	[sflag:s4] =	ssyncset.s32 $0xFFFFF086  }
0x25: {  	[simem:s6], [sflag:s4] =	dma.local [hbm:s3], $0xF7A  }
0x26: {  	[smem:$0x3F9D] =	sst s1;
	(tag) =	ssettag s2;
	_ =	strace s9  }
0x27: {  	s1 =	sld [smem:$0x3FAD]  }
0x28: {  	s2 =	sld [smem:$0x3FAE]  }
0x29: {  	s4 =	sld [smem:$0x3FB0]  }
0x2a: {  	p0 =	seq.s32 s5, $0x0;
	s5 =	sld [smem:$0x3FB1]  }
0x2b: {  	s6 =	sld [smem:$0x3FB2]  }
0x2c: {  	s7 =	sld [smem:$0x3FB3]  }
0x2d: {  	s3 =	simm.s32 $0x108;
	s8 =	sld [smem:$0x3FB4]  }
0x2e: {  	s3 =	simm.s32 @!p0 $0x1082;
	s9 =	sld [smem:$0x3FB5]  }
0x2f: {  	lr =	sadd.s32 s0, s3;
	s0 =	sld [smem:$0x3FAC]  }
0x30: {  	s3 =	sld [smem:$0x3FAF]  }
0x31: {  	[smem:$0x3FB8] =	sst s10  }
0x32: {  	s10 =	sld [smem:$0x3FB6];
	_ =	sdelay $0x3  }
0x33: {  	p0 =	seq.s32 s10, $0x1;
	s10 =	sld [smem:$0x3FB8];
	_ =	sdelay $0x3  }
0x34: {  	[smem:$0x3FB8] =	sst s10  }
0x35: {  	s10 =	sld [smem:$0x3FB7];
	_ =	sdelay $0x3  }
0x36: {  	p1 =	seq.s32 s10, $0x1;
	s10 =	sld [smem:$0x3FB8];
	_ =	sdelay $0x3  }
0x37: {  	[smem:$0x3FB8] =	sst s10  }
0x38: {  	s10 =	sld [smem:$0x3FB9]  }
0x39: {  	_ = 	snop;
	(pc) =	sbr.ind lr, $3  }
0x3a: {  	_ = 	snop  }
0x3b: {  	_ = 	snop  }
0x3c: {  	p2 =	seq.s32 s10, $0x1;
	s10 =	sld [smem:$0x3FB8]  }
0x3d: {  	_ =	shalt  }
0x3e: {  	_ =	shalt  }
0x3f: {  	_ =	shalt  }
0x40: {  	_ =	shalt  }
0x41: {  	_ =	shalt  }
0x42: {  	_ =	shalt  }
0x43: {  	_ =	shalt  }
0x44: {  	_ =	shalt  }
0x45: {  	_ =	shalt  }
0x46: {  	_ =	shalt  }
0x47: {  	_ =	shalt  }
0x48: {  	_ =	shalt  }
0x49: {  	_ =	shalt  }
0x4a: {  	_ =	shalt  }
0x4b: {  	_ =	shalt  }
0x4c: {  	_ =	shalt  }
0x4d: {  	_ =	shalt  }
0x4e: {  	_ =	shalt  }
0x4f: {  	_ =	shalt  }
0x50: {  	_ =	shalt  }
0x51: {  	_ =	shalt  }
0x52: {  	_ =	shalt  }
0x53: {  	_ =	shalt  }
0x54: {  	_ =	shalt  }
0x55: {  	_ =	shalt  }
0x56: {  	_ =	shalt  }
0x57: {  	_ =	shalt  }
0x58: {  	_ =	shalt  }
0x59: {  	_ =	shalt  }
0x5a: {  	_ =	shalt  }
0x5b: {  	_ =	shalt  }
0x5c: {  	_ =	shalt  }
0x5d: {  	_ =	shalt  }
0x5e: {  	_ =	shalt  }
0x5f: {  	_ =	shalt  }
0x60: {  	_ =	shalt  }
0x61: {  	_ =	shalt  }
0x62: {  	_ =	shalt  }
0x63: {  	_ =	shalt  }
0x64: {  	_ =	shalt  }
0x65: {  	_ =	shalt  }
0x66: {  	_ =	shalt  }
0x67: {  	_ =	shalt  }
0x68: {  	_ =	shalt  }
0x69: {  	_ =	shalt  }
0x6a: {  	_ =	shalt  }
0x6b: {  	_ =	shalt  }
0x6c: {  	_ =	shalt  }
0x6d: {  	_ =	shalt  }
0x6e: {  	_ =	shalt  }
0x6f: {  	_ =	shalt  }
0x70: {  	_ =	shalt  }
0x71: {  	_ =	shalt  }
0x72: {  	_ =	shalt  }
0x73: {  	_ =	shalt  }
0x74: {  	_ =	shalt  }
0x75: {  	_ =	shalt  }
0x76: {  	_ =	shalt  }
0x77: {  	_ =	shalt  }
0x78: {  	_ =	shalt  }
0x79: {  	_ =	shalt  }
0x7a: {  	_ =	shalt  }
0x7b: {  	_ =	shalt  }
0x7c: {  	_ =	shalt  }
0x7d: {  	_ =	shalt  }
0x7e: {  	_ =	shalt  }
0x7f: {  	_ =	shalt  }
0x80: {  	_ =	shalt  }
0x81: {  	_ =	shalt  }
0x82: {  	_ =	shalt  }
0x83: {  	_ =	shalt  }
0x84: {  	_ =	shalt  }
0x85: {  	_ =	shalt  }
0x86: {  	_ =	shalt  }
0x87: {  	_ =	shalt  }
.Lfunc_end0:
.L_simem_size_0:
called_computation_lowered:
.L_overlay_start_0:
0x88: {  	s2 =	sld [smem:$0x3FD9]  }
0x89: {  	s3 =	sld [smem:$0x3FFE];
	_ =	sdelay $0x1  }
0x8a: {  	s1 =	srdreg.scid  }
0x8b: {  	s0 =	sand.u32 $0x1, s1  }
0x8c: {  	s14 =	sshll.u32 s0, $0xA;
	s2 =	sadd.s32 s3, s2  }
0x8d: {  	s2 =	sadd.s32 s2, s14  }
0x8e: {  	[smem:$0x3FC4] =	sst s2  }
0x8f: {  	_ = 	snop  }
0x90: {  	s2 =	sld [smem:$0x3FD0];
	_ =	sdelay $0x2  }
0x91: {  	s15 =	simm.s32 $0xA;
	s4 =	simm.s32 $0x10  }
0x92: {  	[smem:s4], [sflag:s15] =	dma.local [hbm:s2], $0x1  }
0x93: {  	_ =	swait.eq [sflag:s15], $0x1  }
0x94: {  	[sflag:s15] =	ssyncset.done $0x0  }
0x95: {  	s16 =	sld [smem:$0x10];
	[sflag:s15] =	ssyncadd.s32 $0xFFFFFFFF  }
0x96: {  	s17 =	sld [smem:$0x11];
	(tm) =	ssettm $0x1  }
0x97: {  	s18 =	sld [smem:$0x3FFB];
	_ =	sdelay $0x3  }
0x98: {  	_ =	strace s18  }
0x99: {  	s4 =	sld [smem:$0x3FFC];
	_ =	sdelay $0x3  }
0x9a: {  	_ =	strace s4  }
0x9b: {  	s4 =	sld [smem:$0x3FFD];
	_ =	sdelay $0x3  }
0x9c: {  	_ =	strace s4  }
0x9d: {  	_ =	strace $0x8FFFFFFF  }
0x9e: {  	s19 =	sld [smem:$0x3FDB];
	_ =	sdelay $0x1  }
0x9f: {  	s5 =	simm.s32 $_scs_section_size  }
0xa0: {  	s6 =	simm.s32 $_size__tile_overlayer_lowered;
	s7 =	simm.s32 $_tile_overlayer_lowered  }
0xa1: {  	s22 =	simm.s32 $0x1BFF;
	s21 =	sshll.u32 s7, $0x1;
	s4 =	sadd.s32 s5, s19  }
0xa2: {  	s8 =	simm.s32 $0x0;
	s20 =	sshll.u32 s6, $0x1;
	s6 =	sadd.s32 s21, s4  }
0xa3: {  	[timem:s8], [sflag:s22] =	dma.local [hbm:s6], s20  }
0xa4: {  	_ =	swait.ge [sflag:s22], s20  }
0xa5: {  	s5 =	ssub.s32 $0x0, s20;
	[sflag:s22] =	ssyncset.done $0x0  }
0xa6: {  	[sflag:s22] =	ssyncadd.s32 s5;
	_ =	sdelay $0x1  }
0xa7: {  	s23 =	simm.s32 $0x1B8B  }
0xa8: {  	_ =	swait.ge [sflag:s23], $0x1  }
0xa9: {  	[sflag:s23] =	ssyncset.done $0x0  }
0xaa: {  	s25 =	simm.s32 $0x1B8E;
	s24 =	sld [smem:$0x3FFE];
	[sflag:s23] =	ssyncadd.s32 $0xFFFFFFFF  }
0xab: {  	s26 =	simm.s32 $execute0_lowered;
	[smem:$0x3FD2] =	sst s25  }
0xac: {  	s6 =	sshll.u32 s26, $0x1;
	_ =	strace $0x80000046;
	[dreg:$0x1] =	wrdreg $0xFFFFFFFF  }
0xad: {  	s28 =	simm.s32 $_size_execute0_lowered;
	s4 =	sadd.s32 s4, s6;
	[dreg:$0x0] =	wrdreg $0x0  }
0xae: {  	s6 =	sshll.u32 s28, $0x1;
	[dreg:$0x2] =	wrdreg s4  }
0xaf: {  	[dreg:$0x3] =	wrdreg s6  }
0xb0: {  	[dreg:$0x4] =	wrdreg $0xC0  }
0xb1: {  	_ =	task [dreg:s8], $0x5FFFF  }
0xb2: {  	[dreg:$0x1] =	wrdreg $0xFFFFFFFF  }
0xb3: {  	[dreg:$0x0] =	wrdreg $0x60  }
0xb4: {  	[dreg:$0x2] =	wrdreg s24  }
0xb5: {  	[dreg:$0x3] =	wrdreg s16  }
0xb6: {  	[dreg:$0x4] =	wrdreg s17  }
0xb7: {  	[dreg:$0x5] =	wrdreg $0x9  }
0xb8: {  	_ =	task.clear_ibuf [dreg:s8], $0x6FFFF;
	_ =	strace $0x90000046  }
0xb9: {  	s29 =	simm.s32 $0x9;
	_ =	strace $0x80000048  }
0xba: {  	_ =	swait.ge [sflag:s29], $0x1  }
0xbb: {  	[sflag:s29] =	ssyncadd.s32 $0xFFFFFFFF  }
0xbc: {  	_ =	strace $0x90000048  }
0xbd: {  	_ =	sfence  }
0xbe: {  	s30 =	sld [smem:$0x0];
	_ =	sdelay $0x2  }
0xbf: {  	s31 =	sshll.u32 s1, $0xD;
	s1 =	sshrl.u32 s1, $0x2  }
0xc0: {  	s3 =	sand.u32 $0x4000, s31;
	s1 =	sadd.s32 s1, s30  }
0xc1: {  	s0 =	sor.u32 s3, s0;
	s1 =	sshll.u32 s1, $0x11  }
0xc2: {  	s0 =	sor.u32 s1, s0  }
0xc3: {  	s0 =	sadd.s32 $0x8F2B, s0  }
0xc4: {  	[sflag:s0] =	ssyncadd.remote.s32 $0x1  }
0xc5: {  	_ =	sfence.sel $0xFFFF  }
0xc6: {  	[dreg:$0x0] =	wrdreg $0xFFFFFFFF;
	(pc) =	sbr.abs _section_cstart, $3  }
0xc7: {  	[dreg:$0x1] =	wrdreg $0xFFFFFFFF  }
0xc8: {  	_ =	task.clear_ibuf [dreg:s8], $0x2FFFF;
	_ =	strace $0x9FFFFFFF  }
0xc9: {  	(tm) =	ssettm $0x7FFFFFFF  }
tec
execute0_lowered:
.L_overlay_start_1:
0x0: {  	(tag) =	ssettag $0x1  }
0x1: {  	s5 =	rddreg [dreg:$0x0]  }
0x2: {  	s2 =	rddreg [dreg:$0x1]  }
0x3: {  	s3 =	rddreg [dreg:$0x2];
	s6 =	srdreg.scid  }
0x4: {  	s1 =	stileid.u32;
	s4 =	simm.s32 $0x0;
	s15 =	simm.s32 $0x186A0  }
0x5: {  	s16 =	simm.s32 $0x1B8A0;
	s17 =	simm.s32 $0x19FA0;
	s18 =	simm.s32 $0x1D1A0  }
0x6: {  	s19 =	simm.s32 $0x1;
	s20 =	simm.s32 $0xC350;
	s21 =	simm.s32 $0x2  }
0x7: {  	s22 =	simm.s32 $0x0;
	s6 =	sand.u32 $0x1, s6;
	s7 =	sshll.u32 s1, $0x1  }
0x8: {  	[smem:$0x7FF] =	sst s4;
	s9 =	sadd.s32 $0x62E00, s5;
	s7 =	sor.u32 s6, s7  }
0x9: {  	s10 =	sadd.s32 $0x126600, s5;
	s6 =	ssub.s32 $0x2, s6;
	s8 =	smul.u32 $0x186A, s7  }
0xa: {  	s11 =	sadd.s32 $0xC4A00, s5;
	s7 =	smul.u32 $0xC350, s7;
	s31 =	sshrl.u32 s6, $0x1  }
0xb: {  	s12 =	sadd.s32 $0x188200, s5;
	_ =	strace $0x80000047;
	s13 =	ssub.s32 s6, s31  }
0xc: {  	s5 =	sadd.s32 s9, s8;
	s14 =	sshrl.u32 s7, $0x3;
	s6 =	sadd.s32 s10, s8  }
0xd: {  	s7 =	sadd.s32 s11, s8;
	s8 =	sadd.s32 s12, s8;
	s14 =	sadd.s32 $0x30D40, s14  }
0xe: {  	s13 =	smax.u32 s13, $0x1;
	s9 =	sadd.s32 s9, s14;
	s10 =	sadd.s32 s10, s14  }
0xf: {  	v0 =	vimm.f32 $0.0e+00;
	s11 =	sadd.s32 s11, s14;
	s12 =	sadd.s32 s12, s14;
	s14 =	simm.s32 $0x3  }
.LBB2_1:
0x10: {  	[tilespmem:s4], [sflag:$0x3] =	stream.linear.gather [hbm4b:s5+s4], $0xC350, $0x38;
	[tilespmem:$0x1EAA0] =	vst v63  }
0x11: {  	_ =	swait.ge [sflag:s14], $0xC350  }
0x12: {  	[sflag:s14] =	ssyncset.done $0x0  }
0x13: {  	s23 =	simm.s32 $0x40;
	s24 =	simm.s32 $0x0;
	[sflag:s14] =	ssyncadd.s32 $0xFFFF3CB0  }
.LBB2_2:
0x14: {  	p0 =	sne.s32 s23, $0x30D00;
	[tilespmem:s24+$0xC350] =	vst v0;
	s24 =	smov.u32 s23;
	s23 =	sadd.s32 $0x40, s23  }
.Ltmp0:
0x15: {  	(pc) =	sbr.rel @p0 .LBB2_2-.Ltmp0, $2  }
0x16: {  	_ =	sdelay $0x2  }
0x17: {  	s24 =	sshra.s32 s24, $0x2  }
0x18: {  	[tilespmem:s24+$0xC350] =	vst v0;
	s23 =	simm.s32 $0x0  }
0x19: {  	[tilespmem:s15], [sflag:$0x1] =	stream.linear.gather [hbm4b:s2+s23], $0x1900, $0x38;
	[tilespmem:$0x1EAA0] =	vst v63  }
0x1a: {  	s24 =	simm.s32 $0x0  }
0x1b: {  	[tilespmem:s16], [sflag:$0x1] =	stream.linear.gather [hbm4b:s3+s23], $0x1900, $0x38;
	[tilespmem:$0x1EAA0] =	vst v63  }
.LBB2_4:
0x1c: {  	s25 =	smul.u32 $0x3200, s24;
	_ =	sdelay $0x1  }
0x1d: {  	s26 =	sshrl.u32 s25, $0x3  }
0x1e: {  	s26 =	sadd.s32 $0x320, s26  }
0x1f: {  	s28 =	sadd.s32 s2, s26  }
0x20: {  	[tilespmem:s17], [sflag:$0x2] =	stream.linear.gather [hbm4b:s28+s23], $0x1900, $0x38;
	[tilespmem:$0x1EAA0] =	vst v63  }
0x21: {  	s26 =	sadd.s32 s3, s26  }
0x22: {  	[tilespmem:s18], [sflag:$0x2] =	stream.linear.gather [hbm4b:s26+s23], $0x1900, $0x38;
	[tilespmem:$0x1EAA0] =	vst v63  }
0x23: {  	_ =	swait.ge [sflag:s19], $0x1900  }
0x24: {  	[sflag:s19] =	ssyncset.done $0x0  }
0x25: {  	[sflag:s19] =	ssyncadd.s32 $0xFFFFE700  }
0x26: {  	_ =	swait.ge [sflag:s19], $0x1900  }
0x27: {  	[sflag:s19] =	ssyncset.done $0x0  }
0x28: {  	s31 =	simm.s32 $0x0;
	[sflag:s19] =	ssyncadd.s32 $0xFFFFE700  }
0x29: {  	v1 =	vld [tilespmem:s31+$0x186A0];
	_ =	sdelay $0x4  }
0x2a: {  	s26 =	simm.s32 $0x20;
	v2 =	vand.u32 $0xFFFF, v1  }
0x2b: {  	v3 =	vld [tilespmem:s26+$0x186A0];
	_ =	sdelay $0x2  }
0x2c: {  	v4 =	vld [tilespmem:s31+$0x1B8A0]  }
0x2d: {  	v2 =	vld.idx.msk [tilespmem:v2+s4+$0x0], $0xffff  }
0x2e: {  	v5 =	vand.u32 $0xFFFF, v3  }
0x2f: {  	v1 =	vshrl.u32 v1, $0x10  }
0x30: {  	s28 =	simm.s32 $0x40  }
0x31: {  	v6 =	vld [tilespmem:s28+$0x186A0]  }
0x32: {  	v7 =	vld [tilespmem:s26+$0x1B8A0];
	v2 =	vmul.f32 v2, v4  }
0x33: {  	v4 =	vld.idx.msk [tilespmem:v5+s4+$0x0], $0xffff  }
0x34: {  	[tilespmem:v1+s20+$0x0] =	vst.idx.add.f32.msk $0xffff, v2  }
0x35: {  	v1 =	vld [tilespmem:s31+$0x186B0]  }
0x36: {  	v2 =	vand.u32 $0xFFFF, v6  }
0x37: {  	v3 =	vshrl.u32 v3, $0x10  }
0x38: {  	s29 =	simm.s32 $0x60  }
0x39: {  	v5 =	vld [tilespmem:s29+$0x186A0]  }
0x3a: {  	v8 =	vld [tilespmem:s28+$0x1B8A0];
	v4 =	vmul.f32 v4, v7;
	v9 =	vand.u32 $0xFFFF, v1  }
0x3b: {  	v11 =	vld.idx.msk [tilespmem:v2+s4+$0x0], $0xffff  }
0x3c: {  	[tilespmem:v3+s20+$0x0] =	vst.idx.add.f32.msk $0xffff, v4  }
0x3d: {  	s30 =	simm.s32 $0x80;
	v3 =	vld [tilespmem:s26+$0x186B0]  }
0x3e: {  	v7 =	vld [tilespmem:s30+$0x186A0];
	v10 =	vand.u32 $0xFFFF, v5  }
0x3f: {  	v2 =	vld.idx.msk [tilespmem:v9+s4+$0x0], $0xffff;
	v9 =	vshrl.u32 v6, $0x10;
	_ =	sdelay $0x1  }
0x40: {  	v4 =	vld [tilespmem:s31+$0x1B8B0]  }
0x41: {  	s31 =	simm.s32 $0x280;
	v11 =	vmul.f32 v11, v8;
	v6 =	vld [tilespmem:s29+$0x1B8A0];
	v8 =	vand.u32 $0xFFFF, v3  }
.LBB2_5:
0x42: {  	p0 =	sne.s32 s31, $0x6380;
	v12 =	vld.idx.msk [tilespmem:v10+s4+$0x0], $0xffff;
	v13 =	vshrl.u32 v1, $0x10;
	v1 =	vmov v3;
	v14 =	vmov v7  }
0x43: {  	[tilespmem:v9+s20+$0x0] =	vst.idx.add.f32.msk $0xffff, v11  }
0x44: {  	s0 =	sshra.s32 s31, $0x2;
	v3 =	vld [tilespmem:s28+$0x186B0]  }
.Ltmp1:
0x45: {  	v10 =	vand.u32 $0xFFFF, v14;
	v7 =	vld [tilespmem:s0+$0x186A0];
	v4 =	vmul.f32 v2, v4;
	(pc) =	sbr.rel @p0 .LBB2_5-.Ltmp1, $4  }
0x46: {  	v9 =	vshrl.u32 v5, $0x10;
	v5 =	vmov v14;
	v2 =	vld.idx.msk [tilespmem:v8+s4+$0x0], $0xffff  }
0x47: {  	[tilespmem:v13+s20+$0x0] =	vst.idx.add.f32.msk $0xffff, v4  }
0x48: {  	v4 =	vld [tilespmem:s26+$0x1B8B0];
	s26 =	smov.u32 s28;
	s28 =	smov.u32 s29;
	s29 =	smov.u32 s30  }
0x49: {  	s31 =	sadd.s32 $0x80, s31;
	v11 =	vmul.f32 v12, v6;
	s30 =	smov.u32 s0;
	v6 =	vld [tilespmem:s29+$0x1B8A0];
	v8 =	vand.u32 $0xFFFF, v3  }
0x4a: {  	_ = 	snop  }
0x4b: {  	v12 =	vand.u32 $0xFFFF, v7;
	_ =	sdelay $0x2  }
0x4c: {  	v10 =	vld.idx.msk [tilespmem:v10+s4+$0x0], $0xffff  }
0x4d: {  	v13 =	vld [tilespmem:s30+$0x1B8A0]  }
0x4e: {  	v5 =	vshrl.u32 v5, $0x10;
	v12 =	vld.idx.msk [tilespmem:v12+s4+$0x0], $0xffff;
	_ =	sdelay $0x1  }
0x4f: {  	v7 =	vshrl.u32 v7, $0x10  }
0x50: {  	[tilespmem:v9+s20+$0x0] =	vst.idx.add.f32.msk $0xffff, v11;
	v6 =	vmul.f32 v10, v6  }
0x51: {  	v9 =	vld [tilespmem:s28+$0x186B0]  }
0x52: {  	[tilespmem:v5+s20+$0x0] =	vst.idx.add.f32.msk $0xffff, v6;
	v5 =	vmul.f32 v12, v13  }
0x53: {  	v6 =	vld [tilespmem:s29+$0x186B0]  }
0x54: {  	[tilespmem:v7+s20+$0x0] =	vst.idx.add.f32.msk $0xffff, v5  }
0x55: {  	v5 =	vld [tilespmem:s30+$0x186B0];
	_ =	sdelay $0x2  }
0x56: {  	v8 =	vld.idx.msk [tilespmem:v8+s4+$0x0], $0xffff;
	v7 =	vand.u32 $0xFFFF, v9  }
0x57: {  	v11 =	vld [tilespmem:s26+$0x1B8B0];
	v10 =	vand.u32 $0xFFFF, v6  }
0x58: {  	v63 =	vld [tilespmem:s28+$0x1B8B0];
	v62 =	vand.u32 $0xFFFF, v5  }
0x59: {  	v14 =	vld [tilespmem:s29+$0x1B8B0]  }
0x5a: {  	v15 =	vld [tilespmem:s30+$0x1B8B0]  }
0x5b: {  	v1 =	vshrl.u32 v1, $0x10;
	v7 =	vld.idx.msk [tilespmem:v7+s4+$0x0], $0xffff  }
0x5c: {  	v3 =	vshrl.u32 v3, $0x10;
	v10 =	vld.idx.msk [tilespmem:v10+s4+$0x0], $0xffff  }
0x5d: {  	v9 =	vshrl.u32 v9, $0x10;
	v12 =	vld.idx.msk [tilespmem:v62+s4+$0x0], $0xffff  }
0x5e: {  	v2 =	vmul.f32 v2, v4;
	v4 =	vshrl.u32 v6, $0x10  }
0x5f: {  	v6 =	vmul.f32 v8, v11;
	v5 =	vshrl.u32 v5, $0x10  }
0x60: {  	[tilespmem:v1+s20+$0x0] =	vst.idx.add.f32.msk $0xffff, v2;
	v1 =	vmul.f32 v7, v63  }
0x61: {  	p0 =	seq.s32 s24, $0x3F;
	[tilespmem:v3+s20+$0x0] =	vst.idx.add.f32.msk $0xffff, v6;
	v2 =	vmul.f32 v10, v14  }
0x62: {  	s0 =	sshrl.u32 @!p0 s25, $0x3;
	[tilespmem:v9+s20+$0x0] =	vst.idx.add.f32.msk $0xffff, v1;
	v1 =	vmul.f32 v12, v15  }
0x63: {  	s0 =	sadd.s32 @!p0 $0x640, s0;
	[tilespmem:v4+s20+$0x0] =	vst.idx.add.f32.msk $0xffff, v2  }
0x64: {  	s26 =	simm.s32 @!p0 $0x0;
	s28 =	simm.s32 @!p0 $0x186A0;
	s25 =	sadd.s32 @!p0 s2, s0;
	[tilespmem:v5+s20+$0x0] =	vst.idx.add.f32.msk $0xffff, v1  }
0x65: {  	[tilespmem:s28], [sflag:$0x1] =	stream.linear.gather @!p0 [hbm4b:s25+s26], $0x1900, $0x38;
	[tilespmem:$0x1EAA0] =	vst v63  }
0x66: {  	s0 =	sadd.s32 @!p0 s3, s0;
	s25 =	simm.s32 @!p0 $0x1B8A0  }
0x67: {  	[tilespmem:s25], [sflag:$0x1] =	stream.linear.gather @!p0 [hbm4b:s0+s26], $0x1900, $0x38;
	[tilespmem:$0x1EAA0] =	vst v63  }
0x68: {  	_ =	swait.ge [sflag:s21], $0x1900  }
0x69: {  	[sflag:s21] =	ssyncset.done $0x0  }
0x6a: {  	[sflag:s21] =	ssyncadd.s32 $0xFFFFE700  }
0x6b: {  	_ =	swait.ge [sflag:s21], $0x1900  }
0x6c: {  	[sflag:s21] =	ssyncset.done $0x0  }
0x6d: {  	s31 =	simm.s32 $0x0;
	[sflag:s21] =	ssyncadd.s32 $0xFFFFE700  }
0x6e: {  	v1 =	vld [tilespmem:s31+$0x19FA0];
	_ =	sdelay $0x4  }
0x6f: {  	s25 =	simm.s32 $0x20;
	v2 =	vand.u32 $0xFFFF, v1  }
0x70: {  	v3 =	vld [tilespmem:s25+$0x19FA0];
	_ =	sdelay $0x2  }
0x71: {  	v4 =	vld [tilespmem:s31+$0x1D1A0]  }
0x72: {  	v2 =	vld.idx.msk [tilespmem:v2+s4+$0x0], $0xffff  }
0x73: {  	v5 =	vand.u32 $0xFFFF, v3  }
0x74: {  	v1 =	vshrl.u32 v1, $0x10  }
0x75: {  	s26 =	simm.s32 $0x40  }
0x76: {  	v6 =	vld [tilespmem:s26+$0x19FA0]  }
0x77: {  	v7 =	vld [tilespmem:s25+$0x1D1A0];
	v2 =	vmul.f32 v2, v4  }
0x78: {  	v4 =	vld.idx.msk [tilespmem:v5+s4+$0x0], $0xffff  }
0x79: {  	[tilespmem:v1+s20+$0x0] =	vst.idx.add.f32.msk $0xffff, v2  }
0x7a: {  	v1 =	vld [tilespmem:s31+$0x19FB0]  }
0x7b: {  	v2 =	vand.u32 $0xFFFF, v6  }
0x7c: {  	v3 =	vshrl.u32 v3, $0x10  }
0x7d: {  	s28 =	simm.s32 $0x60  }
0x7e: {  	v5 =	vld [tilespmem:s28+$0x19FA0]  }
0x7f: {  	v8 =	vld [tilespmem:s26+$0x1D1A0];
	v4 =	vmul.f32 v4, v7;
	v9 =	vand.u32 $0xFFFF, v1  }
0x80: {  	v11 =	vld.idx.msk [tilespmem:v2+s4+$0x0], $0xffff  }
0x81: {  	[tilespmem:v3+s20+$0x0] =	vst.idx.add.f32.msk $0xffff, v4  }
0x82: {  	s29 =	simm.s32 $0x80;
	v3 =	vld [tilespmem:s25+$0x19FB0]  }
0x83: {  	v7 =	vld [tilespmem:s29+$0x19FA0];
	v10 =	vand.u32 $0xFFFF, v5  }
0x84: {  	v2 =	vld.idx.msk [tilespmem:v9+s4+$0x0], $0xffff;
	v9 =	vshrl.u32 v6, $0x10;
	_ =	sdelay $0x1  }
0x85: {  	v4 =	vld [tilespmem:s31+$0x1D1B0]  }
0x86: {  	s30 =	simm.s32 $0x280;
	v11 =	vmul.f32 v11, v8;
	v6 =	vld [tilespmem:s28+$0x1D1A0];
	v8 =	vand.u32 $0xFFFF, v3  }
.LBB2_7:
0x87: {  	p0 =	sne.s32 s30, $0x6380;
	v12 =	vld.idx.msk [tilespmem:v10+s4+$0x0], $0xffff;
	v13 =	vshrl.u32 v1, $0x10;
	v1 =	vmov v3;
	v14 =	vmov v7  }
0x88: {  	[tilespmem:v9+s20+$0x0] =	vst.idx.add.f32.msk $0xffff, v11  }
0x89: {  	s0 =	sshra.s32 s30, $0x2;
	v3 =	vld [tilespmem:s26+$0x19FB0]  }
.Ltmp2:
0x8a: {  	v10 =	vand.u32 $0xFFFF, v14;
	v7 =	vld [tilespmem:s0+$0x19FA0];
	v4 =	vmul.f32 v2, v4;
	(pc) =	sbr.rel @p0 .LBB2_7-.Ltmp2, $4  }
0x8b: {  	v9 =	vshrl.u32 v5, $0x10;
	v5 =	vmov v14;
	v2 =	vld.idx.msk [tilespmem:v8+s4+$0x0], $0xffff  }
0x8c: {  	[tilespmem:v13+s20+$0x0] =	vst.idx.add.f32.msk $0xffff, v4  }
0x8d: {  	v4 =	vld [tilespmem:s25+$0x1D1B0];
	s25 =	smov.u32 s26;
	s26 =	smov.u32 s28;
	s28 =	smov.u32 s29  }
0x8e: {  	s30 =	sadd.s32 $0x80, s30;
	v11 =	vmul.f32 v12, v6;
	s29 =	smov.u32 s0;
	v6 =	vld [tilespmem:s28+$0x1D1A0];
	v8 =	vand.u32 $0xFFFF, v3  }
0x8f: {  	_ = 	snop  }
0x90: {  	v12 =	vand.u32 $0xFFFF, v7;
	_ =	sdelay $0x2  }
0x91: {  	v10 =	vld.idx.msk [tilespmem:v10+s4+$0x0], $0xffff  }
0x92: {  	v13 =	vld [tilespmem:s29+$0x1D1A0]  }
0x93: {  	v5 =	vshrl.u32 v5, $0x10;
	v12 =	vld.idx.msk [tilespmem:v12+s4+$0x0], $0xffff;
	_ =	sdelay $0x1  }
0x94: {  	v55 =	vshrl.u32 v7, $0x10  }
0x95: {  	[tilespmem:v9+s20+$0x0] =	vst.idx.add.f32.msk $0xffff, v11;
	v6 =	vmul.f32 v10, v6  }
0x96: {  	v9 =	vld [tilespmem:s26+$0x19FB0]  }
0x97: {  	[tilespmem:v5+s20+$0x0] =	vst.idx.add.f32.msk $0xffff, v6;
	v56 =	vmul.f32 v12, v13  }
0x98: {  	v6 =	vld [tilespmem:s28+$0x19FB0]  }
0x99: {  	[tilespmem:v55+s20+$0x0] =	vst.idx.add.f32.msk $0xffff, v56  }
0x9a: {  	v5 =	vld [tilespmem:s29+$0x19FB0];
	_ =	sdelay $0x1  }
0x9b: {  	v57 =	vand.u32 $0xFFFF, v9  }
0x9c: {  	v8 =	vld.idx.msk [tilespmem:v8+s4+$0x0], $0xffff  }
0x9d: {  	v59 =	vld [tilespmem:s25+$0x1D1B0];
	v58 =	vand.u32 $0xFFFF, v6  }
0x9e: {  	v61 =	vld [tilespmem:s26+$0x1D1B0];
	v60 =	vand.u32 $0xFFFF, v5  }
0x9f: {  	v14 =	vld [tilespmem:s28+$0x1D1B0]  }
0xa0: {  	v7 =	vld.idx.msk [tilespmem:v57+s4+$0x0], $0xffff  }
0xa1: {  	v1 =	vshrl.u32 v1, $0x10;
	v15 =	vld [tilespmem:s29+$0x1D1B0]  }
0xa2: {  	v3 =	vshrl.u32 v3, $0x10;
	v10 =	vld.idx.msk [tilespmem:v58+s4+$0x0], $0xffff  }
0xa3: {  	v9 =	vshrl.u32 v9, $0x10;
	v12 =	vld.idx.msk [tilespmem:v60+s4+$0x0], $0xffff  }
0xa4: {  	s24 =	sadd.s32 $0x1, s24;
	v2 =	vmul.f32 v2, v4;
	v62 =	vshrl.u32 v6, $0x10  }
0xa5: {  	p0 =	sne.s32 s24, $0x40;
	v63 =	vmul.f32 v8, v59;
	v5 =	vshrl.u32 v5, $0x10  }
.Ltmp3:
0xa6: {  	[tilespmem:v1+s20+$0x0] =	vst.idx.add.f32.msk $0xffff, v2;
	v1 =	vmul.f32 v7, v61;
	(pc) =	sbr.rel @p0 .LBB2_4-.Ltmp3, $4  }
0xa7: {  	[tilespmem:v3+s20+$0x0] =	vst.idx.add.f32.msk $0xffff, v63;
	v2 =	vmul.f32 v10, v14  }
0xa8: {  	[tilespmem:v9+s20+$0x0] =	vst.idx.add.f32.msk $0xffff, v1;
	v1 =	vmul.f32 v12, v15  }
0xa9: {  	[tilespmem:v62+s20+$0x0] =	vst.idx.add.f32.msk $0xffff, v2  }
0xaa: {  	[tilespmem:v5+s20+$0x0] =	vst.idx.add.f32.msk $0xffff, v1  }
0xab: {  	s0 =	simm.s32 $0x0  }
0xac: {  	[hbm4b:s6+s0] =	stream.linear.scatter [tilespmem:s20], [sflag:$0x3], $0xC350, $0x38;
	[tilespmem:$0x1EAA0] =	vst v63  }
0xad: {  	_ =	swait.ge [sflag:s14], $0xC350  }
0xae: {  	[sflag:s14] =	ssyncset.done $0x0  }
0xaf: {  	s23 =	simm.s32 $0x40;
	s24 =	simm.s32 $0x0;
	[sflag:s14] =	ssyncadd.s32 $0xFFFF3CB0  }
.LBB2_10:
0xb0: {  	p0 =	sne.s32 s23, $0x30D00;
	[tilespmem:s24+$0x0] =	vst v0;
	s0 =	smov.u32 s23;
	s23 =	sadd.s32 $0x40, s23  }
.Ltmp4:
0xb1: {  	(pc) =	sbr.rel @p0 .LBB2_10-.Ltmp4, $2  }
0xb2: {  	_ =	sdelay $0x2  }
0xb3: {  	s24 =	sshra.s32 s0, $0x2  }
0xb4: {  	[tilespmem:s24+$0x0] =	vst v0;
	s23 =	simm.s32 $0x0  }
0xb5: {  	[tilespmem:s15], [sflag:$0x1] =	stream.linear.gather [hbm4b:s2+s23], $0x1900, $0x38;
	[tilespmem:$0x1EAA0] =	vst v63  }
0xb6: {  	s24 =	simm.s32 $0x0  }
0xb7: {  	[tilespmem:s16], [sflag:$0x1] =	stream.linear.gather [hbm4b:s3+s23], $0x1900, $0x38;
	[tilespmem:$0x1EAA0] =	vst v63  }
.LBB2_12:
0xb8: {  	s25 =	smul.u32 $0x3200, s24;
	_ =	sdelay $0x1  }
0xb9: {  	s0 =	sshrl.u32 s25, $0x3  }
0xba: {  	s0 =	sadd.s32 $0x320, s0  }
0xbb: {  	s26 =	sadd.s32 s2, s0  }
0xbc: {  	[tilespmem:s17], [sflag:$0x2] =	stream.linear.gather [hbm4b:s26+s23], $0x1900, $0x38;
	[tilespmem:$0x1EAA0] =	vst v63  }
0xbd: {  	s0 =	sadd.s32 s3, s0  }
0xbe: {  	[tilespmem:s18], [sflag:$0x2] =	stream.linear.gather [hbm4b:s0+s23], $0x1900, $0x38;
	[tilespmem:$0x1EAA0] =	vst v63  }
0xbf: {  	_ =	swait.ge [sflag:s19], $0x1900  }
0xc0: {  	[sflag:s19] =	ssyncset.done $0x0  }
0xc1: {  	[sflag:s19] =	ssyncadd.s32 $0xFFFFE700  }
0xc2: {  	_ =	swait.ge [sflag:s19], $0x1900  }
0xc3: {  	[sflag:s19] =	ssyncset.done $0x0  }
0xc4: {  	s0 =	simm.s32 $0x0;
	[sflag:s19] =	ssyncadd.s32 $0xFFFFE700  }
0xc5: {  	v1 =	vld [tilespmem:s0+$0x186A0];
	_ =	sdelay $0x4  }
0xc6: {  	s26 =	simm.s32 $0x20;
	v2 =	vand.u32 $0xFFFF, v1  }
0xc7: {  	v3 =	vld [tilespmem:s26+$0x186A0];
	_ =	sdelay $0x2  }
0xc8: {  	v4 =	vld [tilespmem:s0+$0x1B8A0]  }
0xc9: {  	v2 =	vld.idx.msk [tilespmem:v2+s20+$0x0], $0xffff  }
0xca: {  	v5 =	vand.u32 $0xFFFF, v3  }
0xcb: {  	v1 =	vshrl.u32 v1, $0x10  }
0xcc: {  	s28 =	simm.s32 $0x40  }
0xcd: {  	v6 =	vld [tilespmem:s28+$0x186A0]  }
0xce: {  	v7 =	vld [tilespmem:s26+$0x1B8A0];
	v2 =	vmul.f32 v2, v4  }
0xcf: {  	v4 =	vld.idx.msk [tilespmem:v5+s20+$0x0], $0xffff  }
0xd0: {  	[tilespmem:v1+s4+$0x0] =	vst.idx.add.f32.msk $0xffff, v2  }
0xd1: {  	v1 =	vld [tilespmem:s0+$0x186B0]  }
0xd2: {  	v2 =	vand.u32 $0xFFFF, v6  }
0xd3: {  	v3 =	vshrl.u32 v3, $0x10  }
0xd4: {  	s29 =	simm.s32 $0x60  }
0xd5: {  	v5 =	vld [tilespmem:s29+$0x186A0]  }
0xd6: {  	v8 =	vld [tilespmem:s28+$0x1B8A0];
	v4 =	vmul.f32 v4, v7;
	v9 =	vand.u32 $0xFFFF, v1  }
0xd7: {  	v11 =	vld.idx.msk [tilespmem:v2+s20+$0x0], $0xffff  }
0xd8: {  	[tilespmem:v3+s4+$0x0] =	vst.idx.add.f32.msk $0xffff, v4  }
0xd9: {  	s30 =	simm.s32 $0x80;
	v3 =	vld [tilespmem:s26+$0x186B0]  }
0xda: {  	v7 =	vld [tilespmem:s30+$0x186A0];
	v10 =	vand.u32 $0xFFFF, v5  }
0xdb: {  	v2 =	vld.idx.msk [tilespmem:v9+s20+$0x0], $0xffff;
	v9 =	vshrl.u32 v6, $0x10;
	_ =	sdelay $0x1  }
0xdc: {  	v4 =	vld [tilespmem:s0+$0x1B8B0]  }
0xdd: {  	s31 =	simm.s32 $0x280;
	v11 =	vmul.f32 v11, v8;
	v6 =	vld [tilespmem:s29+$0x1B8A0];
	v8 =	vand.u32 $0xFFFF, v3  }
.LBB2_13:
0xde: {  	p0 =	sne.s32 s31, $0x6380;
	v12 =	vld.idx.msk [tilespmem:v10+s20+$0x0], $0xffff;
	v13 =	vshrl.u32 v1, $0x10;
	v1 =	vmov v3;
	v14 =	vmov v7  }
0xdf: {  	[tilespmem:v9+s4+$0x0] =	vst.idx.add.f32.msk $0xffff, v11  }
0xe0: {  	s0 =	sshra.s32 s31, $0x2;
	v3 =	vld [tilespmem:s28+$0x186B0]  }
.Ltmp5:
0xe1: {  	v10 =	vand.u32 $0xFFFF, v14;
	v7 =	vld [tilespmem:s0+$0x186A0];
	v4 =	vmul.f32 v2, v4;
	(pc) =	sbr.rel @p0 .LBB2_13-.Ltmp5, $4  }
0xe2: {  	v9 =	vshrl.u32 v5, $0x10;
	v5 =	vmov v14;
	v2 =	vld.idx.msk [tilespmem:v8+s20+$0x0], $0xffff  }
0xe3: {  	[tilespmem:v13+s4+$0x0] =	vst.idx.add.f32.msk $0xffff, v4  }
0xe4: {  	v4 =	vld [tilespmem:s26+$0x1B8B0];
	s26 =	smov.u32 s28;
	s28 =	smov.u32 s29;
	s29 =	smov.u32 s30  }
0xe5: {  	s31 =	sadd.s32 $0x80, s31;
	v11 =	vmul.f32 v12, v6;
	s30 =	smov.u32 s0;
	v6 =	vld [tilespmem:s29+$0x1B8A0];
	v8 =	vand.u32 $0xFFFF, v3  }
0xe6: {  	_ = 	snop  }
0xe7: {  	v12 =	vand.u32 $0xFFFF, v7;
	_ =	sdelay $0x2  }
0xe8: {  	v10 =	vld.idx.msk [tilespmem:v10+s20+$0x0], $0xffff  }
0xe9: {  	v13 =	vld [tilespmem:s30+$0x1B8A0]  }
0xea: {  	v5 =	vshrl.u32 v5, $0x10;
	v12 =	vld.idx.msk [tilespmem:v12+s20+$0x0], $0xffff;
	_ =	sdelay $0x1  }
0xeb: {  	v7 =	vshrl.u32 v7, $0x10  }
0xec: {  	[tilespmem:v9+s4+$0x0] =	vst.idx.add.f32.msk $0xffff, v11;
	v6 =	vmul.f32 v10, v6  }
0xed: {  	v9 =	vld [tilespmem:s28+$0x186B0]  }
0xee: {  	[tilespmem:v5+s4+$0x0] =	vst.idx.add.f32.msk $0xffff, v6;
	v5 =	vmul.f32 v12, v13  }
0xef: {  	v6 =	vld [tilespmem:s29+$0x186B0]  }
0xf0: {  	[tilespmem:v7+s4+$0x0] =	vst.idx.add.f32.msk $0xffff, v5  }
0xf1: {  	v5 =	vld [tilespmem:s30+$0x186B0];
	_ =	sdelay $0x2  }
0xf2: {  	v8 =	vld.idx.msk [tilespmem:v8+s20+$0x0], $0xffff;
	v7 =	vand.u32 $0xFFFF, v9  }
0xf3: {  	v11 =	vld [tilespmem:s26+$0x1B8B0];
	v10 =	vand.u32 $0xFFFF, v6  }
0xf4: {  	v63 =	vld [tilespmem:s28+$0x1B8B0];
	v62 =	vand.u32 $0xFFFF, v5  }
0xf5: {  	v14 =	vld [tilespmem:s29+$0x1B8B0]  }
0xf6: {  	v15 =	vld [tilespmem:s30+$0x1B8B0]  }
0xf7: {  	v1 =	vshrl.u32 v1, $0x10;
	v7 =	vld.idx.msk [tilespmem:v7+s20+$0x0], $0xffff  }
0xf8: {  	v3 =	vshrl.u32 v3, $0x10;
	v10 =	vld.idx.msk [tilespmem:v10+s20+$0x0], $0xffff  }
0xf9: {  	v9 =	vshrl.u32 v9, $0x10;
	v12 =	vld.idx.msk [tilespmem:v62+s20+$0x0], $0xffff  }
0xfa: {  	v2 =	vmul.f32 v2, v4;
	v4 =	vshrl.u32 v6, $0x10  }
0xfb: {  	v6 =	vmul.f32 v8, v11;
	v5 =	vshrl.u32 v5, $0x10  }
0xfc: {  	[tilespmem:v1+s4+$0x0] =	vst.idx.add.f32.msk $0xffff, v2;
	v1 =	vmul.f32 v7, v63  }
0xfd: {  	p0 =	seq.s32 s24, $0x3F;
	[tilespmem:v3+s4+$0x0] =	vst.idx.add.f32.msk $0xffff, v6;
	v2 =	vmul.f32 v10, v14  }
0xfe: {  	s0 =	sshrl.u32 @!p0 s25, $0x3;
	[tilespmem:v9+s4+$0x0] =	vst.idx.add.f32.msk $0xffff, v1;
	v1 =	vmul.f32 v12, v15  }
0xff: {  	s0 =	sadd.s32 @!p0 $0x640, s0;
	[tilespmem:v4+s4+$0x0] =	vst.idx.add.f32.msk $0xffff, v2  }
0x100: {  	s26 =	simm.s32 @!p0 $0x0;
	s28 =	simm.s32 @!p0 $0x186A0;
	s25 =	sadd.s32 @!p0 s2, s0;
	[tilespmem:v5+s4+$0x0] =	vst.idx.add.f32.msk $0xffff, v1  }
0x101: {  	[tilespmem:s28], [sflag:$0x1] =	stream.linear.gather @!p0 [hbm4b:s25+s26], $0x1900, $0x38;
	[tilespmem:$0x1EAA0] =	vst v63  }
0x102: {  	s0 =	sadd.s32 @!p0 s3, s0;
	s25 =	simm.s32 @!p0 $0x1B8A0  }
0x103: {  	[tilespmem:s25], [sflag:$0x1] =	stream.linear.gather @!p0 [hbm4b:s0+s26], $0x1900, $0x38;
	[tilespmem:$0x1EAA0] =	vst v63  }
0x104: {  	_ =	swait.ge [sflag:s21], $0x1900  }
0x105: {  	[sflag:s21] =	ssyncset.done $0x0  }
0x106: {  	[sflag:s21] =	ssyncadd.s32 $0xFFFFE700  }
0x107: {  	_ =	swait.ge [sflag:s21], $0x1900  }
0x108: {  	[sflag:s21] =	ssyncset.done $0x0  }
0x109: {  	s31 =	simm.s32 $0x0;
	[sflag:s21] =	ssyncadd.s32 $0xFFFFE700  }
0x10a: {  	v1 =	vld [tilespmem:s31+$0x19FA0];
	_ =	sdelay $0x4  }
0x10b: {  	s25 =	simm.s32 $0x20;
	v2 =	vand.u32 $0xFFFF, v1  }
0x10c: {  	v3 =	vld [tilespmem:s25+$0x19FA0];
	_ =	sdelay $0x2  }
0x10d: {  	v4 =	vld [tilespmem:s31+$0x1D1A0]  }
0x10e: {  	v2 =	vld.idx.msk [tilespmem:v2+s20+$0x0], $0xffff  }
0x10f: {  	v5 =	vand.u32 $0xFFFF, v3  }
0x110: {  	v1 =	vshrl.u32 v1, $0x10  }
0x111: {  	s26 =	simm.s32 $0x40  }
0x112: {  	v6 =	vld [tilespmem:s26+$0x19FA0]  }
0x113: {  	v7 =	vld [tilespmem:s25+$0x1D1A0];
	v2 =	vmul.f32 v2, v4  }
0x114: {  	v4 =	vld.idx.msk [tilespmem:v5+s20+$0x0], $0xffff  }
0x115: {  	[tilespmem:v1+s4+$0x0] =	vst.idx.add.f32.msk $0xffff, v2  }
0x116: {  	v1 =	vld [tilespmem:s31+$0x19FB0]  }
0x117: {  	v2 =	vand.u32 $0xFFFF, v6  }
0x118: {  	v3 =	vshrl.u32 v3, $0x10  }
0x119: {  	s28 =	simm.s32 $0x60  }
0x11a: {  	v5 =	vld [tilespmem:s28+$0x19FA0]  }
0x11b: {  	v8 =	vld [tilespmem:s26+$0x1D1A0];
	v4 =	vmul.f32 v4, v7;
	v9 =	vand.u32 $0xFFFF, v1  }
0x11c: {  	v11 =	vld.idx.msk [tilespmem:v2+s20+$0x0], $0xffff  }
0x11d: {  	[tilespmem:v3+s4+$0x0] =	vst.idx.add.f32.msk $0xffff, v4  }
0x11e: {  	s29 =	simm.s32 $0x80;
	v3 =	vld [tilespmem:s25+$0x19FB0]  }
0x11f: {  	v7 =	vld [tilespmem:s29+$0x19FA0];
	v10 =	vand.u32 $0xFFFF, v5  }
0x120: {  	v2 =	vld.idx.msk [tilespmem:v9+s20+$0x0], $0xffff;
	v9 =	vshrl.u32 v6, $0x10;
	_ =	sdelay $0x1  }
0x121: {  	v4 =	vld [tilespmem:s31+$0x1D1B0]  }
0x122: {  	s30 =	simm.s32 $0x280;
	v11 =	vmul.f32 v11, v8;
	v6 =	vld [tilespmem:s28+$0x1D1A0];
	v8 =	vand.u32 $0xFFFF, v3  }
.LBB2_15:
0x123: {  	p0 =	sne.s32 s30, $0x6380;
	v12 =	vld.idx.msk [tilespmem:v10+s20+$0x0], $0xffff;
	v13 =	vshrl.u32 v1, $0x10;
	v1 =	vmov v3;
	v14 =	vmov v7  }
0x124: {  	[tilespmem:v9+s4+$0x0] =	vst.idx.add.f32.msk $0xffff, v11  }
0x125: {  	s0 =	sshra.s32 s30, $0x2;
	v3 =	vld [tilespmem:s26+$0x19FB0]  }
.Ltmp6:
0x126: {  	v10 =	vand.u32 $0xFFFF, v14;
	v7 =	vld [tilespmem:s0+$0x19FA0];
	v4 =	vmul.f32 v2, v4;
	(pc) =	sbr.rel @p0 .LBB2_15-.Ltmp6, $4  }
0x127: {  	v9 =	vshrl.u32 v5, $0x10;
	v5 =	vmov v14;
	v2 =	vld.idx.msk [tilespmem:v8+s20+$0x0], $0xffff  }
0x128: {  	[tilespmem:v13+s4+$0x0] =	vst.idx.add.f32.msk $0xffff, v4  }
0x129: {  	v4 =	vld [tilespmem:s25+$0x1D1B0];
	s25 =	smov.u32 s26;
	s26 =	smov.u32 s28;
	s28 =	smov.u32 s29  }
0x12a: {  	s30 =	sadd.s32 $0x80, s30;
	v11 =	vmul.f32 v12, v6;
	s29 =	smov.u32 s0;
	v6 =	vld [tilespmem:s28+$0x1D1A0];
	v8 =	vand.u32 $0xFFFF, v3  }
0x12b: {  	_ = 	snop  }
0x12c: {  	v12 =	vand.u32 $0xFFFF, v7;
	_ =	sdelay $0x2  }
0x12d: {  	v10 =	vld.idx.msk [tilespmem:v10+s20+$0x0], $0xffff  }
0x12e: {  	v13 =	vld [tilespmem:s29+$0x1D1A0]  }
0x12f: {  	v5 =	vshrl.u32 v5, $0x10;
	v12 =	vld.idx.msk [tilespmem:v12+s20+$0x0], $0xffff;
	_ =	sdelay $0x1  }
0x130: {  	v55 =	vshrl.u32 v7, $0x10  }
0x131: {  	[tilespmem:v9+s4+$0x0] =	vst.idx.add.f32.msk $0xffff, v11;
	v6 =	vmul.f32 v10, v6  }
0x132: {  	v9 =	vld [tilespmem:s26+$0x19FB0]  }
0x133: {  	[tilespmem:v5+s4+$0x0] =	vst.idx.add.f32.msk $0xffff, v6;
	v56 =	vmul.f32 v12, v13  }
0x134: {  	v6 =	vld [tilespmem:s28+$0x19FB0]  }
0x135: {  	[tilespmem:v55+s4+$0x0] =	vst.idx.add.f32.msk $0xffff, v56  }
0x136: {  	v5 =	vld [tilespmem:s29+$0x19FB0];
	_ =	sdelay $0x1  }
0x137: {  	v57 =	vand.u32 $0xFFFF, v9  }
0x138: {  	v8 =	vld.idx.msk [tilespmem:v8+s20+$0x0], $0xffff  }
0x139: {  	v59 =	vld [tilespmem:s25+$0x1D1B0];
	v58 =	vand.u32 $0xFFFF, v6  }
0x13a: {  	v61 =	vld [tilespmem:s26+$0x1D1B0];
	v60 =	vand.u32 $0xFFFF, v5  }
0x13b: {  	v14 =	vld [tilespmem:s28+$0x1D1B0]  }
0x13c: {  	v7 =	vld.idx.msk [tilespmem:v57+s20+$0x0], $0xffff  }
0x13d: {  	v1 =	vshrl.u32 v1, $0x10;
	v15 =	vld [tilespmem:s29+$0x1D1B0]  }
0x13e: {  	v3 =	vshrl.u32 v3, $0x10;
	v10 =	vld.idx.msk [tilespmem:v58+s20+$0x0], $0xffff  }
0x13f: {  	v9 =	vshrl.u32 v9, $0x10;
	v12 =	vld.idx.msk [tilespmem:v60+s20+$0x0], $0xffff  }
0x140: {  	s24 =	sadd.s32 $0x1, s24;
	v2 =	vmul.f32 v2, v4;
	v62 =	vshrl.u32 v6, $0x10  }
0x141: {  	p0 =	sne.s32 s24, $0x40;
	v63 =	vmul.f32 v8, v59;
	v5 =	vshrl.u32 v5, $0x10  }
.Ltmp7:
0x142: {  	[tilespmem:v1+s4+$0x0] =	vst.idx.add.f32.msk $0xffff, v2;
	v1 =	vmul.f32 v7, v61;
	(pc) =	sbr.rel @p0 .LBB2_12-.Ltmp7, $4  }
0x143: {  	[tilespmem:v3+s4+$0x0] =	vst.idx.add.f32.msk $0xffff, v63;
	v2 =	vmul.f32 v10, v14  }
0x144: {  	[tilespmem:v9+s4+$0x0] =	vst.idx.add.f32.msk $0xffff, v1;
	v1 =	vmul.f32 v12, v15  }
0x145: {  	[tilespmem:v62+s4+$0x0] =	vst.idx.add.f32.msk $0xffff, v2  }
0x146: {  	[tilespmem:v5+s4+$0x0] =	vst.idx.add.f32.msk $0xffff, v1  }
0x147: {  	s0 =	simm.s32 $0x0  }
0x148: {  	[hbm4b:s7+s0] =	stream.linear.scatter [tilespmem:s0], [sflag:$0x3], $0xC350, $0x38;
	[tilespmem:$0x1EAA0] =	vst v63  }
0x149: {  	_ =	swait.ge [sflag:s14], $0xC350  }
0x14a: {  	[sflag:s14] =	ssyncset.done $0x0  }
0x14b: {  	s23 =	simm.s32 $0x40;
	s24 =	simm.s32 $0x0;
	[sflag:s14] =	ssyncadd.s32 $0xFFFF3CB0  }
.LBB2_18:
0x14c: {  	p0 =	sne.s32 s23, $0x30D00;
	[tilespmem:s24+$0xC350] =	vst v0;
	s0 =	smov.u32 s23;
	s23 =	sadd.s32 $0x40, s23  }
.Ltmp8:
0x14d: {  	(pc) =	sbr.rel @p0 .LBB2_18-.Ltmp8, $2  }
0x14e: {  	_ =	sdelay $0x2  }
0x14f: {  	s24 =	sshra.s32 s0, $0x2  }
0x150: {  	[tilespmem:s24+$0xC350] =	vst v0;
	s23 =	simm.s32 $0x0  }
0x151: {  	[tilespmem:s15], [sflag:$0x1] =	stream.linear.gather [hbm4b:s2+s23], $0x1900, $0x38;
	[tilespmem:$0x1EAA0] =	vst v63  }
0x152: {  	s24 =	simm.s32 $0x0  }
0x153: {  	[tilespmem:s16], [sflag:$0x1] =	stream.linear.gather [hbm4b:s3+s23], $0x1900, $0x38;
	[tilespmem:$0x1EAA0] =	vst v63  }
.LBB2_20:
0x154: {  	s25 =	smul.u32 $0x3200, s24;
	_ =	sdelay $0x1  }
0x155: {  	s0 =	sshrl.u32 s25, $0x3  }
0x156: {  	s0 =	sadd.s32 $0x320, s0  }
0x157: {  	s26 =	sadd.s32 s2, s0  }
0x158: {  	[tilespmem:s17], [sflag:$0x2] =	stream.linear.gather [hbm4b:s26+s23], $0x1900, $0x38;
	[tilespmem:$0x1EAA0] =	vst v63  }
0x159: {  	s0 =	sadd.s32 s3, s0  }
0x15a: {  	[tilespmem:s18], [sflag:$0x2] =	stream.linear.gather [hbm4b:s0+s23], $0x1900, $0x38;
	[tilespmem:$0x1EAA0] =	vst v63  }
0x15b: {  	_ =	swait.ge [sflag:s19], $0x1900  }
0x15c: {  	[sflag:s19] =	ssyncset.done $0x0  }
0x15d: {  	[sflag:s19] =	ssyncadd.s32 $0xFFFFE700  }
0x15e: {  	_ =	swait.ge [sflag:s19], $0x1900  }
0x15f: {  	[sflag:s19] =	ssyncset.done $0x0  }
0x160: {  	s0 =	simm.s32 $0x0;
	[sflag:s19] =	ssyncadd.s32 $0xFFFFE700  }
0x161: {  	v1 =	vld [tilespmem:s0+$0x186A0];
	_ =	sdelay $0x4  }
0x162: {  	s26 =	simm.s32 $0x20;
	v2 =	vand.u32 $0xFFFF, v1  }
0x163: {  	v3 =	vld [tilespmem:s26+$0x186A0];
	_ =	sdelay $0x2  }
0x164: {  	v4 =	vld [tilespmem:s0+$0x1B8A0]  }
0x165: {  	v2 =	vld.idx.msk [tilespmem:v2+s4+$0x0], $0xffff  }
0x166: {  	v5 =	vand.u32 $0xFFFF, v3  }
0x167: {  	v1 =	vshrl.u32 v1, $0x10  }
0x168: {  	s28 =	simm.s32 $0x40  }
0x169: {  	v6 =	vld [tilespmem:s28+$0x186A0]  }
0x16a: {  	v7 =	vld [tilespmem:s26+$0x1B8A0];
	v2 =	vmul.f32 v2, v4  }
0x16b: {  	v4 =	vld.idx.msk [tilespmem:v5+s4+$0x0], $0xffff  }
0x16c: {  	[tilespmem:v1+s20+$0x0] =	vst.idx.add.f32.msk $0xffff, v2  }
0x16d: {  	v1 =	vld [tilespmem:s0+$0x186B0]  }
0x16e: {  	v2 =	vand.u32 $0xFFFF, v6  }
0x16f: {  	v3 =	vshrl.u32 v3, $0x10  }
0x170: {  	s29 =	simm.s32 $0x60  }
0x171: {  	v5 =	vld [tilespmem:s29+$0x186A0]  }
0x172: {  	v8 =	vld [tilespmem:s28+$0x1B8A0];
	v4 =	vmul.f32 v4, v7;
	v9 =	vand.u32 $0xFFFF, v1  }
0x173: {  	v11 =	vld.idx.msk [tilespmem:v2+s4+$0x0], $0xffff  }
0x174: {  	[tilespmem:v3+s20+$0x0] =	vst.idx.add.f32.msk $0xffff, v4  }
0x175: {  	s30 =	simm.s32 $0x80;
	v3 =	vld [tilespmem:s26+$0x186B0]  }
0x176: {  	v7 =	vld [tilespmem:s30+$0x186A0];
	v10 =	vand.u32 $0xFFFF, v5  }
0x177: {  	v2 =	vld.idx.msk [tilespmem:v9+s4+$0x0], $0xffff;
	v9 =	vshrl.u32 v6, $0x10;
	_ =	sdelay $0x1  }
0x178: {  	v4 =	vld [tilespmem:s0+$0x1B8B0]  }
0x179: {  	s31 =	simm.s32 $0x280;
	v11 =	vmul.f32 v11, v8;
	v6 =	vld [tilespmem:s29+$0x1B8A0];
	v8 =	vand.u32 $0xFFFF, v3  }
.LBB2_21:
0x17a: {  	p0 =	sne.s32 s31, $0x6380;
	v12 =	vld.idx.msk [tilespmem:v10+s4+$0x0], $0xffff;
	v13 =	vshrl.u32 v1, $0x10;
	v1 =	vmov v3;
	v14 =	vmov v7  }
0x17b: {  	[tilespmem:v9+s20+$0x0] =	vst.idx.add.f32.msk $0xffff, v11  }
0x17c: {  	s0 =	sshra.s32 s31, $0x2;
	v3 =	vld [tilespmem:s28+$0x186B0]  }
.Ltmp9:
0x17d: {  	v10 =	vand.u32 $0xFFFF, v14;
	v7 =	vld [tilespmem:s0+$0x186A0];
	v4 =	vmul.f32 v2, v4;
	(pc) =	sbr.rel @p0 .LBB2_21-.Ltmp9, $4  }
0x17e: {  	v9 =	vshrl.u32 v5, $0x10;
	v5 =	vmov v14;
	v2 =	vld.idx.msk [tilespmem:v8+s4+$0x0], $0xffff  }
0x17f: {  	[tilespmem:v13+s20+$0x0] =	vst.idx.add.f32.msk $0xffff, v4  }
0x180: {  	v4 =	vld [tilespmem:s26+$0x1B8B0];
	s26 =	smov.u32 s28;
	s28 =	smov.u32 s29;
	s29 =	smov.u32 s30  }
0x181: {  	s31 =	sadd.s32 $0x80, s31;
	v11 =	vmul.f32 v12, v6;
	s30 =	smov.u32 s0;
	v6 =	vld [tilespmem:s29+$0x1B8A0];
	v8 =	vand.u32 $0xFFFF, v3  }
0x182: {  	_ = 	snop  }
0x183: {  	v12 =	vand.u32 $0xFFFF, v7;
	_ =	sdelay $0x2  }
0x184: {  	v10 =	vld.idx.msk [tilespmem:v10+s4+$0x0], $0xffff  }
0x185: {  	v13 =	vld [tilespmem:s30+$0x1B8A0]  }
0x186: {  	v5 =	vshrl.u32 v5, $0x10;
	v12 =	vld.idx.msk [tilespmem:v12+s4+$0x0], $0xffff;
	_ =	sdelay $0x1  }
0x187: {  	v7 =	vshrl.u32 v7, $0x10  }
0x188: {  	[tilespmem:v9+s20+$0x0] =	vst.idx.add.f32.msk $0xffff, v11;
	v6 =	vmul.f32 v10, v6  }
0x189: {  	v9 =	vld [tilespmem:s28+$0x186B0]  }
0x18a: {  	[tilespmem:v5+s20+$0x0] =	vst.idx.add.f32.msk $0xffff, v6;
	v5 =	vmul.f32 v12, v13  }
0x18b: {  	v6 =	vld [tilespmem:s29+$0x186B0]  }
0x18c: {  	[tilespmem:v7+s20+$0x0] =	vst.idx.add.f32.msk $0xffff, v5  }
0x18d: {  	v5 =	vld [tilespmem:s30+$0x186B0];
	_ =	sdelay $0x2  }
0x18e: {  	v8 =	vld.idx.msk [tilespmem:v8+s4+$0x0], $0xffff;
	v7 =	vand.u32 $0xFFFF, v9  }
0x18f: {  	v11 =	vld [tilespmem:s26+$0x1B8B0];
	v10 =	vand.u32 $0xFFFF, v6  }
0x190: {  	v63 =	vld [tilespmem:s28+$0x1B8B0];
	v62 =	vand.u32 $0xFFFF, v5  }
0x191: {  	v14 =	vld [tilespmem:s29+$0x1B8B0]  }
0x192: {  	v15 =	vld [tilespmem:s30+$0x1B8B0]  }
0x193: {  	v1 =	vshrl.u32 v1, $0x10;
	v7 =	vld.idx.msk [tilespmem:v7+s4+$0x0], $0xffff  }
0x194: {  	v3 =	vshrl.u32 v3, $0x10;
	v10 =	vld.idx.msk [tilespmem:v10+s4+$0x0], $0xffff  }
0x195: {  	v9 =	vshrl.u32 v9, $0x10;
	v12 =	vld.idx.msk [tilespmem:v62+s4+$0x0], $0xffff  }
0x196: {  	v2 =	vmul.f32 v2, v4;
	v4 =	vshrl.u32 v6, $0x10  }
0x197: {  	v6 =	vmul.f32 v8, v11;
	v5 =	vshrl.u32 v5, $0x10  }
0x198: {  	[tilespmem:v1+s20+$0x0] =	vst.idx.add.f32.msk $0xffff, v2;
	v1 =	vmul.f32 v7, v63  }
0x199: {  	p0 =	seq.s32 s24, $0x3F;
	[tilespmem:v3+s20+$0x0] =	vst.idx.add.f32.msk $0xffff, v6;
	v2 =	vmul.f32 v10, v14  }
0x19a: {  	s0 =	sshrl.u32 @!p0 s25, $0x3;
	[tilespmem:v9+s20+$0x0] =	vst.idx.add.f32.msk $0xffff, v1;
	v1 =	vmul.f32 v12, v15  }
0x19b: {  	s0 =	sadd.s32 @!p0 $0x640, s0;
	[tilespmem:v4+s20+$0x0] =	vst.idx.add.f32.msk $0xffff, v2  }
0x19c: {  	s26 =	simm.s32 @!p0 $0x0;
	s28 =	simm.s32 @!p0 $0x186A0;
	s25 =	sadd.s32 @!p0 s2, s0;
	[tilespmem:v5+s20+$0x0] =	vst.idx.add.f32.msk $0xffff, v1  }
0x19d: {  	[tilespmem:s28], [sflag:$0x1] =	stream.linear.gather @!p0 [hbm4b:s25+s26], $0x1900, $0x38;
	[tilespmem:$0x1EAA0] =	vst v63  }
0x19e: {  	s0 =	sadd.s32 @!p0 s3, s0;
	s25 =	simm.s32 @!p0 $0x1B8A0  }
0x19f: {  	[tilespmem:s25], [sflag:$0x1] =	stream.linear.gather @!p0 [hbm4b:s0+s26], $0x1900, $0x38;
	[tilespmem:$0x1EAA0] =	vst v63  }
0x1a0: {  	_ =	swait.ge [sflag:s21], $0x1900  }
0x1a1: {  	[sflag:s21] =	ssyncset.done $0x0  }
0x1a2: {  	[sflag:s21] =	ssyncadd.s32 $0xFFFFE700  }
0x1a3: {  	_ =	swait.ge [sflag:s21], $0x1900  }
0x1a4: {  	[sflag:s21] =	ssyncset.done $0x0  }
0x1a5: {  	s31 =	simm.s32 $0x0;
	[sflag:s21] =	ssyncadd.s32 $0xFFFFE700  }
0x1a6: {  	v1 =	vld [tilespmem:s31+$0x19FA0];
	_ =	sdelay $0x4  }
0x1a7: {  	s25 =	simm.s32 $0x20;
	v2 =	vand.u32 $0xFFFF, v1  }
0x1a8: {  	v3 =	vld [tilespmem:s25+$0x19FA0];
	_ =	sdelay $0x2  }
0x1a9: {  	v4 =	vld [tilespmem:s31+$0x1D1A0]  }
0x1aa: {  	v2 =	vld.idx.msk [tilespmem:v2+s4+$0x0], $0xffff  }
0x1ab: {  	v5 =	vand.u32 $0xFFFF, v3  }
0x1ac: {  	v1 =	vshrl.u32 v1, $0x10  }
0x1ad: {  	s26 =	simm.s32 $0x40  }
0x1ae: {  	v6 =	vld [tilespmem:s26+$0x19FA0]  }
0x1af: {  	v7 =	vld [tilespmem:s25+$0x1D1A0];
	v2 =	vmul.f32 v2, v4  }
0x1b0: {  	v4 =	vld.idx.msk [tilespmem:v5+s4+$0x0], $0xffff  }
0x1b1: {  	[tilespmem:v1+s20+$0x0] =	vst.idx.add.f32.msk $0xffff, v2  }
0x1b2: {  	v1 =	vld [tilespmem:s31+$0x19FB0]  }
0x1b3: {  	v2 =	vand.u32 $0xFFFF, v6  }
0x1b4: {  	v3 =	vshrl.u32 v3, $0x10  }
0x1b5: {  	s28 =	simm.s32 $0x60  }
0x1b6: {  	v5 =	vld [tilespmem:s28+$0x19FA0]  }
0x1b7: {  	v8 =	vld [tilespmem:s26+$0x1D1A0];
	v4 =	vmul.f32 v4, v7;
	v9 =	vand.u32 $0xFFFF, v1  }
0x1b8: {  	v11 =	vld.idx.msk [tilespmem:v2+s4+$0x0], $0xffff  }
0x1b9: {  	[tilespmem:v3+s20+$0x0] =	vst.idx.add.f32.msk $0xffff, v4  }
0x1ba: {  	s29 =	simm.s32 $0x80;
	v3 =	vld [tilespmem:s25+$0x19FB0]  }
0x1bb: {  	v7 =	vld [tilespmem:s29+$0x19FA0];
	v10 =	vand.u32 $0xFFFF, v5  }
0x1bc: {  	v2 =	vld.idx.msk [tilespmem:v9+s4+$0x0], $0xffff;
	v9 =	vshrl.u32 v6, $0x10;
	_ =	sdelay $0x1  }
0x1bd: {  	v4 =	vld [tilespmem:s31+$0x1D1B0]  }
0x1be: {  	s30 =	simm.s32 $0x280;
	v11 =	vmul.f32 v11, v8;
	v6 =	vld [tilespmem:s28+$0x1D1A0];
	v8 =	vand.u32 $0xFFFF, v3  }
.LBB2_23:
0x1bf: {  	p0 =	sne.s32 s30, $0x6380;
	v12 =	vld.idx.msk [tilespmem:v10+s4+$0x0], $0xffff;
	v13 =	vshrl.u32 v1, $0x10;
	v1 =	vmov v3;
	v14 =	vmov v7  }
0x1c0: {  	[tilespmem:v9+s20+$0x0] =	vst.idx.add.f32.msk $0xffff, v11  }
0x1c1: {  	s0 =	sshra.s32 s30, $0x2;
	v3 =	vld [tilespmem:s26+$0x19FB0]  }
.Ltmp10:
0x1c2: {  	v10 =	vand.u32 $0xFFFF, v14;
	v7 =	vld [tilespmem:s0+$0x19FA0];
	v4 =	vmul.f32 v2, v4;
	(pc) =	sbr.rel @p0 .LBB2_23-.Ltmp10, $4  }
0x1c3: {  	v9 =	vshrl.u32 v5, $0x10;
	v5 =	vmov v14;
	v2 =	vld.idx.msk [tilespmem:v8+s4+$0x0], $0xffff  }
0x1c4: {  	[tilespmem:v13+s20+$0x0] =	vst.idx.add.f32.msk $0xffff, v4  }
0x1c5: {  	v4 =	vld [tilespmem:s25+$0x1D1B0];
	s25 =	smov.u32 s26;
	s26 =	smov.u32 s28;
	s28 =	smov.u32 s29  }
0x1c6: {  	s30 =	sadd.s32 $0x80, s30;
	v11 =	vmul.f32 v12, v6;
	s29 =	smov.u32 s0;
	v6 =	vld [tilespmem:s28+$0x1D1A0];
	v8 =	vand.u32 $0xFFFF, v3  }
0x1c7: {  	_ = 	snop  }
0x1c8: {  	v12 =	vand.u32 $0xFFFF, v7;
	_ =	sdelay $0x2  }
0x1c9: {  	v10 =	vld.idx.msk [tilespmem:v10+s4+$0x0], $0xffff  }
0x1ca: {  	v13 =	vld [tilespmem:s29+$0x1D1A0]  }
0x1cb: {  	v5 =	vshrl.u32 v5, $0x10;
	v12 =	vld.idx.msk [tilespmem:v12+s4+$0x0], $0xffff;
	_ =	sdelay $0x1  }
0x1cc: {  	v55 =	vshrl.u32 v7, $0x10  }
0x1cd: {  	[tilespmem:v9+s20+$0x0] =	vst.idx.add.f32.msk $0xffff, v11;
	v6 =	vmul.f32 v10, v6  }
0x1ce: {  	v9 =	vld [tilespmem:s26+$0x19FB0]  }
0x1cf: {  	[tilespmem:v5+s20+$0x0] =	vst.idx.add.f32.msk $0xffff, v6;
	v56 =	vmul.f32 v12, v13  }
0x1d0: {  	v6 =	vld [tilespmem:s28+$0x19FB0]  }
0x1d1: {  	[tilespmem:v55+s20+$0x0] =	vst.idx.add.f32.msk $0xffff, v56  }
0x1d2: {  	v5 =	vld [tilespmem:s29+$0x19FB0];
	_ =	sdelay $0x1  }
0x1d3: {  	v57 =	vand.u32 $0xFFFF, v9  }
0x1d4: {  	v8 =	vld.idx.msk [tilespmem:v8+s4+$0x0], $0xffff  }
0x1d5: {  	v59 =	vld [tilespmem:s25+$0x1D1B0];
	v58 =	vand.u32 $0xFFFF, v6  }
0x1d6: {  	v61 =	vld [tilespmem:s26+$0x1D1B0];
	v60 =	vand.u32 $0xFFFF, v5  }
0x1d7: {  	v14 =	vld [tilespmem:s28+$0x1D1B0]  }
0x1d8: {  	v7 =	vld.idx.msk [tilespmem:v57+s4+$0x0], $0xffff  }
0x1d9: {  	v1 =	vshrl.u32 v1, $0x10;
	v15 =	vld [tilespmem:s29+$0x1D1B0]  }
0x1da: {  	v3 =	vshrl.u32 v3, $0x10;
	v10 =	vld.idx.msk [tilespmem:v58+s4+$0x0], $0xffff  }
0x1db: {  	v9 =	vshrl.u32 v9, $0x10;
	v12 =	vld.idx.msk [tilespmem:v60+s4+$0x0], $0xffff  }
0x1dc: {  	s24 =	sadd.s32 $0x1, s24;
	v2 =	vmul.f32 v2, v4;
	v62 =	vshrl.u32 v6, $0x10  }
0x1dd: {  	p0 =	sne.s32 s24, $0x40;
	v63 =	vmul.f32 v8, v59;
	v5 =	vshrl.u32 v5, $0x10  }
.Ltmp11:
0x1de: {  	[tilespmem:v1+s20+$0x0] =	vst.idx.add.f32.msk $0xffff, v2;
	v1 =	vmul.f32 v7, v61;
	(pc) =	sbr.rel @p0 .LBB2_20-.Ltmp11, $4  }
0x1df: {  	[tilespmem:v3+s20+$0x0] =	vst.idx.add.f32.msk $0xffff, v63;
	v2 =	vmul.f32 v10, v14  }
0x1e0: {  	[tilespmem:v9+s20+$0x0] =	vst.idx.add.f32.msk $0xffff, v1;
	v1 =	vmul.f32 v12, v15  }
0x1e1: {  	[tilespmem:v62+s20+$0x0] =	vst.idx.add.f32.msk $0xffff, v2  }
0x1e2: {  	[tilespmem:v5+s20+$0x0] =	vst.idx.add.f32.msk $0xffff, v1  }
0x1e3: {  	s0 =	simm.s32 $0x0  }
0x1e4: {  	[hbm4b:s8+s0] =	stream.linear.scatter [tilespmem:s20], [sflag:$0x3], $0xC350, $0x38;
	[tilespmem:$0x1EAA0] =	vst v63  }
0x1e5: {  	_ =	swait.ge [sflag:s14], $0xC350  }
0x1e6: {  	[sflag:s14] =	ssyncset.done $0x0  }
0x1e7: {  	[sflag:s14] =	ssyncadd.s32 $0xFFFF3CB0  }
0x1e8: {  	[tilespmem:s0], [sflag:$0x3] =	stream.linear.gather [hbm4b:s9+s0], $0xC350, $0x38;
	[tilespmem:$0x1EAA0] =	vst v63  }
0x1e9: {  	_ =	swait.ge [sflag:s14], $0xC350  }
0x1ea: {  	[sflag:s14] =	ssyncset.done $0x0  }
0x1eb: {  	s23 =	simm.s32 $0x40;
	s24 =	simm.s32 $0x0;
	[sflag:s14] =	ssyncadd.s32 $0xFFFF3CB0  }
.LBB2_26:
0x1ec: {  	p0 =	sne.s32 s23, $0x30D00;
	[tilespmem:s24+$0xC350] =	vst v0;
	s0 =	smov.u32 s23;
	s23 =	sadd.s32 $0x40, s23  }
.Ltmp12:
0x1ed: {  	(pc) =	sbr.rel @p0 .LBB2_26-.Ltmp12, $2  }
0x1ee: {  	_ =	sdelay $0x2  }
0x1ef: {  	s24 =	sshra.s32 s0, $0x2  }
0x1f0: {  	[tilespmem:s24+$0xC350] =	vst v0;
	s23 =	simm.s32 $0x0  }
0x1f1: {  	[tilespmem:s15], [sflag:$0x1] =	stream.linear.gather [hbm4b:s2+s23], $0x1900, $0x38;
	[tilespmem:$0x1EAA0] =	vst v63  }
0x1f2: {  	s24 =	simm.s32 $0x0  }
0x1f3: {  	[tilespmem:s16], [sflag:$0x1] =	stream.linear.gather [hbm4b:s3+s23], $0x1900, $0x38;
	[tilespmem:$0x1EAA0] =	vst v63  }
.LBB2_28:
0x1f4: {  	s25 =	smul.u32 $0x3200, s24;
	_ =	sdelay $0x1  }
0x1f5: {  	s0 =	sshrl.u32 s25, $0x3  }
0x1f6: {  	s0 =	sadd.s32 $0x320, s0  }
0x1f7: {  	s26 =	sadd.s32 s2, s0  }
0x1f8: {  	[tilespmem:s17], [sflag:$0x2] =	stream.linear.gather [hbm4b:s26+s23], $0x1900, $0x38;
	[tilespmem:$0x1EAA0] =	vst v63  }
0x1f9: {  	s0 =	sadd.s32 s3, s0  }
0x1fa: {  	[tilespmem:s18], [sflag:$0x2] =	stream.linear.gather [hbm4b:s0+s23], $0x1900, $0x38;
	[tilespmem:$0x1EAA0] =	vst v63  }
0x1fb: {  	_ =	swait.ge [sflag:s19], $0x1900  }
0x1fc: {  	[sflag:s19] =	ssyncset.done $0x0  }
0x1fd: {  	[sflag:s19] =	ssyncadd.s32 $0xFFFFE700  }
0x1fe: {  	_ =	swait.ge [sflag:s19], $0x1900  }
0x1ff: {  	[sflag:s19] =	ssyncset.done $0x0  }
0x200: {  	s0 =	simm.s32 $0x0;
	[sflag:s19] =	ssyncadd.s32 $0xFFFFE700  }
0x201: {  	v1 =	vld [tilespmem:s0+$0x186A0];
	_ =	sdelay $0x4  }
0x202: {  	s26 =	simm.s32 $0x20;
	v2 =	vand.u32 $0xFFFF, v1  }
0x203: {  	v3 =	vld [tilespmem:s26+$0x186A0];
	_ =	sdelay $0x2  }
0x204: {  	v4 =	vld [tilespmem:s0+$0x1B8A0]  }
0x205: {  	v2 =	vld.idx.msk [tilespmem:v2+s4+$0x0], $0xffff  }
0x206: {  	v5 =	vand.u32 $0xFFFF, v3  }
0x207: {  	v1 =	vshrl.u32 v1, $0x10  }
0x208: {  	s28 =	simm.s32 $0x40  }
0x209: {  	v6 =	vld [tilespmem:s28+$0x186A0]  }
0x20a: {  	v7 =	vld [tilespmem:s26+$0x1B8A0];
	v2 =	vmul.f32 v2, v4  }
0x20b: {  	v4 =	vld.idx.msk [tilespmem:v5+s4+$0x0], $0xffff  }
0x20c: {  	[tilespmem:v1+s20+$0x0] =	vst.idx.add.f32.msk $0xffff, v2  }
0x20d: {  	v1 =	vld [tilespmem:s0+$0x186B0]  }
0x20e: {  	v2 =	vand.u32 $0xFFFF, v6  }
0x20f: {  	v3 =	vshrl.u32 v3, $0x10  }
0x210: {  	s29 =	simm.s32 $0x60  }
0x211: {  	v5 =	vld [tilespmem:s29+$0x186A0]  }
0x212: {  	v8 =	vld [tilespmem:s28+$0x1B8A0];
	v4 =	vmul.f32 v4, v7;
	v9 =	vand.u32 $0xFFFF, v1  }
0x213: {  	v11 =	vld.idx.msk [tilespmem:v2+s4+$0x0], $0xffff  }
0x214: {  	[tilespmem:v3+s20+$0x0] =	vst.idx.add.f32.msk $0xffff, v4  }
0x215: {  	s30 =	simm.s32 $0x80;
	v3 =	vld [tilespmem:s26+$0x186B0]  }
0x216: {  	v7 =	vld [tilespmem:s30+$0x186A0];
	v10 =	vand.u32 $0xFFFF, v5  }
0x217: {  	v2 =	vld.idx.msk [tilespmem:v9+s4+$0x0], $0xffff;
	v9 =	vshrl.u32 v6, $0x10;
	_ =	sdelay $0x1  }
0x218: {  	v4 =	vld [tilespmem:s0+$0x1B8B0]  }
0x219: {  	s31 =	simm.s32 $0x280;
	v11 =	vmul.f32 v11, v8;
	v6 =	vld [tilespmem:s29+$0x1B8A0];
	v8 =	vand.u32 $0xFFFF, v3  }
.LBB2_29:
0x21a: {  	p0 =	sne.s32 s31, $0x6380;
	v12 =	vld.idx.msk [tilespmem:v10+s4+$0x0], $0xffff;
	v13 =	vshrl.u32 v1, $0x10;
	v1 =	vmov v3;
	v14 =	vmov v7  }
0x21b: {  	[tilespmem:v9+s20+$0x0] =	vst.idx.add.f32.msk $0xffff, v11  }
0x21c: {  	s0 =	sshra.s32 s31, $0x2;
	v3 =	vld [tilespmem:s28+$0x186B0]  }
.Ltmp13:
0x21d: {  	v10 =	vand.u32 $0xFFFF, v14;
	v7 =	vld [tilespmem:s0+$0x186A0];
	v4 =	vmul.f32 v2, v4;
	(pc) =	sbr.rel @p0 .LBB2_29-.Ltmp13, $4  }
0x21e: {  	v9 =	vshrl.u32 v5, $0x10;
	v5 =	vmov v14;
	v2 =	vld.idx.msk [tilespmem:v8+s4+$0x0], $0xffff  }
0x21f: {  	[tilespmem:v13+s20+$0x0] =	vst.idx.add.f32.msk $0xffff, v4  }
0x220: {  	v4 =	vld [tilespmem:s26+$0x1B8B0];
	s26 =	smov.u32 s28;
	s28 =	smov.u32 s29;
	s29 =	smov.u32 s30  }
0x221: {  	s31 =	sadd.s32 $0x80, s31;
	v11 =	vmul.f32 v12, v6;
	s30 =	smov.u32 s0;
	v6 =	vld [tilespmem:s29+$0x1B8A0];
	v8 =	vand.u32 $0xFFFF, v3  }
0x222: {  	_ = 	snop  }
0x223: {  	v12 =	vand.u32 $0xFFFF, v7;
	_ =	sdelay $0x2  }
0x224: {  	v10 =	vld.idx.msk [tilespmem:v10+s4+$0x0], $0xffff  }
0x225: {  	v13 =	vld [tilespmem:s30+$0x1B8A0]  }
0x226: {  	v5 =	vshrl.u32 v5, $0x10;
	v12 =	vld.idx.msk [tilespmem:v12+s4+$0x0], $0xffff;
	_ =	sdelay $0x1  }
0x227: {  	v7 =	vshrl.u32 v7, $0x10  }
0x228: {  	[tilespmem:v9+s20+$0x0] =	vst.idx.add.f32.msk $0xffff, v11;
	v6 =	vmul.f32 v10, v6  }
0x229: {  	v9 =	vld [tilespmem:s28+$0x186B0]  }
0x22a: {  	[tilespmem:v5+s20+$0x0] =	vst.idx.add.f32.msk $0xffff, v6;
	v5 =	vmul.f32 v12, v13  }
0x22b: {  	v6 =	vld [tilespmem:s29+$0x186B0]  }
0x22c: {  	[tilespmem:v7+s20+$0x0] =	vst.idx.add.f32.msk $0xffff, v5  }
0x22d: {  	v5 =	vld [tilespmem:s30+$0x186B0];
	_ =	sdelay $0x2  }
0x22e: {  	v8 =	vld.idx.msk [tilespmem:v8+s4+$0x0], $0xffff;
	v7 =	vand.u32 $0xFFFF, v9  }
0x22f: {  	v11 =	vld [tilespmem:s26+$0x1B8B0];
	v10 =	vand.u32 $0xFFFF, v6  }
0x230: {  	v63 =	vld [tilespmem:s28+$0x1B8B0];
	v62 =	vand.u32 $0xFFFF, v5  }
0x231: {  	v14 =	vld [tilespmem:s29+$0x1B8B0]  }
0x232: {  	v15 =	vld [tilespmem:s30+$0x1B8B0]  }
0x233: {  	v1 =	vshrl.u32 v1, $0x10;
	v7 =	vld.idx.msk [tilespmem:v7+s4+$0x0], $0xffff  }
0x234: {  	v3 =	vshrl.u32 v3, $0x10;
	v10 =	vld.idx.msk [tilespmem:v10+s4+$0x0], $0xffff  }
0x235: {  	v9 =	vshrl.u32 v9, $0x10;
	v12 =	vld.idx.msk [tilespmem:v62+s4+$0x0], $0xffff  }
0x236: {  	v2 =	vmul.f32 v2, v4;
	v4 =	vshrl.u32 v6, $0x10  }
0x237: {  	v6 =	vmul.f32 v8, v11;
	v5 =	vshrl.u32 v5, $0x10  }
0x238: {  	[tilespmem:v1+s20+$0x0] =	vst.idx.add.f32.msk $0xffff, v2;
	v1 =	vmul.f32 v7, v63  }
0x239: {  	p0 =	seq.s32 s24, $0x3F;
	[tilespmem:v3+s20+$0x0] =	vst.idx.add.f32.msk $0xffff, v6;
	v2 =	vmul.f32 v10, v14  }
0x23a: {  	s0 =	sshrl.u32 @!p0 s25, $0x3;
	[tilespmem:v9+s20+$0x0] =	vst.idx.add.f32.msk $0xffff, v1;
	v1 =	vmul.f32 v12, v15  }
0x23b: {  	s0 =	sadd.s32 @!p0 $0x640, s0;
	[tilespmem:v4+s20+$0x0] =	vst.idx.add.f32.msk $0xffff, v2  }
0x23c: {  	s26 =	simm.s32 @!p0 $0x0;
	s28 =	simm.s32 @!p0 $0x186A0;
	s25 =	sadd.s32 @!p0 s2, s0;
	[tilespmem:v5+s20+$0x0] =	vst.idx.add.f32.msk $0xffff, v1  }
0x23d: {  	[tilespmem:s28], [sflag:$0x1] =	stream.linear.gather @!p0 [hbm4b:s25+s26], $0x1900, $0x38;
	[tilespmem:$0x1EAA0] =	vst v63  }
0x23e: {  	s0 =	sadd.s32 @!p0 s3, s0;
	s25 =	simm.s32 @!p0 $0x1B8A0  }
0x23f: {  	[tilespmem:s25], [sflag:$0x1] =	stream.linear.gather @!p0 [hbm4b:s0+s26], $0x1900, $0x38;
	[tilespmem:$0x1EAA0] =	vst v63  }
0x240: {  	_ =	swait.ge [sflag:s21], $0x1900  }
0x241: {  	[sflag:s21] =	ssyncset.done $0x0  }
0x242: {  	[sflag:s21] =	ssyncadd.s32 $0xFFFFE700  }
0x243: {  	_ =	swait.ge [sflag:s21], $0x1900  }
0x244: {  	[sflag:s21] =	ssyncset.done $0x0  }
0x245: {  	s31 =	simm.s32 $0x0;
	[sflag:s21] =	ssyncadd.s32 $0xFFFFE700  }
0x246: {  	v1 =	vld [tilespmem:s31+$0x19FA0];
	_ =	sdelay $0x4  }
0x247: {  	s25 =	simm.s32 $0x20;
	v2 =	vand.u32 $0xFFFF, v1  }
0x248: {  	v3 =	vld [tilespmem:s25+$0x19FA0];
	_ =	sdelay $0x2  }
0x249: {  	v4 =	vld [tilespmem:s31+$0x1D1A0]  }
0x24a: {  	v2 =	vld.idx.msk [tilespmem:v2+s4+$0x0], $0xffff  }
0x24b: {  	v5 =	vand.u32 $0xFFFF, v3  }
0x24c: {  	v1 =	vshrl.u32 v1, $0x10  }
0x24d: {  	s26 =	simm.s32 $0x40  }
0x24e: {  	v6 =	vld [tilespmem:s26+$0x19FA0]  }
0x24f: {  	v7 =	vld [tilespmem:s25+$0x1D1A0];
	v2 =	vmul.f32 v2, v4  }
0x250: {  	v4 =	vld.idx.msk [tilespmem:v5+s4+$0x0], $0xffff  }
0x251: {  	[tilespmem:v1+s20+$0x0] =	vst.idx.add.f32.msk $0xffff, v2  }
0x252: {  	v1 =	vld [tilespmem:s31+$0x19FB0]  }
0x253: {  	v2 =	vand.u32 $0xFFFF, v6  }
0x254: {  	v3 =	vshrl.u32 v3, $0x10  }
0x255: {  	s28 =	simm.s32 $0x60  }
0x256: {  	v5 =	vld [tilespmem:s28+$0x19FA0]  }
0x257: {  	v8 =	vld [tilespmem:s26+$0x1D1A0];
	v4 =	vmul.f32 v4, v7;
	v9 =	vand.u32 $0xFFFF, v1  }
0x258: {  	v11 =	vld.idx.msk [tilespmem:v2+s4+$0x0], $0xffff  }
0x259: {  	[tilespmem:v3+s20+$0x0] =	vst.idx.add.f32.msk $0xffff, v4  }
0x25a: {  	s29 =	simm.s32 $0x80;
	v3 =	vld [tilespmem:s25+$0x19FB0]  }
0x25b: {  	v7 =	vld [tilespmem:s29+$0x19FA0];
	v10 =	vand.u32 $0xFFFF, v5  }
0x25c: {  	v2 =	vld.idx.msk [tilespmem:v9+s4+$0x0], $0xffff;
	v9 =	vshrl.u32 v6, $0x10;
	_ =	sdelay $0x1  }
0x25d: {  	v4 =	vld [tilespmem:s31+$0x1D1B0]  }
0x25e: {  	s30 =	simm.s32 $0x280;
	v11 =	vmul.f32 v11, v8;
	v6 =	vld [tilespmem:s28+$0x1D1A0];
	v8 =	vand.u32 $0xFFFF, v3  }
.LBB2_31:
0x25f: {  	p0 =	sne.s32 s30, $0x6380;
	v12 =	vld.idx.msk [tilespmem:v10+s4+$0x0], $0xffff;
	v13 =	vshrl.u32 v1, $0x10;
	v1 =	vmov v3;
	v14 =	vmov v7  }
0x260: {  	[tilespmem:v9+s20+$0x0] =	vst.idx.add.f32.msk $0xffff, v11  }
0x261: {  	s0 =	sshra.s32 s30, $0x2;
	v3 =	vld [tilespmem:s26+$0x19FB0]  }
.Ltmp14:
0x262: {  	v10 =	vand.u32 $0xFFFF, v14;
	v7 =	vld [tilespmem:s0+$0x19FA0];
	v4 =	vmul.f32 v2, v4;
	(pc) =	sbr.rel @p0 .LBB2_31-.Ltmp14, $4  }
0x263: {  	v9 =	vshrl.u32 v5, $0x10;
	v5 =	vmov v14;
	v2 =	vld.idx.msk [tilespmem:v8+s4+$0x0], $0xffff  }
0x264: {  	[tilespmem:v13+s20+$0x0] =	vst.idx.add.f32.msk $0xffff, v4  }
0x265: {  	v4 =	vld [tilespmem:s25+$0x1D1B0];
	s25 =	smov.u32 s26;
	s26 =	smov.u32 s28;
	s28 =	smov.u32 s29  }
0x266: {  	s30 =	sadd.s32 $0x80, s30;
	v11 =	vmul.f32 v12, v6;
	s29 =	smov.u32 s0;
	v6 =	vld [tilespmem:s28+$0x1D1A0];
	v8 =	vand.u32 $0xFFFF, v3  }
0x267: {  	_ = 	snop  }
0x268: {  	v12 =	vand.u32 $0xFFFF, v7;
	_ =	sdelay $0x2  }
0x269: {  	v10 =	vld.idx.msk [tilespmem:v10+s4+$0x0], $0xffff  }
0x26a: {  	v13 =	vld [tilespmem:s29+$0x1D1A0]  }
0x26b: {  	v5 =	vshrl.u32 v5, $0x10;
	v12 =	vld.idx.msk [tilespmem:v12+s4+$0x0], $0xffff;
	_ =	sdelay $0x1  }
0x26c: {  	v55 =	vshrl.u32 v7, $0x10  }
0x26d: {  	[tilespmem:v9+s20+$0x0] =	vst.idx.add.f32.msk $0xffff, v11;
	v6 =	vmul.f32 v10, v6  }
0x26e: {  	v9 =	vld [tilespmem:s26+$0x19FB0]  }
0x26f: {  	[tilespmem:v5+s20+$0x0] =	vst.idx.add.f32.msk $0xffff, v6;
	v56 =	vmul.f32 v12, v13  }
0x270: {  	v6 =	vld [tilespmem:s28+$0x19FB0]  }
0x271: {  	[tilespmem:v55+s20+$0x0] =	vst.idx.add.f32.msk $0xffff, v56  }
0x272: {  	v5 =	vld [tilespmem:s29+$0x19FB0];
	_ =	sdelay $0x1  }
0x273: {  	v57 =	vand.u32 $0xFFFF, v9  }
0x274: {  	v8 =	vld.idx.msk [tilespmem:v8+s4+$0x0], $0xffff  }
0x275: {  	v59 =	vld [tilespmem:s25+$0x1D1B0];
	v58 =	vand.u32 $0xFFFF, v6  }
0x276: {  	v61 =	vld [tilespmem:s26+$0x1D1B0];
	v60 =	vand.u32 $0xFFFF, v5  }
0x277: {  	v14 =	vld [tilespmem:s28+$0x1D1B0]  }
0x278: {  	v7 =	vld.idx.msk [tilespmem:v57+s4+$0x0], $0xffff  }
0x279: {  	v1 =	vshrl.u32 v1, $0x10;
	v15 =	vld [tilespmem:s29+$0x1D1B0]  }
0x27a: {  	v3 =	vshrl.u32 v3, $0x10;
	v10 =	vld.idx.msk [tilespmem:v58+s4+$0x0], $0xffff  }
0x27b: {  	v9 =	vshrl.u32 v9, $0x10;
	v12 =	vld.idx.msk [tilespmem:v60+s4+$0x0], $0xffff  }
0x27c: {  	s24 =	sadd.s32 $0x1, s24;
	v2 =	vmul.f32 v2, v4;
	v62 =	vshrl.u32 v6, $0x10  }
0x27d: {  	p0 =	sne.s32 s24, $0x40;
	v63 =	vmul.f32 v8, v59;
	v5 =	vshrl.u32 v5, $0x10  }
.Ltmp15:
0x27e: {  	[tilespmem:v1+s20+$0x0] =	vst.idx.add.f32.msk $0xffff, v2;
	v1 =	vmul.f32 v7, v61;
	(pc) =	sbr.rel @p0 .LBB2_28-.Ltmp15, $4  }
0x27f: {  	[tilespmem:v3+s20+$0x0] =	vst.idx.add.f32.msk $0xffff, v63;
	v2 =	vmul.f32 v10, v14  }
0x280: {  	[tilespmem:v9+s20+$0x0] =	vst.idx.add.f32.msk $0xffff, v1;
	v1 =	vmul.f32 v12, v15  }
0x281: {  	[tilespmem:v62+s20+$0x0] =	vst.idx.add.f32.msk $0xffff, v2  }
0x282: {  	[tilespmem:v5+s20+$0x0] =	vst.idx.add.f32.msk $0xffff, v1  }
0x283: {  	s0 =	simm.s32 $0x0  }
0x284: {  	[hbm4b:s10+s0] =	stream.linear.scatter [tilespmem:s20], [sflag:$0x3], $0xC350, $0x38;
	[tilespmem:$0x1EAA0] =	vst v63  }
0x285: {  	_ =	swait.ge [sflag:s14], $0xC350  }
0x286: {  	[sflag:s14] =	ssyncset.done $0x0  }
0x287: {  	s23 =	simm.s32 $0x40;
	s24 =	simm.s32 $0x0;
	[sflag:s14] =	ssyncadd.s32 $0xFFFF3CB0  }
.LBB2_34:
0x288: {  	p0 =	sne.s32 s23, $0x30D00;
	[tilespmem:s24+$0x0] =	vst v0;
	s0 =	smov.u32 s23;
	s23 =	sadd.s32 $0x40, s23  }
.Ltmp16:
0x289: {  	(pc) =	sbr.rel @p0 .LBB2_34-.Ltmp16, $2  }
0x28a: {  	_ =	sdelay $0x2  }
0x28b: {  	s24 =	sshra.s32 s0, $0x2  }
0x28c: {  	[tilespmem:s24+$0x0] =	vst v0;
	s23 =	simm.s32 $0x0  }
0x28d: {  	[tilespmem:s15], [sflag:$0x1] =	stream.linear.gather [hbm4b:s2+s23], $0x1900, $0x38;
	[tilespmem:$0x1EAA0] =	vst v63  }
0x28e: {  	s24 =	simm.s32 $0x0  }
0x28f: {  	[tilespmem:s16], [sflag:$0x1] =	stream.linear.gather [hbm4b:s3+s23], $0x1900, $0x38;
	[tilespmem:$0x1EAA0] =	vst v63  }
.LBB2_36:
0x290: {  	s25 =	smul.u32 $0x3200, s24;
	_ =	sdelay $0x1  }
0x291: {  	s0 =	sshrl.u32 s25, $0x3  }
0x292: {  	s0 =	sadd.s32 $0x320, s0  }
0x293: {  	s26 =	sadd.s32 s2, s0  }
0x294: {  	[tilespmem:s17], [sflag:$0x2] =	stream.linear.gather [hbm4b:s26+s23], $0x1900, $0x38;
	[tilespmem:$0x1EAA0] =	vst v63  }
0x295: {  	s0 =	sadd.s32 s3, s0  }
0x296: {  	[tilespmem:s18], [sflag:$0x2] =	stream.linear.gather [hbm4b:s0+s23], $0x1900, $0x38;
	[tilespmem:$0x1EAA0] =	vst v63  }
0x297: {  	_ =	swait.ge [sflag:s19], $0x1900  }
0x298: {  	[sflag:s19] =	ssyncset.done $0x0  }
0x299: {  	[sflag:s19] =	ssyncadd.s32 $0xFFFFE700  }
0x29a: {  	_ =	swait.ge [sflag:s19], $0x1900  }
0x29b: {  	[sflag:s19] =	ssyncset.done $0x0  }
0x29c: {  	s0 =	simm.s32 $0x0;
	[sflag:s19] =	ssyncadd.s32 $0xFFFFE700  }
0x29d: {  	v1 =	vld [tilespmem:s0+$0x186A0];
	_ =	sdelay $0x4  }
0x29e: {  	s26 =	simm.s32 $0x20;
	v2 =	vand.u32 $0xFFFF, v1  }
0x29f: {  	v3 =	vld [tilespmem:s26+$0x186A0];
	_ =	sdelay $0x2  }
0x2a0: {  	v4 =	vld [tilespmem:s0+$0x1B8A0]  }
0x2a1: {  	v2 =	vld.idx.msk [tilespmem:v2+s20+$0x0], $0xffff  }
0x2a2: {  	v5 =	vand.u32 $0xFFFF, v3  }
0x2a3: {  	v1 =	vshrl.u32 v1, $0x10  }
0x2a4: {  	s28 =	simm.s32 $0x40  }
0x2a5: {  	v6 =	vld [tilespmem:s28+$0x186A0]  }
0x2a6: {  	v7 =	vld [tilespmem:s26+$0x1B8A0];
	v2 =	vmul.f32 v2, v4  }
0x2a7: {  	v4 =	vld.idx.msk [tilespmem:v5+s20+$0x0], $0xffff  }
0x2a8: {  	[tilespmem:v1+s4+$0x0] =	vst.idx.add.f32.msk $0xffff, v2  }
0x2a9: {  	v1 =	vld [tilespmem:s0+$0x186B0]  }
0x2aa: {  	v2 =	vand.u32 $0xFFFF, v6  }
0x2ab: {  	v3 =	vshrl.u32 v3, $0x10  }
0x2ac: {  	s29 =	simm.s32 $0x60  }
0x2ad: {  	v5 =	vld [tilespmem:s29+$0x186A0]  }
0x2ae: {  	v8 =	vld [tilespmem:s28+$0x1B8A0];
	v4 =	vmul.f32 v4, v7;
	v9 =	vand.u32 $0xFFFF, v1  }
0x2af: {  	v11 =	vld.idx.msk [tilespmem:v2+s20+$0x0], $0xffff  }
0x2b0: {  	[tilespmem:v3+s4+$0x0] =	vst.idx.add.f32.msk $0xffff, v4  }
0x2b1: {  	s30 =	simm.s32 $0x80;
	v3 =	vld [tilespmem:s26+$0x186B0]  }
0x2b2: {  	v7 =	vld [tilespmem:s30+$0x186A0];
	v10 =	vand.u32 $0xFFFF, v5  }
0x2b3: {  	v2 =	vld.idx.msk [tilespmem:v9+s20+$0x0], $0xffff;
	v9 =	vshrl.u32 v6, $0x10;
	_ =	sdelay $0x1  }
0x2b4: {  	v4 =	vld [tilespmem:s0+$0x1B8B0]  }
0x2b5: {  	s31 =	simm.s32 $0x280;
	v11 =	vmul.f32 v11, v8;
	v6 =	vld [tilespmem:s29+$0x1B8A0];
	v8 =	vand.u32 $0xFFFF, v3  }
.LBB2_37:
0x2b6: {  	p0 =	sne.s32 s31, $0x6380;
	v12 =	vld.idx.msk [tilespmem:v10+s20+$0x0], $0xffff;
	v13 =	vshrl.u32 v1, $0x10;
	v1 =	vmov v3;
	v14 =	vmov v7  }
0x2b7: {  	[tilespmem:v9+s4+$0x0] =	vst.idx.add.f32.msk $0xffff, v11  }
0x2b8: {  	s0 =	sshra.s32 s31, $0x2;
	v3 =	vld [tilespmem:s28+$0x186B0]  }
.Ltmp17:
0x2b9: {  	v10 =	vand.u32 $0xFFFF, v14;
	v7 =	vld [tilespmem:s0+$0x186A0];
	v4 =	vmul.f32 v2, v4;
	(pc) =	sbr.rel @p0 .LBB2_37-.Ltmp17, $4  }
0x2ba: {  	v9 =	vshrl.u32 v5, $0x10;
	v5 =	vmov v14;
	v2 =	vld.idx.msk [tilespmem:v8+s20+$0x0], $0xffff  }
0x2bb: {  	[tilespmem:v13+s4+$0x0] =	vst.idx.add.f32.msk $0xffff, v4  }
0x2bc: {  	v4 =	vld [tilespmem:s26+$0x1B8B0];
	s26 =	smov.u32 s28;
	s28 =	smov.u32 s29;
	s29 =	smov.u32 s30  }
0x2bd: {  	s31 =	sadd.s32 $0x80, s31;
	v11 =	vmul.f32 v12, v6;
	s30 =	smov.u32 s0;
	v6 =	vld [tilespmem:s29+$0x1B8A0];
	v8 =	vand.u32 $0xFFFF, v3  }
0x2be: {  	_ = 	snop  }
0x2bf: {  	v12 =	vand.u32 $0xFFFF, v7;
	_ =	sdelay $0x2  }
0x2c0: {  	v10 =	vld.idx.msk [tilespmem:v10+s20+$0x0], $0xffff  }
0x2c1: {  	v13 =	vld [tilespmem:s30+$0x1B8A0]  }
0x2c2: {  	v5 =	vshrl.u32 v5, $0x10;
	v12 =	vld.idx.msk [tilespmem:v12+s20+$0x0], $0xffff;
	_ =	sdelay $0x1  }
0x2c3: {  	v7 =	vshrl.u32 v7, $0x10  }
0x2c4: {  	[tilespmem:v9+s4+$0x0] =	vst.idx.add.f32.msk $0xffff, v11;
	v6 =	vmul.f32 v10, v6  }
0x2c5: {  	v9 =	vld [tilespmem:s28+$0x186B0]  }
0x2c6: {  	[tilespmem:v5+s4+$0x0] =	vst.idx.add.f32.msk $0xffff, v6;
	v5 =	vmul.f32 v12, v13  }
0x2c7: {  	v6 =	vld [tilespmem:s29+$0x186B0]  }
0x2c8: {  	[tilespmem:v7+s4+$0x0] =	vst.idx.add.f32.msk $0xffff, v5  }
0x2c9: {  	v5 =	vld [tilespmem:s30+$0x186B0];
	_ =	sdelay $0x2  }
0x2ca: {  	v8 =	vld.idx.msk [tilespmem:v8+s20+$0x0], $0xffff;
	v7 =	vand.u32 $0xFFFF, v9  }
0x2cb: {  	v11 =	vld [tilespmem:s26+$0x1B8B0];
	v10 =	vand.u32 $0xFFFF, v6  }
0x2cc: {  	v63 =	vld [tilespmem:s28+$0x1B8B0];
	v62 =	vand.u32 $0xFFFF, v5  }
0x2cd: {  	v14 =	vld [tilespmem:s29+$0x1B8B0]  }
0x2ce: {  	v15 =	vld [tilespmem:s30+$0x1B8B0]  }
0x2cf: {  	v1 =	vshrl.u32 v1, $0x10;
	v7 =	vld.idx.msk [tilespmem:v7+s20+$0x0], $0xffff  }
0x2d0: {  	v3 =	vshrl.u32 v3, $0x10;
	v10 =	vld.idx.msk [tilespmem:v10+s20+$0x0], $0xffff  }
0x2d1: {  	v9 =	vshrl.u32 v9, $0x10;
	v12 =	vld.idx.msk [tilespmem:v62+s20+$0x0], $0xffff  }
0x2d2: {  	v2 =	vmul.f32 v2, v4;
	v4 =	vshrl.u32 v6, $0x10  }
0x2d3: {  	v6 =	vmul.f32 v8, v11;
	v5 =	vshrl.u32 v5, $0x10  }
0x2d4: {  	[tilespmem:v1+s4+$0x0] =	vst.idx.add.f32.msk $0xffff, v2;
	v1 =	vmul.f32 v7, v63  }
0x2d5: {  	p0 =	seq.s32 s24, $0x3F;
	[tilespmem:v3+s4+$0x0] =	vst.idx.add.f32.msk $0xffff, v6;
	v2 =	vmul.f32 v10, v14  }
0x2d6: {  	s0 =	sshrl.u32 @!p0 s25, $0x3;
	[tilespmem:v9+s4+$0x0] =	vst.idx.add.f32.msk $0xffff, v1;
	v1 =	vmul.f32 v12, v15  }
0x2d7: {  	s0 =	sadd.s32 @!p0 $0x640, s0;
	[tilespmem:v4+s4+$0x0] =	vst.idx.add.f32.msk $0xffff, v2  }
0x2d8: {  	s26 =	simm.s32 @!p0 $0x0;
	s28 =	simm.s32 @!p0 $0x186A0;
	s25 =	sadd.s32 @!p0 s2, s0;
	[tilespmem:v5+s4+$0x0] =	vst.idx.add.f32.msk $0xffff, v1  }
0x2d9: {  	[tilespmem:s28], [sflag:$0x1] =	stream.linear.gather @!p0 [hbm4b:s25+s26], $0x1900, $0x38;
	[tilespmem:$0x1EAA0] =	vst v63  }
0x2da: {  	s0 =	sadd.s32 @!p0 s3, s0;
	s25 =	simm.s32 @!p0 $0x1B8A0  }
0x2db: {  	[tilespmem:s25], [sflag:$0x1] =	stream.linear.gather @!p0 [hbm4b:s0+s26], $0x1900, $0x38;
	[tilespmem:$0x1EAA0] =	vst v63  }
0x2dc: {  	_ =	swait.ge [sflag:s21], $0x1900  }
0x2dd: {  	[sflag:s21] =	ssyncset.done $0x0  }
0x2de: {  	[sflag:s21] =	ssyncadd.s32 $0xFFFFE700  }
0x2df: {  	_ =	swait.ge [sflag:s21], $0x1900  }
0x2e0: {  	[sflag:s21] =	ssyncset.done $0x0  }
0x2e1: {  	s31 =	simm.s32 $0x0;
	[sflag:s21] =	ssyncadd.s32 $0xFFFFE700  }
0x2e2: {  	v1 =	vld [tilespmem:s31+$0x19FA0];
	_ =	sdelay $0x4  }
0x2e3: {  	s25 =	simm.s32 $0x20;
	v2 =	vand.u32 $0xFFFF, v1  }
0x2e4: {  	v3 =	vld [tilespmem:s25+$0x19FA0];
	_ =	sdelay $0x2  }
0x2e5: {  	v4 =	vld [tilespmem:s31+$0x1D1A0]  }
0x2e6: {  	v2 =	vld.idx.msk [tilespmem:v2+s20+$0x0], $0xffff  }
0x2e7: {  	v5 =	vand.u32 $0xFFFF, v3  }
0x2e8: {  	v1 =	vshrl.u32 v1, $0x10  }
0x2e9: {  	s26 =	simm.s32 $0x40  }
0x2ea: {  	v6 =	vld [tilespmem:s26+$0x19FA0]  }
0x2eb: {  	v7 =	vld [tilespmem:s25+$0x1D1A0];
	v2 =	vmul.f32 v2, v4  }
0x2ec: {  	v4 =	vld.idx.msk [tilespmem:v5+s20+$0x0], $0xffff  }
0x2ed: {  	[tilespmem:v1+s4+$0x0] =	vst.idx.add.f32.msk $0xffff, v2  }
0x2ee: {  	v1 =	vld [tilespmem:s31+$0x19FB0]  }
0x2ef: {  	v2 =	vand.u32 $0xFFFF, v6  }
0x2f0: {  	v3 =	vshrl.u32 v3, $0x10  }
0x2f1: {  	s28 =	simm.s32 $0x60  }
0x2f2: {  	v5 =	vld [tilespmem:s28+$0x19FA0]  }
0x2f3: {  	v8 =	vld [tilespmem:s26+$0x1D1A0];
	v4 =	vmul.f32 v4, v7;
	v9 =	vand.u32 $0xFFFF, v1  }
0x2f4: {  	v11 =	vld.idx.msk [tilespmem:v2+s20+$0x0], $0xffff  }
0x2f5: {  	[tilespmem:v3+s4+$0x0] =	vst.idx.add.f32.msk $0xffff, v4  }
0x2f6: {  	s29 =	simm.s32 $0x80;
	v3 =	vld [tilespmem:s25+$0x19FB0]  }
0x2f7: {  	v7 =	vld [tilespmem:s29+$0x19FA0];
	v10 =	vand.u32 $0xFFFF, v5  }
0x2f8: {  	v2 =	vld.idx.msk [tilespmem:v9+s20+$0x0], $0xffff;
	v9 =	vshrl.u32 v6, $0x10;
	_ =	sdelay $0x1  }
0x2f9: {  	v4 =	vld [tilespmem:s31+$0x1D1B0]  }
0x2fa: {  	s30 =	simm.s32 $0x280;
	v11 =	vmul.f32 v11, v8;
	v6 =	vld [tilespmem:s28+$0x1D1A0];
	v8 =	vand.u32 $0xFFFF, v3  }
.LBB2_39:
0x2fb: {  	p0 =	sne.s32 s30, $0x6380;
	v12 =	vld.idx.msk [tilespmem:v10+s20+$0x0], $0xffff;
	v13 =	vshrl.u32 v1, $0x10;
	v1 =	vmov v3;
	v14 =	vmov v7  }
0x2fc: {  	[tilespmem:v9+s4+$0x0] =	vst.idx.add.f32.msk $0xffff, v11  }
0x2fd: {  	s0 =	sshra.s32 s30, $0x2;
	v3 =	vld [tilespmem:s26+$0x19FB0]  }
.Ltmp18:
0x2fe: {  	v10 =	vand.u32 $0xFFFF, v14;
	v7 =	vld [tilespmem:s0+$0x19FA0];
	v4 =	vmul.f32 v2, v4;
	(pc) =	sbr.rel @p0 .LBB2_39-.Ltmp18, $4  }
0x2ff: {  	v9 =	vshrl.u32 v5, $0x10;
	v5 =	vmov v14;
	v2 =	vld.idx.msk [tilespmem:v8+s20+$0x0], $0xffff  }
0x300: {  	[tilespmem:v13+s4+$0x0] =	vst.idx.add.f32.msk $0xffff, v4  }
0x301: {  	v4 =	vld [tilespmem:s25+$0x1D1B0];
	s25 =	smov.u32 s26;
	s26 =	smov.u32 s28;
	s28 =	smov.u32 s29  }
0x302: {  	s30 =	sadd.s32 $0x80, s30;
	v11 =	vmul.f32 v12, v6;
	s29 =	smov.u32 s0;
	v6 =	vld [tilespmem:s28+$0x1D1A0];
	v8 =	vand.u32 $0xFFFF, v3  }
0x303: {  	_ = 	snop  }
0x304: {  	v12 =	vand.u32 $0xFFFF, v7;
	_ =	sdelay $0x2  }
0x305: {  	v10 =	vld.idx.msk [tilespmem:v10+s20+$0x0], $0xffff  }
0x306: {  	v13 =	vld [tilespmem:s29+$0x1D1A0]  }
0x307: {  	v5 =	vshrl.u32 v5, $0x10;
	v12 =	vld.idx.msk [tilespmem:v12+s20+$0x0], $0xffff;
	_ =	sdelay $0x1  }
0x308: {  	v55 =	vshrl.u32 v7, $0x10  }
0x309: {  	[tilespmem:v9+s4+$0x0] =	vst.idx.add.f32.msk $0xffff, v11;
	v6 =	vmul.f32 v10, v6  }
0x30a: {  	v9 =	vld [tilespmem:s26+$0x19FB0]  }
0x30b: {  	[tilespmem:v5+s4+$0x0] =	vst.idx.add.f32.msk $0xffff, v6;
	v56 =	vmul.f32 v12, v13  }
0x30c: {  	v6 =	vld [tilespmem:s28+$0x19FB0]  }
0x30d: {  	[tilespmem:v55+s4+$0x0] =	vst.idx.add.f32.msk $0xffff, v56  }
0x30e: {  	v5 =	vld [tilespmem:s29+$0x19FB0];
	_ =	sdelay $0x1  }
0x30f: {  	v57 =	vand.u32 $0xFFFF, v9  }
0x310: {  	v8 =	vld.idx.msk [tilespmem:v8+s20+$0x0], $0xffff  }
0x311: {  	v59 =	vld [tilespmem:s25+$0x1D1B0];
	v58 =	vand.u32 $0xFFFF, v6  }
0x312: {  	v61 =	vld [tilespmem:s26+$0x1D1B0];
	v60 =	vand.u32 $0xFFFF, v5  }
0x313: {  	v14 =	vld [tilespmem:s28+$0x1D1B0]  }
0x314: {  	v7 =	vld.idx.msk [tilespmem:v57+s20+$0x0], $0xffff  }
0x315: {  	v1 =	vshrl.u32 v1, $0x10;
	v15 =	vld [tilespmem:s29+$0x1D1B0]  }
0x316: {  	v3 =	vshrl.u32 v3, $0x10;
	v10 =	vld.idx.msk [tilespmem:v58+s20+$0x0], $0xffff  }
0x317: {  	v9 =	vshrl.u32 v9, $0x10;
	v12 =	vld.idx.msk [tilespmem:v60+s20+$0x0], $0xffff  }
0x318: {  	s24 =	sadd.s32 $0x1, s24;
	v2 =	vmul.f32 v2, v4;
	v62 =	vshrl.u32 v6, $0x10  }
0x319: {  	p0 =	sne.s32 s24, $0x40;
	v63 =	vmul.f32 v8, v59;
	v5 =	vshrl.u32 v5, $0x10  }
.Ltmp19:
0x31a: {  	[tilespmem:v1+s4+$0x0] =	vst.idx.add.f32.msk $0xffff, v2;
	v1 =	vmul.f32 v7, v61;
	(pc) =	sbr.rel @p0 .LBB2_36-.Ltmp19, $4  }
0x31b: {  	[tilespmem:v3+s4+$0x0] =	vst.idx.add.f32.msk $0xffff, v63;
	v2 =	vmul.f32 v10, v14  }
0x31c: {  	[tilespmem:v9+s4+$0x0] =	vst.idx.add.f32.msk $0xffff, v1;
	v1 =	vmul.f32 v12, v15  }
0x31d: {  	[tilespmem:v62+s4+$0x0] =	vst.idx.add.f32.msk $0xffff, v2  }
0x31e: {  	[tilespmem:v5+s4+$0x0] =	vst.idx.add.f32.msk $0xffff, v1  }
0x31f: {  	s0 =	simm.s32 $0x0  }
0x320: {  	[hbm4b:s11+s0] =	stream.linear.scatter [tilespmem:s0], [sflag:$0x3], $0xC350, $0x38;
	[tilespmem:$0x1EAA0] =	vst v63  }
0x321: {  	_ =	swait.ge [sflag:s14], $0xC350  }
0x322: {  	[sflag:s14] =	ssyncset.done $0x0  }
0x323: {  	s23 =	simm.s32 $0x40;
	s24 =	simm.s32 $0x0;
	[sflag:s14] =	ssyncadd.s32 $0xFFFF3CB0  }
.LBB2_42:
0x324: {  	p0 =	sne.s32 s23, $0x30D00;
	[tilespmem:s24+$0xC350] =	vst v0;
	s0 =	smov.u32 s23;
	s23 =	sadd.s32 $0x40, s23  }
.Ltmp20:
0x325: {  	(pc) =	sbr.rel @p0 .LBB2_42-.Ltmp20, $2  }
0x326: {  	_ =	sdelay $0x2  }
0x327: {  	s24 =	sshra.s32 s0, $0x2  }
0x328: {  	[tilespmem:s24+$0xC350] =	vst v0;
	s23 =	simm.s32 $0x0  }
0x329: {  	[tilespmem:s15], [sflag:$0x1] =	stream.linear.gather [hbm4b:s2+s23], $0x1900, $0x38;
	[tilespmem:$0x1EAA0] =	vst v63  }
0x32a: {  	s24 =	simm.s32 $0x0  }
0x32b: {  	[tilespmem:s16], [sflag:$0x1] =	stream.linear.gather [hbm4b:s3+s23], $0x1900, $0x38;
	[tilespmem:$0x1EAA0] =	vst v63  }
.LBB2_44:
0x32c: {  	s25 =	smul.u32 $0x3200, s24;
	_ =	sdelay $0x1  }
0x32d: {  	s0 =	sshrl.u32 s25, $0x3  }
0x32e: {  	s0 =	sadd.s32 $0x320, s0  }
0x32f: {  	s26 =	sadd.s32 s2, s0  }
0x330: {  	[tilespmem:s17], [sflag:$0x2] =	stream.linear.gather [hbm4b:s26+s23], $0x1900, $0x38;
	[tilespmem:$0x1EAA0] =	vst v63  }
0x331: {  	s0 =	sadd.s32 s3, s0  }
0x332: {  	[tilespmem:s18], [sflag:$0x2] =	stream.linear.gather [hbm4b:s0+s23], $0x1900, $0x38;
	[tilespmem:$0x1EAA0] =	vst v63  }
0x333: {  	_ =	swait.ge [sflag:s19], $0x1900  }
0x334: {  	[sflag:s19] =	ssyncset.done $0x0  }
0x335: {  	[sflag:s19] =	ssyncadd.s32 $0xFFFFE700  }
0x336: {  	_ =	swait.ge [sflag:s19], $0x1900  }
0x337: {  	[sflag:s19] =	ssyncset.done $0x0  }
0x338: {  	s0 =	simm.s32 $0x0;
	[sflag:s19] =	ssyncadd.s32 $0xFFFFE700  }
0x339: {  	v1 =	vld [tilespmem:s0+$0x186A0];
	_ =	sdelay $0x4  }
0x33a: {  	s26 =	simm.s32 $0x20;
	v2 =	vand.u32 $0xFFFF, v1  }
0x33b: {  	v3 =	vld [tilespmem:s26+$0x186A0];
	_ =	sdelay $0x2  }
0x33c: {  	v4 =	vld [tilespmem:s0+$0x1B8A0]  }
0x33d: {  	v2 =	vld.idx.msk [tilespmem:v2+s4+$0x0], $0xffff  }
0x33e: {  	v5 =	vand.u32 $0xFFFF, v3  }
0x33f: {  	v1 =	vshrl.u32 v1, $0x10  }
0x340: {  	s28 =	simm.s32 $0x40  }
0x341: {  	v6 =	vld [tilespmem:s28+$0x186A0]  }
0x342: {  	v7 =	vld [tilespmem:s26+$0x1B8A0];
	v2 =	vmul.f32 v2, v4  }
0x343: {  	v4 =	vld.idx.msk [tilespmem:v5+s4+$0x0], $0xffff  }
0x344: {  	[tilespmem:v1+s20+$0x0] =	vst.idx.add.f32.msk $0xffff, v2  }
0x345: {  	v1 =	vld [tilespmem:s0+$0x186B0]  }
0x346: {  	v2 =	vand.u32 $0xFFFF, v6  }
0x347: {  	v3 =	vshrl.u32 v3, $0x10  }
0x348: {  	s29 =	simm.s32 $0x60  }
0x349: {  	v5 =	vld [tilespmem:s29+$0x186A0]  }
0x34a: {  	v8 =	vld [tilespmem:s28+$0x1B8A0];
	v4 =	vmul.f32 v4, v7;
	v9 =	vand.u32 $0xFFFF, v1  }
0x34b: {  	v11 =	vld.idx.msk [tilespmem:v2+s4+$0x0], $0xffff  }
0x34c: {  	[tilespmem:v3+s20+$0x0] =	vst.idx.add.f32.msk $0xffff, v4  }
0x34d: {  	s30 =	simm.s32 $0x80;
	v3 =	vld [tilespmem:s26+$0x186B0]  }
0x34e: {  	v7 =	vld [tilespmem:s30+$0x186A0];
	v10 =	vand.u32 $0xFFFF, v5  }
0x34f: {  	v2 =	vld.idx.msk [tilespmem:v9+s4+$0x0], $0xffff;
	v9 =	vshrl.u32 v6, $0x10;
	_ =	sdelay $0x1  }
0x350: {  	v4 =	vld [tilespmem:s0+$0x1B8B0]  }
0x351: {  	s31 =	simm.s32 $0x280;
	v11 =	vmul.f32 v11, v8;
	v6 =	vld [tilespmem:s29+$0x1B8A0];
	v8 =	vand.u32 $0xFFFF, v3  }
.LBB2_45:
0x352: {  	p0 =	sne.s32 s31, $0x6380;
	v12 =	vld.idx.msk [tilespmem:v10+s4+$0x0], $0xffff;
	v13 =	vshrl.u32 v1, $0x10;
	v1 =	vmov v3;
	v14 =	vmov v7  }
0x353: {  	[tilespmem:v9+s20+$0x0] =	vst.idx.add.f32.msk $0xffff, v11  }
0x354: {  	s0 =	sshra.s32 s31, $0x2;
	v3 =	vld [tilespmem:s28+$0x186B0]  }
.Ltmp21:
0x355: {  	v10 =	vand.u32 $0xFFFF, v14;
	v7 =	vld [tilespmem:s0+$0x186A0];
	v4 =	vmul.f32 v2, v4;
	(pc) =	sbr.rel @p0 .LBB2_45-.Ltmp21, $4  }
0x356: {  	v9 =	vshrl.u32 v5, $0x10;
	v5 =	vmov v14;
	v2 =	vld.idx.msk [tilespmem:v8+s4+$0x0], $0xffff  }
0x357: {  	[tilespmem:v13+s20+$0x0] =	vst.idx.add.f32.msk $0xffff, v4  }
0x358: {  	v4 =	vld [tilespmem:s26+$0x1B8B0];
	s26 =	smov.u32 s28;
	s28 =	smov.u32 s29;
	s29 =	smov.u32 s30  }
0x359: {  	s31 =	sadd.s32 $0x80, s31;
	v11 =	vmul.f32 v12, v6;
	s30 =	smov.u32 s0;
	v6 =	vld [tilespmem:s29+$0x1B8A0];
	v8 =	vand.u32 $0xFFFF, v3  }
0x35a: {  	_ = 	snop  }
0x35b: {  	v12 =	vand.u32 $0xFFFF, v7;
	_ =	sdelay $0x2  }
0x35c: {  	v10 =	vld.idx.msk [tilespmem:v10+s4+$0x0], $0xffff  }
0x35d: {  	v13 =	vld [tilespmem:s30+$0x1B8A0]  }
0x35e: {  	v5 =	vshrl.u32 v5, $0x10;
	v12 =	vld.idx.msk [tilespmem:v12+s4+$0x0], $0xffff;
	_ =	sdelay $0x1  }
0x35f: {  	v7 =	vshrl.u32 v7, $0x10  }
0x360: {  	[tilespmem:v9+s20+$0x0] =	vst.idx.add.f32.msk $0xffff, v11;
	v6 =	vmul.f32 v10, v6  }
0x361: {  	v9 =	vld [tilespmem:s28+$0x186B0]  }
0x362: {  	[tilespmem:v5+s20+$0x0] =	vst.idx.add.f32.msk $0xffff, v6;
	v5 =	vmul.f32 v12, v13  }
0x363: {  	v6 =	vld [tilespmem:s29+$0x186B0]  }
0x364: {  	[tilespmem:v7+s20+$0x0] =	vst.idx.add.f32.msk $0xffff, v5  }
0x365: {  	v5 =	vld [tilespmem:s30+$0x186B0];
	_ =	sdelay $0x2  }
0x366: {  	v8 =	vld.idx.msk [tilespmem:v8+s4+$0x0], $0xffff;
	v7 =	vand.u32 $0xFFFF, v9  }
0x367: {  	v11 =	vld [tilespmem:s26+$0x1B8B0];
	v10 =	vand.u32 $0xFFFF, v6  }
0x368: {  	v63 =	vld [tilespmem:s28+$0x1B8B0];
	v62 =	vand.u32 $0xFFFF, v5  }
0x369: {  	v14 =	vld [tilespmem:s29+$0x1B8B0]  }
0x36a: {  	v15 =	vld [tilespmem:s30+$0x1B8B0]  }
0x36b: {  	v1 =	vshrl.u32 v1, $0x10;
	v7 =	vld.idx.msk [tilespmem:v7+s4+$0x0], $0xffff  }
0x36c: {  	v3 =	vshrl.u32 v3, $0x10;
	v10 =	vld.idx.msk [tilespmem:v10+s4+$0x0], $0xffff  }
0x36d: {  	v9 =	vshrl.u32 v9, $0x10;
	v12 =	vld.idx.msk [tilespmem:v62+s4+$0x0], $0xffff  }
0x36e: {  	v2 =	vmul.f32 v2, v4;
	v4 =	vshrl.u32 v6, $0x10  }
0x36f: {  	v6 =	vmul.f32 v8, v11;
	v5 =	vshrl.u32 v5, $0x10  }
0x370: {  	[tilespmem:v1+s20+$0x0] =	vst.idx.add.f32.msk $0xffff, v2;
	v1 =	vmul.f32 v7, v63  }
0x371: {  	p0 =	seq.s32 s24, $0x3F;
	[tilespmem:v3+s20+$0x0] =	vst.idx.add.f32.msk $0xffff, v6;
	v2 =	vmul.f32 v10, v14  }
0x372: {  	s0 =	sshrl.u32 @!p0 s25, $0x3;
	[tilespmem:v9+s20+$0x0] =	vst.idx.add.f32.msk $0xffff, v1;
	v1 =	vmul.f32 v12, v15  }
0x373: {  	s0 =	sadd.s32 @!p0 $0x640, s0;
	[tilespmem:v4+s20+$0x0] =	vst.idx.add.f32.msk $0xffff, v2  }
0x374: {  	s26 =	simm.s32 @!p0 $0x0;
	s28 =	simm.s32 @!p0 $0x186A0;
	s25 =	sadd.s32 @!p0 s2, s0;
	[tilespmem:v5+s20+$0x0] =	vst.idx.add.f32.msk $0xffff, v1  }
0x375: {  	[tilespmem:s28], [sflag:$0x1] =	stream.linear.gather @!p0 [hbm4b:s25+s26], $0x1900, $0x38;
	[tilespmem:$0x1EAA0] =	vst v63  }
0x376: {  	s0 =	sadd.s32 @!p0 s3, s0;
	s25 =	simm.s32 @!p0 $0x1B8A0  }
0x377: {  	[tilespmem:s25], [sflag:$0x1] =	stream.linear.gather @!p0 [hbm4b:s0+s26], $0x1900, $0x38;
	[tilespmem:$0x1EAA0] =	vst v63  }
0x378: {  	_ =	swait.ge [sflag:s21], $0x1900  }
0x379: {  	[sflag:s21] =	ssyncset.done $0x0  }
0x37a: {  	[sflag:s21] =	ssyncadd.s32 $0xFFFFE700  }
0x37b: {  	_ =	swait.ge [sflag:s21], $0x1900  }
0x37c: {  	[sflag:s21] =	ssyncset.done $0x0  }
0x37d: {  	s31 =	simm.s32 $0x0;
	[sflag:s21] =	ssyncadd.s32 $0xFFFFE700  }
0x37e: {  	v1 =	vld [tilespmem:s31+$0x19FA0];
	_ =	sdelay $0x4  }
0x37f: {  	s25 =	simm.s32 $0x20;
	v2 =	vand.u32 $0xFFFF, v1  }
0x380: {  	v3 =	vld [tilespmem:s25+$0x19FA0];
	_ =	sdelay $0x2  }
0x381: {  	v4 =	vld [tilespmem:s31+$0x1D1A0]  }
0x382: {  	v2 =	vld.idx.msk [tilespmem:v2+s4+$0x0], $0xffff  }
0x383: {  	v5 =	vand.u32 $0xFFFF, v3  }
0x384: {  	v1 =	vshrl.u32 v1, $0x10  }
0x385: {  	s26 =	simm.s32 $0x40  }
0x386: {  	v6 =	vld [tilespmem:s26+$0x19FA0]  }
0x387: {  	v7 =	vld [tilespmem:s25+$0x1D1A0];
	v2 =	vmul.f32 v2, v4  }
0x388: {  	v4 =	vld.idx.msk [tilespmem:v5+s4+$0x0], $0xffff  }
0x389: {  	[tilespmem:v1+s20+$0x0] =	vst.idx.add.f32.msk $0xffff, v2  }
0x38a: {  	v1 =	vld [tilespmem:s31+$0x19FB0]  }
0x38b: {  	v2 =	vand.u32 $0xFFFF, v6  }
0x38c: {  	v3 =	vshrl.u32 v3, $0x10  }
0x38d: {  	s28 =	simm.s32 $0x60  }
0x38e: {  	v5 =	vld [tilespmem:s28+$0x19FA0]  }
0x38f: {  	v8 =	vld [tilespmem:s26+$0x1D1A0];
	v4 =	vmul.f32 v4, v7;
	v9 =	vand.u32 $0xFFFF, v1  }
0x390: {  	v11 =	vld.idx.msk [tilespmem:v2+s4+$0x0], $0xffff  }
0x391: {  	[tilespmem:v3+s20+$0x0] =	vst.idx.add.f32.msk $0xffff, v4  }
0x392: {  	s29 =	simm.s32 $0x80;
	v3 =	vld [tilespmem:s25+$0x19FB0]  }
0x393: {  	v7 =	vld [tilespmem:s29+$0x19FA0];
	v10 =	vand.u32 $0xFFFF, v5  }
0x394: {  	v2 =	vld.idx.msk [tilespmem:v9+s4+$0x0], $0xffff;
	v9 =	vshrl.u32 v6, $0x10;
	_ =	sdelay $0x1  }
0x395: {  	v4 =	vld [tilespmem:s31+$0x1D1B0]  }
0x396: {  	s30 =	simm.s32 $0x280;
	v11 =	vmul.f32 v11, v8;
	v6 =	vld [tilespmem:s28+$0x1D1A0];
	v8 =	vand.u32 $0xFFFF, v3  }
.LBB2_47:
0x397: {  	p0 =	sne.s32 s30, $0x6380;
	v12 =	vld.idx.msk [tilespmem:v10+s4+$0x0], $0xffff;
	v13 =	vshrl.u32 v1, $0x10;
	v1 =	vmov v3;
	v14 =	vmov v7  }
0x398: {  	[tilespmem:v9+s20+$0x0] =	vst.idx.add.f32.msk $0xffff, v11  }
0x399: {  	s0 =	sshra.s32 s30, $0x2;
	v3 =	vld [tilespmem:s26+$0x19FB0]  }
.Ltmp22:
0x39a: {  	v10 =	vand.u32 $0xFFFF, v14;
	v7 =	vld [tilespmem:s0+$0x19FA0];
	v4 =	vmul.f32 v2, v4;
	(pc) =	sbr.rel @p0 .LBB2_47-.Ltmp22, $4  }
0x39b: {  	v9 =	vshrl.u32 v5, $0x10;
	v5 =	vmov v14;
	v2 =	vld.idx.msk [tilespmem:v8+s4+$0x0], $0xffff  }
0x39c: {  	[tilespmem:v13+s20+$0x0] =	vst.idx.add.f32.msk $0xffff, v4  }
0x39d: {  	v4 =	vld [tilespmem:s25+$0x1D1B0];
	s25 =	smov.u32 s26;
	s26 =	smov.u32 s28;
	s28 =	smov.u32 s29  }
0x39e: {  	s30 =	sadd.s32 $0x80, s30;
	v11 =	vmul.f32 v12, v6;
	s29 =	smov.u32 s0;
	v6 =	vld [tilespmem:s28+$0x1D1A0];
	v8 =	vand.u32 $0xFFFF, v3  }
0x39f: {  	_ = 	snop  }
0x3a0: {  	v12 =	vand.u32 $0xFFFF, v7;
	_ =	sdelay $0x2  }
0x3a1: {  	v10 =	vld.idx.msk [tilespmem:v10+s4+$0x0], $0xffff  }
0x3a2: {  	v13 =	vld [tilespmem:s29+$0x1D1A0]  }
0x3a3: {  	v5 =	vshrl.u32 v5, $0x10;
	v12 =	vld.idx.msk [tilespmem:v12+s4+$0x0], $0xffff;
	_ =	sdelay $0x1  }
0x3a4: {  	v55 =	vshrl.u32 v7, $0x10  }
0x3a5: {  	[tilespmem:v9+s20+$0x0] =	vst.idx.add.f32.msk $0xffff, v11;
	v6 =	vmul.f32 v10, v6  }
0x3a6: {  	v9 =	vld [tilespmem:s26+$0x19FB0]  }
0x3a7: {  	[tilespmem:v5+s20+$0x0] =	vst.idx.add.f32.msk $0xffff, v6;
	v56 =	vmul.f32 v12, v13  }
0x3a8: {  	v6 =	vld [tilespmem:s28+$0x19FB0]  }
0x3a9: {  	[tilespmem:v55+s20+$0x0] =	vst.idx.add.f32.msk $0xffff, v56  }
0x3aa: {  	v5 =	vld [tilespmem:s29+$0x19FB0];
	_ =	sdelay $0x1  }
0x3ab: {  	v57 =	vand.u32 $0xFFFF, v9  }
0x3ac: {  	v8 =	vld.idx.msk [tilespmem:v8+s4+$0x0], $0xffff  }
0x3ad: {  	v59 =	vld [tilespmem:s25+$0x1D1B0];
	v58 =	vand.u32 $0xFFFF, v6  }
0x3ae: {  	v61 =	vld [tilespmem:s26+$0x1D1B0];
	v60 =	vand.u32 $0xFFFF, v5  }
0x3af: {  	v14 =	vld [tilespmem:s28+$0x1D1B0]  }
0x3b0: {  	v7 =	vld.idx.msk [tilespmem:v57+s4+$0x0], $0xffff  }
0x3b1: {  	v1 =	vshrl.u32 v1, $0x10;
	v15 =	vld [tilespmem:s29+$0x1D1B0]  }
0x3b2: {  	v3 =	vshrl.u32 v3, $0x10;
	v10 =	vld.idx.msk [tilespmem:v58+s4+$0x0], $0xffff  }
0x3b3: {  	v9 =	vshrl.u32 v9, $0x10;
	v12 =	vld.idx.msk [tilespmem:v60+s4+$0x0], $0xffff  }
0x3b4: {  	s24 =	sadd.s32 $0x1, s24;
	v2 =	vmul.f32 v2, v4;
	v62 =	vshrl.u32 v6, $0x10  }
0x3b5: {  	p0 =	sne.s32 s24, $0x40;
	v63 =	vmul.f32 v8, v59;
	v5 =	vshrl.u32 v5, $0x10  }
.Ltmp23:
0x3b6: {  	[tilespmem:v1+s20+$0x0] =	vst.idx.add.f32.msk $0xffff, v2;
	v1 =	vmul.f32 v7, v61;
	(pc) =	sbr.rel @p0 .LBB2_44-.Ltmp23, $4  }
0x3b7: {  	[tilespmem:v3+s20+$0x0] =	vst.idx.add.f32.msk $0xffff, v63;
	v2 =	vmul.f32 v10, v14  }
0x3b8: {  	[tilespmem:v9+s20+$0x0] =	vst.idx.add.f32.msk $0xffff, v1;
	v1 =	vmul.f32 v12, v15  }
0x3b9: {  	[tilespmem:v62+s20+$0x0] =	vst.idx.add.f32.msk $0xffff, v2  }
0x3ba: {  	[tilespmem:v5+s20+$0x0] =	vst.idx.add.f32.msk $0xffff, v1  }
0x3bb: {  	s22 =	sadd.s32 $0x1, s22  }
0x3bc: {  	p0 =	sne.s32 s22, s13  }
.Ltmp24:
0x3bd: {  	_ = 	snop;
	(pc) =	sbr.rel @p0 .LBB2_1-.Ltmp24, $4  }
0x3be: {  	[hbm4b:s12+s4] =	stream.linear.scatter [tilespmem:s20], [sflag:$0x3], $0xC350, $0x38;
	[tilespmem:$0x1EAA0] =	vst v63  }
0x3bf: {  	_ =	swait.ge [sflag:s14], $0xC350  }
0x3c0: {  	[sflag:s14] =	ssyncset.done $0x0  }
0x3c1: {  	[sflag:s14] =	ssyncadd.s32 $0xFFFF3CB0  }
0x3c2: {  	_ =	sfence.sel $0x180000  }
0x3c3: {  	[bflag:$0x0] =	sbarrier.arrive $0xFFFF  }
0x3c4: {  	_ =	strace $0x90000047  }
0x3c5: {  	[bflag:$0x2] =	sbarrier.arrive $0xFFFF  }
0x3c6: {  	p0 =	sne.s32 s1, $0x0;
	s0 =	rddreg [dreg:$0x3]  }
0x3c7: {  	s0 =	sadd.s32 @!p0 $0x100000, s0  }
0x3c8: {  	[sflag:s0] =	ssyncadd.tile.s32 @!p0 $0x1;
	_ =	shalt  }
.Lfunc_end2:
_tile_overlayer_lowered:
.L_overlay_start_2:
0x3c9: {  	(tag) =	ssettag $0x2  }
0x3ca: {  	s0 =	rddreg [dreg:$0x0];
	s2 =	stileid.u32  }
0x3cb: {  	s1 =	rddreg [dreg:$0x1];
	p0 =	sne.s32 s2, $0x0  }
0x3cc: {  	s3 =	rddreg [dreg:$0x2];
	[bflag:$0x3] =	sbarrier.arrive $0xFFFF;
	s2 =	simm.s32 @!p0 $0x1C03  }
0x3cd: {  	[timem:s3], [sflag:s2] =	dma.local @!p0 [hbm:s0], s1  }
0x3ce: {  	s0 =	simm.s32 @!p0 $0x3  }
0x3cf: {  	_ =	swait.ge @!p0 [sflag:s0], s1  }
0x3d0: {  	s1 =	ssub.s32 @!p0 $0x0, s1;
	[sflag:s0] =	ssyncset.done @!p0 $0x0  }
0x3d1: {  	[sflag:s0] =	ssyncadd.s32 @!p0 s1  }
0x3d2: {  	[bflag:$0x3] =	sbarrier.arrive $0xFFFF  }
0x3d3: {  	_ =	shalt  }

</sc_bundles>
